<compile_context>
chip_gen: v7x
topology: tpu7x:2x2x1
jax: 0.10.2.dev20260603
libtpu: 0.0.44.dev20260713+nightly
codegen_flags: <defaults>
</compile_context>

<pallas_src>
import jax
import jax.numpy as jnp
from jax import lax
from jax.experimental import pallas as pl
from jax.experimental.pallas import tpu as pltpu
from jax.experimental.pallas import tpu_sc as plsc

N = 10000
E = 320000
D_IN = 128
D_H = 256

NC = 2
NS = 16
CHUNK = 80
EPT = E // NS
NITER = -(-EPT // CHUNK)
NITER += NITER % 2
EPT_P = NITER * CHUNK
E_PAD = NS * EPT_P
NPT = 624
NREM = N - NS * NPT
NACC = N + 8
EPW = E // (NC * NS)


def _seg_sum_call(xcat, src2, dst_p, dh, with_deg):
  mesh = plsc.VectorSubcoreMesh(core_axis_name="c", subcore_axis_name="s")

  agg_type = jax.ShapeDtypeStruct((NC, N, dh), jnp.float32)
  out_type = (agg_type, jax.ShapeDtypeStruct((NC, N, 16), jnp.float32)) \
      if with_deg else agg_type
  scratch = [
      pltpu.VMEM((CHUNK,), jnp.int32),
      pltpu.VMEM((CHUNK,), jnp.int32),
      pltpu.VMEM((CHUNK,), jnp.int32),
      pltpu.VMEM((CHUNK,), jnp.int32),
      pltpu.VMEM((CHUNK, dh), jnp.float32),
      pltpu.VMEM((CHUNK, dh), jnp.float32),
      pltpu.VMEM_SHARED((NACC, dh), jnp.float32),
      pltpu.SemaphoreType.DMA,
      pltpu.SemaphoreType.DMA,
      pltpu.SemaphoreType.DMA,
      pltpu.SemaphoreType.DMA,
      pltpu.SemaphoreType.DMA,
      pltpu.SemaphoreType.DMA,
      pltpu.SemaphoreType.DMA,
      pltpu.SemaphoreType.DMA,
  ]
  if with_deg:
    scratch.append(pltpu.VMEM((CHUNK, 16), jnp.float32))
    scratch.append(pltpu.VMEM_SHARED((NACC, 16), jnp.float32))
    scratch.append(pltpu.SemaphoreType.DMA)
    scratch.append(pltpu.SemaphoreType.DMA)

  def body(xcat_ref, src2_ref, dst_ref, *rest):
    if with_deg:
      (agg_ref, deg_ref, s0, s1, d0, d1, rows0, rows1, acc,
       gs0, gs1, ss0, ss1, is0, is1, id0, id1, ones16, dacc, ds0, ds1) = rest
    else:
      (agg_ref, s0, s1, d0, d1, rows0, rows1, acc,
       gs0, gs1, ss0, ss1, is0, is1, id0, id1) = rest
      ones16 = dacc = ds0 = ds1 = None
    c = lax.axis_index("c")
    s = lax.axis_index("s")
    base = s * NPT
    rows_b = (rows0, rows1)
    s_b = (s0, s1)
    d_b = (d0, d1)
    gs_b = (gs0, gs1)
    ss_b = (ss0, ss1)
    is_b = (is0, is1)
    id_b = (id0, id1)
    ds_b = (ds0, ds1)

    def sidx_start(i, b):
      pltpu.async_copy(
          src2_ref.at[pl.ds(c * E_PAD + s * EPT_P + i * CHUNK, CHUNK)],
          s_b[b], is_b[b])

    def sidx_wait(b):
      pltpu.make_async_copy(src2_ref.at[pl.ds(0, CHUNK)],
                            s_b[b], is_b[b]).wait()

    def didx_start(i, b):
      pltpu.async_copy(dst_ref.at[pl.ds(s * EPT_P + i * CHUNK, CHUNK)],
                       d_b[b], id_b[b])

    def didx_wait(b):
      pltpu.make_async_copy(dst_ref.at[pl.ds(0, CHUNK)],
                            d_b[b], id_b[b]).wait()

    def gather_start(b):
      pltpu.async_copy(xcat_ref.at[s_b[b]], rows_b[b], gs_b[b])

    def gather_wait(b):
      pltpu.make_async_copy(xcat_ref.at[s_b[b]], rows_b[b], gs_b[b]).wait()

    def scatter_start(b):
      pltpu.async_copy(rows_b[b], acc.at[d_b[b]], ss_b[b], add=True)

    def scatter_wait(b):
      pltpu.make_async_copy(rows_b[b], acc.at[d_b[b]], ss_b[b]).wait()

    def deg_cond(i):
      return jnp.logical_or(jnp.logical_and(c == 0, i < NITER // 2),
                            jnp.logical_and(c == 1, i >= NITER // 2))

    def deg_start(i, b):
      if with_deg:
        @pl.when(deg_cond(i))
        def _():
          pltpu.async_copy(ones16, dacc.at[d_b[b]], ds_b[b], add=True)

    def deg_wait(i, b):
      if with_deg:
        @pl.when(deg_cond(i))
        def _():
          pltpu.make_async_copy(ones16, dacc.at[d_b[b]], ds_b[b]).wait()

    def zrow(r, carry):
      for k in range(dh // 16):
        rows0[r, pl.ds(k * 16, 16)] = jnp.zeros((16,), jnp.float32)
      return carry
    lax.fori_loop(0, CHUNK, zrow, 0)
    nfull = NPT // CHUNK
    rem = NPT - nfull * CHUNK
    for j in range(nfull):
      pltpu.sync_copy(rows0, acc.at[pl.ds(base + j * CHUNK, CHUNK)])
    if rem:
      pltpu.sync_copy(rows0.at[pl.ds(0, rem)],
                      acc.at[pl.ds(base + nfull * CHUNK, rem)])

    @pl.when(s == 0)
    def _():
      pltpu.sync_copy(rows0.at[pl.ds(0, NREM)], acc.at[pl.ds(NS * NPT, NREM)])

    if with_deg:
      def zrow16(r, carry):
        ones16[r, pl.ds(0, 16)] = jnp.zeros((16,), jnp.float32)
        return carry
      lax.fori_loop(0, CHUNK, zrow16, 0)
      for j in range(nfull):
        pltpu.sync_copy(ones16, dacc.at[pl.ds(base + j * CHUNK, CHUNK)])
      if rem:
        pltpu.sync_copy(ones16.at[pl.ds(0, rem)],
                        dacc.at[pl.ds(base + nfull * CHUNK, rem)])

      @pl.when(s == 0)
      def _():
        pltpu.sync_copy(ones16.at[pl.ds(0, NREM)],
                        dacc.at[pl.ds(NS * NPT, NREM)])

      def orow16(r, carry):
        ones16[r, pl.ds(0, 16)] = jnp.ones((16,), jnp.float32)
        return carry
      lax.fori_loop(0, CHUNK, orow16, 0)

    plsc.subcore_barrier()

    sidx_start(0, 0)
    sidx_start(1, 1)
    didx_start(0, 0)
    didx_start(1, 1)
    sidx_wait(0)
    gather_start(0)

    def step(i2, carry):
      ie = 2 * i2
      io = 2 * i2 + 1
      last = NITER // 2 - 1

      @pl.when(i2 > 0)
      def _():
        scatter_wait(1)
        deg_wait(io - 2, 1)
        didx_start(io, 1)
      sidx_wait(1)
      gather_start(1)
      gather_wait(0)

      @pl.when(i2 < last)
      def _():
        sidx_start(ie + 2, 0)
      didx_wait(0)
      scatter_start(0)
      deg_start(ie, 0)

      scatter_wait(0)

      @pl.when(i2 < last)
      def _():
        deg_wait(ie, 0)
        didx_start(ie + 2, 0)
        sidx_wait(0)
        gather_start(0)
      gather_wait(1)

      @pl.when(i2 < last)
      def _():
        sidx_start(io + 2, 1)
      didx_wait(1)
      scatter_start(1)
      deg_start(io, 1)
      return carry

    lax.fori_loop(0, NITER // 2, step, 0)
    scatter_wait(1)
    deg_wait(NITER - 2, 0)
    deg_wait(NITER - 1, 1)

    plsc.subcore_barrier()

    pltpu.sync_copy(acc.at[pl.ds(base, NPT)],
                    agg_ref.at[c, pl.ds(base, NPT)])

    @pl.when(s == 0)
    def _():
      pltpu.sync_copy(acc.at[pl.ds(NS * NPT, NREM)],
                      agg_ref.at[c, pl.ds(NS * NPT, NREM)])

    if with_deg:
      pltpu.sync_copy(dacc.at[pl.ds(base, NPT)],
                      deg_ref.at[c, pl.ds(base, NPT)])

      @pl.when(s == 0)
      def _():
        pltpu.sync_copy(dacc.at[pl.ds(NS * NPT, NREM)],
                        deg_ref.at[c, pl.ds(NS * NPT, NREM)])

  f = pl.kernel(body, out_type=out_type, mesh=mesh,
                scratch_types=tuple(scratch),
                compiler_params=pltpu.CompilerParams(
                    use_tc_tiling_on_sc=False))
  return f(xcat, src2, dst_p)


def _readout_call(s_vec, src, dst):
  mesh = plsc.VectorSubcoreMesh(core_axis_name="c", subcore_axis_name="s")

  def body(s_ref, src_ref, dst_ref, out_ref, s_buf, i_s, i_d, o_buf, sem):
    c = lax.axis_index("c")
    s = lax.axis_index("s")
    w = s * NC + c
    base = w * EPW
    pltpu.sync_copy(s_ref, s_buf)
    pltpu.sync_copy(src_ref.at[pl.ds(base, EPW)], i_s)
    pltpu.sync_copy(dst_ref.at[pl.ds(base, EPW)], i_d)

    def step(j, carry):
      ia = i_s[pl.ds(j * 16, 16)]
      ib = i_d[pl.ds(j * 16, 16)]
      va = plsc.load_gather(s_buf, [ia])
      vb = plsc.load_gather(s_buf, [ib])
      o_buf[pl.ds(j * 16, 16)] = va + vb
      return carry

    lax.fori_loop(0, EPW // 16, step, 0)
    pltpu.sync_copy(o_buf, out_ref.at[pl.ds(base, EPW)])

  f = pl.kernel(body,
                out_type=jax.ShapeDtypeStruct((E,), jnp.float32),
                mesh=mesh,
                scratch_types=(
                    pltpu.VMEM((N,), jnp.float32),
                    pltpu.VMEM((EPW,), jnp.int32),
                    pltpu.VMEM((EPW,), jnp.int32),
                    pltpu.VMEM((EPW,), jnp.float32),
                    pltpu.SemaphoreType.DMA,
                ),
                compiler_params=pltpu.CompilerParams(
                    needs_layout_passes=False))
  return f(s_vec, src, dst)


BN = 400


def _tc1_body(agg_ref, deg_ref, emb_ref, wl_ref, wr_ref, bl_ref, br_ref,
              h_ref, inv_ref):
  deg = deg_ref[0][:, 0] + deg_ref[1][:, 0]
  inv = 1.0 / jnp.maximum(deg, 1.0)
  mean = jnp.concatenate([agg_ref[0], agg_ref[1]], axis=-1) * inv[:, None]
  h = (jnp.dot(mean, wl_ref[...], preferred_element_type=jnp.float32)
       + jnp.dot(emb_ref[...], wr_ref[...], preferred_element_type=jnp.float32)
       + (bl_ref[...] + br_ref[...])[None, :])
  h = jnp.maximum(h, 0.0)
  h_ref[0] = h[:, :128]
  h_ref[1] = h[:, 128:]
  inv_ref[pl.program_id(0)] = inv


def _tc2_body(agg_ref, inv_ref, h1_ref, wl_ref, wr_ref, bl_ref, br_ref,
              wc_ref, bc_ref, s_ref):
  inv = inv_ref[pl.program_id(0)]
  mean = jnp.concatenate([agg_ref[0], agg_ref[1]], axis=-1) * inv[:, None]
  h1 = jnp.concatenate([h1_ref[0], h1_ref[1]], axis=-1)
  h = (jnp.dot(mean, wl_ref[...], preferred_element_type=jnp.float32)
       + jnp.dot(h1, wr_ref[...], preferred_element_type=jnp.float32)
       + (bl_ref[...] + br_ref[...])[None, :])
  h = jnp.maximum(h, 0.0)
  s = jnp.sum(h * wc_ref[...][None, :], axis=1)
  s_ref[pl.program_id(0)] = s + bc_ref[0] * 0.5


def kernel(edge_index, num_nodes, emb_table, W1_l, b1_l, W1_r, b1_r,
           W2_l, b2_l, W2_r, b2_r, Wc, bc):
  src = edge_index[0]
  dst = edge_index[1]
  src_p = jnp.pad(src.reshape(NS, EPT),
                  ((0, 0), (0, EPT_P - EPT))).reshape(-1)
  pad_dst = jnp.broadcast_to(N + (jnp.arange(EPT_P - EPT, dtype=jnp.int32)
                                  % 8)[None, :], (NS, EPT_P - EPT))
  dst_p = jnp.concatenate([dst.reshape(NS, EPT), pad_dst], axis=1).reshape(-1)
  src2 = jnp.concatenate([src_p, src_p + N])

  x0 = lax.slice(emb_table, (0, 0), (N, D_IN))
  xcat1 = jnp.concatenate([x0[:, :64], x0[:, 64:]], axis=0)

  agg1, deg16 = _seg_sum_call(xcat1, src2, dst_p, D_IN // 2, True)

  grid = (N // BN,)
  h1, inv = pl.pallas_call(
      _tc1_body,
      grid=grid,
      in_specs=[
          pl.BlockSpec((NC, BN, 64), lambda i: (0, i, 0)),
          pl.BlockSpec((NC, BN, 16), lambda i: (0, i, 0)),
          pl.BlockSpec((BN, D_IN), lambda i: (i, 0)),
          pl.BlockSpec((D_IN, D_H), lambda i: (0, 0)),
          pl.BlockSpec((D_IN, D_H), lambda i: (0, 0)),
          pl.BlockSpec((D_H,), lambda i: (0,)),
          pl.BlockSpec((D_H,), lambda i: (0,)),
      ],
      out_specs=[
          pl.BlockSpec((NC, BN, 128), lambda i: (0, i, 0)),
          pl.BlockSpec((N // BN, BN), lambda i: (0, 0)),
      ],
      out_shape=[
          jax.ShapeDtypeStruct((NC, N, 128), jnp.float32),
          jax.ShapeDtypeStruct((N // BN, BN), jnp.float32),
      ],
  )(agg1, deg16, emb_table, W1_l, W1_r, b1_l, b1_r)

  xcat2 = jnp.reshape(h1, (NC * N, 128))
  agg2 = _seg_sum_call(xcat2, src2, dst_p, D_H // 2, False)

  s_vec = pl.pallas_call(
      _tc2_body,
      grid=grid,
      in_specs=[
          pl.BlockSpec((NC, BN, 128), lambda i: (0, i, 0)),
          pl.BlockSpec((N // BN, BN), lambda i: (0, 0)),
          pl.BlockSpec((NC, BN, 128), lambda i: (0, i, 0)),
          pl.BlockSpec((D_H, D_H), lambda i: (0, 0)),
          pl.BlockSpec((D_H, D_H), lambda i: (0, 0)),
          pl.BlockSpec((D_H,), lambda i: (0,)),
          pl.BlockSpec((D_H,), lambda i: (0,)),
          pl.BlockSpec((D_H,), lambda i: (0,)),
          pl.BlockSpec((1,), lambda i: (0,)),
      ],
      out_specs=pl.BlockSpec((N // BN, BN), lambda i: (0, 0)),
      out_shape=jax.ShapeDtypeStruct((N // BN, BN), jnp.float32),
  )(agg2, inv, h1, W2_l, W2_r, b2_l, b2_r, Wc[:, 0], bc)

  return _readout_call(jnp.reshape(s_vec, (N,)), src, dst)

# --- scband reference (transcript-rebuilt; emitter-appended) ---
"""Pipeline reference for scband-graph-sagebaseline-40072044872164 (READ-ONLY COPY).

The authoritative reference and input builder live on the scoring server;
editing this copy changes nothing except your own understanding.
"""

import jax, jax.numpy as jnp
import numpy as np

N_NODES = 10000
N_EDGES = 320000
NODE_IN = 128
HIDDEN = 256
VOCAB = 1000000


def sage_conv(x, src, dst, W_l, b_l, W_r, b_r, n):
    # PyG-style SAGEConv: lin_l(mean_{j in N(i)} x_j) + lin_r(x_i)
    agg = jax.ops.segment_sum(x[src], dst, num_segments=n)
    deg = jax.ops.segment_sum(jnp.ones((src.shape[0],), x.dtype), dst, num_segments=n)
    mean = agg / jnp.maximum(deg, 1.0)[:, None]
    return mean @ W_l + b_l + x @ W_r + b_r


def setup_inputs(seed: int = 0) -> dict:
    key = jax.random.key(seed)
    ks = jax.random.split(key, 12)
    edge_index = jax.random.randint(ks[0], (2, N_EDGES), 0, N_NODES, dtype=jnp.int32)
    emb_table = jax.random.normal(ks[1], (VOCAB, NODE_IN), dtype=jnp.float32) * 0.02
    W1_l = jax.random.normal(ks[2], (NODE_IN, HIDDEN), dtype=jnp.float32) * 0.05
    b1_l = jnp.zeros((HIDDEN,), dtype=jnp.float32)
    W1_r = jax.random.normal(ks[3], (NODE_IN, HIDDEN), dtype=jnp.float32) * 0.05
    b1_r = jnp.zeros((HIDDEN,), dtype=jnp.float32)
    W2_l = jax.random.normal(ks[4], (HIDDEN, HIDDEN), dtype=jnp.float32) * 0.05
    b2_l = jnp.zeros((HIDDEN,), dtype=jnp.float32)
    W2_r = jax.random.normal(ks[5], (HIDDEN, HIDDEN), dtype=jnp.float32) * 0.05
    b2_r = jnp.zeros((HIDDEN,), dtype=jnp.float32)
    Wc = jax.random.normal(ks[6], (HIDDEN, 1), dtype=jnp.float32) * 0.05
    bc = jnp.zeros((1,), dtype=jnp.float32)
    return {"edge_index": edge_index, "num_nodes": N_NODES, "emb_table": emb_table,
            "W1_l": W1_l, "b1_l": b1_l, "W1_r": W1_r, "b1_r": b1_r,
            "W2_l": W2_l, "b2_l": b2_l, "W2_r": W2_r, "b2_r": b2_r,
            "Wc": Wc, "bc": bc}


def reference(edge_index, num_nodes, emb_table, W1_l, b1_l, W1_r, b1_r, W2_l, b2_l, W2_r, b2_r, Wc, bc):
    src = edge_index[0]
    dst = edge_index[1]
    # x = node_emb(arange(num_nodes)) -> gather of first num_nodes rows
    node_ids = jnp.arange(N_NODES, dtype=jnp.int32) + jnp.asarray(num_nodes, dtype=jnp.int32) * 0
    x = jnp.take(emb_table, node_ids, axis=0)
    x = jax.nn.relu(sage_conv(x, src, dst, W1_l, b1_l, W1_r, b1_r, N_NODES))
    x = jax.nn.relu(sage_conv(x, src, dst, W2_l, b2_l, W2_r, b2_r, N_NODES))
    edge_embeddings = x[src] + x[dst]
    out = edge_embeddings @ Wc + bc
    return jnp.squeeze(out, axis=-1)

if __name__ == "__main__":
    import jax
    _d = setup_inputs()
    print(jax.jit(kernel)(*tuple(_d.values())))

</pallas_src>

<mosaic_0001>
#map = affine_map<(d0, d1) -> (0, 0)>
#map1 = affine_map<(d0, d1) -> (0)>
#map2 = affine_map<(d0, d1) -> (0, 0, 0)>
module attributes {stable_mosaic.version = 14 : i64} {
  func.func @body(%arg0: i32, %arg1: i32, %arg2: memref<20000x128xf32, #tpu.memory_space<hbm>>, %arg3: memref<640000xi32, #tpu.memory_space<hbm>>, %arg4: memref<320000xi32, #tpu.memory_space<hbm>>, %arg5: memref<2x10000x128xf32, #tpu.memory_space<hbm>>, %arg6: memref<80xi32, #tpu.memory_space<vmem>>, %arg7: memref<80xi32, #tpu.memory_space<vmem>>, %arg8: memref<80xi32, #tpu.memory_space<vmem>>, %arg9: memref<80xi32, #tpu.memory_space<vmem>>, %arg10: memref<80x128xf32, #tpu.memory_space<vmem>>, %arg11: memref<80x128xf32, #tpu.memory_space<vmem>>, %arg12: memref<10008x128xf32, #tpu.memory_space<vmem_shared>>, %arg13: memref<!tpu.dma_semaphore, #tpu.memory_space<semaphore_mem>>, %arg14: memref<!tpu.dma_semaphore, #tpu.memory_space<semaphore_mem>>, %arg15: memref<!tpu.dma_semaphore, #tpu.memory_space<semaphore_mem>>, %arg16: memref<!tpu.dma_semaphore, #tpu.memory_space<semaphore_mem>>, %arg17: memref<!tpu.dma_semaphore, #tpu.memory_space<semaphore_mem>>, %arg18: memref<!tpu.dma_semaphore, #tpu.memory_space<semaphore_mem>>, %arg19: memref<!tpu.dma_semaphore, #tpu.memory_space<semaphore_mem>>, %arg20: memref<!tpu.dma_semaphore, #tpu.memory_space<semaphore_mem>>) attributes {dimension_semantics = [#tpu.dimension_semantics<core_parallel>, #tpu.dimension_semantics<subcore_parallel>], iteration_bounds = array<i64: 2, 16>, scalar_prefetch = 0 : i64, scratch_operands = 15 : i64, tpu.core_type = #tpu.core_type<sc_vector_subcore>, window_params = [{transform_indices = #map}, {transform_indices = #map1}, {transform_indices = #map1}, {transform_indices = #map2}]} {
    %mul3A = arith.constant 624 : i32
    %mul3A_0 = arith.muli %arg1, %mul3A : i32
    %scan3A = arith.constant 0 : i32
    %scan3A_1 = arith.constant 0 : i32
    %scan3A_2 = arith.constant 80 : i32
    %scan3A_3 = arith.addi %scan3A_1, %scan3A_2 : i32
    %scan3A_4 = arith.constant 1 : i32
    scf.for %scan3A_73 = %scan3A_1 to %scan3A_3 step %scan3A_4  : i32 {
      %broadcast_in_dim3A = arith.constant 0.000000e+00 : f32
      %broadcast_in_dim3A_74 = vector.broadcast %broadcast_in_dim3A : f32 to vector<16xf32>
      %swap3A = arith.index_cast %scan3A_73 : i32 to index
      %swap3A_75 = arith.constant 0 : index
      %swap3A_76 = tpu.vector_load %arg10[%swap3A, %swap3A_75] {strides = array<i32>} : memref<80x128xf32, #tpu.memory_space<vmem>>, vector<1x16xf32>,
      %swap3A_77 = vector.shape_cast %swap3A_76 : vector<1x16xf32> to vector<16xf32>
      %swap3A_78 = vector.shape_cast %broadcast_in_dim3A_74 : vector<16xf32> to vector<1x16xf32>
      tpu.vector_store %arg10[%swap3A, %swap3A_75], %swap3A_78 {strides = array<i32>} : memref<80x128xf32, #tpu.memory_space<vmem>>, vector<1x16xf32>,
      %broadcast_in_dim3A_79 = arith.constant 0.000000e+00 : f32
      %broadcast_in_dim3A_80 = vector.broadcast %broadcast_in_dim3A_79 : f32 to vector<16xf32>
      %swap3A_81 = arith.index_cast %scan3A_73 : i32 to index
      %swap3A_82 = arith.constant 16 : index
      %swap3A_83 = tpu.vector_load %arg10[%swap3A_81, %swap3A_82] {strides = array<i32>} : memref<80x128xf32, #tpu.memory_space<vmem>>, vector<1x16xf32>,
      %swap3A_84 = vector.shape_cast %swap3A_83 : vector<1x16xf32> to vector<16xf32>
      %swap3A_85 = vector.shape_cast %broadcast_in_dim3A_80 : vector<16xf32> to vector<1x16xf32>
      tpu.vector_store %arg10[%swap3A_81, %swap3A_82], %swap3A_85 {strides = array<i32>} : memref<80x128xf32, #tpu.memory_space<vmem>>, vector<1x16xf32>,
      %broadcast_in_dim3A_86 = arith.constant 0.000000e+00 : f32
      %broadcast_in_dim3A_87 = vector.broadcast %broadcast_in_dim3A_86 : f32 to vector<16xf32>
      %swap3A_88 = arith.index_cast %scan3A_73 : i32 to index
      %swap3A_89 = arith.constant 32 : index
      %swap3A_90 = tpu.vector_load %arg10[%swap3A_88, %swap3A_89] {strides = array<i32>} : memref<80x128xf32, #tpu.memory_space<vmem>>, vector<1x16xf32>,
      %swap3A_91 = vector.shape_cast %swap3A_90 : vector<1x16xf32> to vector<16xf32>
      %swap3A_92 = vector.shape_cast %broadcast_in_dim3A_87 : vector<16xf32> to vector<1x16xf32>
      tpu.vector_store %arg10[%swap3A_88, %swap3A_89], %swap3A_92 {strides = array<i32>} : memref<80x128xf32, #tpu.memory_space<vmem>>, vector<1x16xf32>,
      %broadcast_in_dim3A_93 = arith.constant 0.000000e+00 : f32
      %broadcast_in_dim3A_94 = vector.broadcast %broadcast_in_dim3A_93 : f32 to vector<16xf32>
      %swap3A_95 = arith.index_cast %scan3A_73 : i32 to index
      %swap3A_96 = arith.constant 48 : index
      %swap3A_97 = tpu.vector_load %arg10[%swap3A_95, %swap3A_96] {strides = array<i32>} : memref<80x128xf32, #tpu.memory_space<vmem>>, vector<1x16xf32>,
      %swap3A_98 = vector.shape_cast %swap3A_97 : vector<1x16xf32> to vector<16xf32>
      %swap3A_99 = vector.shape_cast %broadcast_in_dim3A_94 : vector<16xf32> to vector<1x16xf32>
      tpu.vector_store %arg10[%swap3A_95, %swap3A_96], %swap3A_99 {strides = array<i32>} : memref<80x128xf32, #tpu.memory_space<vmem>>, vector<1x16xf32>,
      %broadcast_in_dim3A_100 = arith.constant 0.000000e+00 : f32
      %broadcast_in_dim3A_101 = vector.broadcast %broadcast_in_dim3A_100 : f32 to vector<16xf32>
      %swap3A_102 = arith.index_cast %scan3A_73 : i32 to index
      %swap3A_103 = arith.constant 64 : index
      %swap3A_104 = tpu.vector_load %arg10[%swap3A_102, %swap3A_103] {strides = array<i32>} : memref<80x128xf32, #tpu.memory_space<vmem>>, vector<1x16xf32>,
      %swap3A_105 = vector.shape_cast %swap3A_104 : vector<1x16xf32> to vector<16xf32>
      %swap3A_106 = vector.shape_cast %broadcast_in_dim3A_101 : vector<16xf32> to vector<1x16xf32>
      tpu.vector_store %arg10[%swap3A_102, %swap3A_103], %swap3A_106 {strides = array<i32>} : memref<80x128xf32, #tpu.memory_space<vmem>>, vector<1x16xf32>,
      %broadcast_in_dim3A_107 = arith.constant 0.000000e+00 : f32
      %broadcast_in_dim3A_108 = vector.broadcast %broadcast_in_dim3A_107 : f32 to vector<16xf32>
      %swap3A_109 = arith.index_cast %scan3A_73 : i32 to index
      %swap3A_110 = arith.constant 80 : index
      %swap3A_111 = tpu.vector_load %arg10[%swap3A_109, %swap3A_110] {strides = array<i32>} : memref<80x128xf32, #tpu.memory_space<vmem>>, vector<1x16xf32>,
      %swap3A_112 = vector.shape_cast %swap3A_111 : vector<1x16xf32> to vector<16xf32>
      %swap3A_113 = vector.shape_cast %broadcast_in_dim3A_108 : vector<16xf32> to vector<1x16xf32>
      tpu.vector_store %arg10[%swap3A_109, %swap3A_110], %swap3A_113 {strides = array<i32>} : memref<80x128xf32, #tpu.memory_space<vmem>>, vector<1x16xf32>,
      %broadcast_in_dim3A_114 = arith.constant 0.000000e+00 : f32
      %broadcast_in_dim3A_115 = vector.broadcast %broadcast_in_dim3A_114 : f32 to vector<16xf32>
      %swap3A_116 = arith.index_cast %scan3A_73 : i32 to index
      %swap3A_117 = arith.constant 96 : index
      %swap3A_118 = tpu.vector_load %arg10[%swap3A_116, %swap3A_117] {strides = array<i32>} : memref<80x128xf32, #tpu.memory_space<vmem>>, vector<1x16xf32>,
      %swap3A_119 = vector.shape_cast %swap3A_118 : vector<1x16xf32> to vector<16xf32>
      %swap3A_120 = vector.shape_cast %broadcast_in_dim3A_115 : vector<16xf32> to vector<1x16xf32>
      tpu.vector_store %arg10[%swap3A_116, %swap3A_117], %swap3A_120 {strides = array<i32>} : memref<80x128xf32, #tpu.memory_space<vmem>>, vector<1x16xf32>,
      %broadcast_in_dim3A_121 = arith.constant 0.000000e+00 : f32
      %broadcast_in_dim3A_122 = vector.broadcast %broadcast_in_dim3A_121 : f32 to vector<16xf32>
      %swap3A_123 = arith.index_cast %scan3A_73 : i32 to index
      %swap3A_124 = arith.constant 112 : index
      %swap3A_125 = tpu.vector_load %arg10[%swap3A_123, %swap3A_124] {strides = array<i32>} : memref<80x128xf32, #tpu.memory_space<vmem>>, vector<1x16xf32>,
      %swap3A_126 = vector.shape_cast %swap3A_125 : vector<1x16xf32> to vector<16xf32>
      %swap3A_127 = vector.shape_cast %broadcast_in_dim3A_122 : vector<16xf32> to vector<1x16xf32>
      tpu.vector_store %arg10[%swap3A_123, %swap3A_124], %swap3A_127 {strides = array<i32>} : memref<80x128xf32, #tpu.memory_space<vmem>>, vector<1x16xf32>,
    }
    %scan3A_5 = arith.constant 80 : i32
    %add3A = arith.constant 0 : i32
    %add3A_6 = arith.addi %mul3A_0, %add3A : i32
    "tpu.region"() ({
      %run_scoped3A = tpu.sem_alloc : memref<!tpu.dma_semaphore, #tpu.memory_space<semaphore_mem>>
      %dma_start3A_73 = arith.constant 0 : i32
      %dma_start3A_74 = tpu.memref_slice %arg12[%add3A_6, %dma_start3A_73] : memref<10008x128xf32, #tpu.memory_space<vmem_shared>> -> memref<80x128xf32, #tpu.memory_space<vmem_shared>>
      %dma_start3A_75 = arith.constant 0 : i32
      %dma_start3A_76 = tpu.memref_slice %arg12[%add3A_6, %dma_start3A_75] : memref<10008x128xf32, #tpu.memory_space<vmem_shared>> -> memref<80x128xf32, #tpu.memory_space<vmem_shared>>
      tpu.enqueue_dma source(%arg10 : memref<80x128xf32, #tpu.memory_space<vmem>>) target(%dma_start3A_76 : memref<80x128xf32, #tpu.memory_space<vmem_shared>>) target_semaphore(%run_scoped3A : memref<!tpu.dma_semaphore, #tpu.memory_space<semaphore_mem>>)
      %dma_wait3A_77 = arith.constant 0 : i32
      %dma_wait3A_78 = tpu.memref_slice %arg12[%add3A_6, %dma_wait3A_77] : memref<10008x128xf32, #tpu.memory_space<vmem_shared>> -> memref<80x128xf32, #tpu.memory_space<vmem_shared>>
      %dma_wait3A_79 = arith.constant 0 : i32
      %dma_wait3A_80 = tpu.memref_slice %arg12[%add3A_6, %dma_wait3A_79] : memref<10008x128xf32, #tpu.memory_space<vmem_shared>> -> memref<80x128xf32, #tpu.memory_space<vmem_shared>>
      tpu.wait_dma2 semaphore(%run_scoped3A : memref<!tpu.dma_semaphore, #tpu.memory_space<semaphore_mem>>) src(%arg10 : memref<80x128xf32, #tpu.memory_space<vmem>>) dst(%dma_wait3A_80 : memref<80x128xf32, #tpu.memory_space<vmem_shared>>)
      tpu.yield
    }) : () -> ()
    %add3A_7 = arith.constant 80 : i32
    %add3A_8 = arith.addi %mul3A_0, %add3A_7 : i32
    "tpu.region"() ({
      %run_scoped3A = tpu.sem_alloc : memref<!tpu.dma_semaphore, #tpu.memory_space<semaphore_mem>>
      %dma_start3A_73 = arith.constant 0 : i32
      %dma_start3A_74 = tpu.memref_slice %arg12[%add3A_8, %dma_start3A_73] : memref<10008x128xf32, #tpu.memory_space<vmem_shared>> -> memref<80x128xf32, #tpu.memory_space<vmem_shared>>
      %dma_start3A_75 = arith.constant 0 : i32
      %dma_start3A_76 = tpu.memref_slice %arg12[%add3A_8, %dma_start3A_75] : memref<10008x128xf32, #tpu.memory_space<vmem_shared>> -> memref<80x128xf32, #tpu.memory_space<vmem_shared>>
      tpu.enqueue_dma source(%arg10 : memref<80x128xf32, #tpu.memory_space<vmem>>) target(%dma_start3A_76 : memref<80x128xf32, #tpu.memory_space<vmem_shared>>) target_semaphore(%run_scoped3A : memref<!tpu.dma_semaphore, #tpu.memory_space<semaphore_mem>>)
      %dma_wait3A_77 = arith.constant 0 : i32
      %dma_wait3A_78 = tpu.memref_slice %arg12[%add3A_8, %dma_wait3A_77] : memref<10008x128xf32, #tpu.memory_space<vmem_shared>> -> memref<80x128xf32, #tpu.memory_space<vmem_shared>>
      %dma_wait3A_79 = arith.constant 0 : i32
      %dma_wait3A_80 = tpu.memref_slice %arg12[%add3A_8, %dma_wait3A_79] : memref<10008x128xf32, #tpu.memory_space<vmem_shared>> -> memref<80x128xf32, #tpu.memory_space<vmem_shared>>
      tpu.wait_dma2 semaphore(%run_scoped3A : memref<!tpu.dma_semaphore, #tpu.memory_space<semaphore_mem>>) src(%arg10 : memref<80x128xf32, #tpu.memory_space<vmem>>) dst(%dma_wait3A_80 : memref<80x128xf32, #tpu.memory_space<vmem_shared>>)
      tpu.yield
    }) : () -> ()
    %add3A_9 = arith.constant 160 : i32
    %add3A_10 = arith.addi %mul3A_0, %add3A_9 : i32
    "tpu.region"() ({
      %run_scoped3A = tpu.sem_alloc : memref<!tpu.dma_semaphore, #tpu.memory_space<semaphore_mem>>
      %dma_start3A_73 = arith.constant 0 : i32
      %dma_start3A_74 = tpu.memref_slice %arg12[%add3A_10, %dma_start3A_73] : memref<10008x128xf32, #tpu.memory_space<vmem_shared>> -> memref<80x128xf32, #tpu.memory_space<vmem_shared>>
      %dma_start3A_75 = arith.constant 0 : i32
      %dma_start3A_76 = tpu.memref_slice %arg12[%add3A_10, %dma_start3A_75] : memref<10008x128xf32, #tpu.memory_space<vmem_shared>> -> memref<80x128xf32, #tpu.memory_space<vmem_shared>>
      tpu.enqueue_dma source(%arg10 : memref<80x128xf32, #tpu.memory_space<vmem>>) target(%dma_start3A_76 : memref<80x128xf32, #tpu.memory_space<vmem_shared>>) target_semaphore(%run_scoped3A : memref<!tpu.dma_semaphore, #tpu.memory_space<semaphore_mem>>)
      %dma_wait3A_77 = arith.constant 0 : i32
      %dma_wait3A_78 = tpu.memref_slice %arg12[%add3A_10, %dma_wait3A_77] : memref<10008x128xf32, #tpu.memory_space<vmem_shared>> -> memref<80x128xf32, #tpu.memory_space<vmem_shared>>
      %dma_wait3A_79 = arith.constant 0 : i32
      %dma_wait3A_80 = tpu.memref_slice %arg12[%add3A_10, %dma_wait3A_79] : memref<10008x128xf32, #tpu.memory_space<vmem_shared>> -> memref<80x128xf32, #tpu.memory_space<vmem_shared>>
      tpu.wait_dma2 semaphore(%run_scoped3A : memref<!tpu.dma_semaphore, #tpu.memory_space<semaphore_mem>>) src(%arg10 : memref<80x128xf32, #tpu.memory_space<vmem>>) dst(%dma_wait3A_80 : memref<80x128xf32, #tpu.memory_space<vmem_shared>>)
      tpu.yield
    }) : () -> ()
    %add3A_11 = arith.constant 240 : i32
    %add3A_12 = arith.addi %mul3A_0, %add3A_11 : i32
    "tpu.region"() ({
      %run_scoped3A = tpu.sem_alloc : memref<!tpu.dma_semaphore, #tpu.memory_space<semaphore_mem>>
      %dma_start3A_73 = arith.constant 0 : i32
      %dma_start3A_74 = tpu.memref_slice %arg12[%add3A_12, %dma_start3A_73] : memref<10008x128xf32, #tpu.memory_space<vmem_shared>> -> memref<80x128xf32, #tpu.memory_space<vmem_shared>>
      %dma_start3A_75 = arith.constant 0 : i32
      %dma_start3A_76 = tpu.memref_slice %arg12[%add3A_12, %dma_start3A_75] : memref<10008x128xf32, #tpu.memory_space<vmem_shared>> -> memref<80x128xf32, #tpu.memory_space<vmem_shared>>
      tpu.enqueue_dma source(%arg10 : memref<80x128xf32, #tpu.memory_space<vmem>>) target(%dma_start3A_76 : memref<80x128xf32, #tpu.memory_space<vmem_shared>>) target_semaphore(%run_scoped3A : memref<!tpu.dma_semaphore, #tpu.memory_space<semaphore_mem>>)
      %dma_wait3A_77 = arith.constant 0 : i32
      %dma_wait3A_78 = tpu.memref_slice %arg12[%add3A_12, %dma_wait3A_77] : memref<10008x128xf32, #tpu.memory_space<vmem_shared>> -> memref<80x128xf32, #tpu.memory_space<vmem_shared>>
      %dma_wait3A_79 = arith.constant 0 : i32
      %dma_wait3A_80 = tpu.memref_slice %arg12[%add3A_12, %dma_wait3A_79] : memref<10008x128xf32, #tpu.memory_space<vmem_shared>> -> memref<80x128xf32, #tpu.memory_space<vmem_shared>>
      tpu.wait_dma2 semaphore(%run_scoped3A : memref<!tpu.dma_semaphore, #tpu.memory_space<semaphore_mem>>) src(%arg10 : memref<80x128xf32, #tpu.memory_space<vmem>>) dst(%dma_wait3A_80 : memref<80x128xf32, #tpu.memory_space<vmem_shared>>)
      tpu.yield
    }) : () -> ()
    %add3A_13 = arith.constant 320 : i32
    %add3A_14 = arith.addi %mul3A_0, %add3A_13 : i32
    "tpu.region"() ({
      %run_scoped3A = tpu.sem_alloc : memref<!tpu.dma_semaphore, #tpu.memory_space<semaphore_mem>>
      %dma_start3A_73 = arith.constant 0 : i32
      %dma_start3A_74 = tpu.memref_slice %arg12[%add3A_14, %dma_start3A_73] : memref<10008x128xf32, #tpu.memory_space<vmem_shared>> -> memref<80x128xf32, #tpu.memory_space<vmem_shared>>
      %dma_start3A_75 = arith.constant 0 : i32
      %dma_start3A_76 = tpu.memref_slice %arg12[%add3A_14, %dma_start3A_75] : memref<10008x128xf32, #tpu.memory_space<vmem_shared>> -> memref<80x128xf32, #tpu.memory_space<vmem_shared>>
      tpu.enqueue_dma source(%arg10 : memref<80x128xf32, #tpu.memory_space<vmem>>) target(%dma_start3A_76 : memref<80x128xf32, #tpu.memory_space<vmem_shared>>) target_semaphore(%run_scoped3A : memref<!tpu.dma_semaphore, #tpu.memory_space<semaphore_mem>>)
      %dma_wait3A_77 = arith.constant 0 : i32
      %dma_wait3A_78 = tpu.memref_slice %arg12[%add3A_14, %dma_wait3A_77] : memref<10008x128xf32, #tpu.memory_space<vmem_shared>> -> memref<80x128xf32, #tpu.memory_space<vmem_shared>>
      %dma_wait3A_79 = arith.constant 0 : i32
      %dma_wait3A_80 = tpu.memref_slice %arg12[%add3A_14, %dma_wait3A_79] : memref<10008x128xf32, #tpu.memory_space<vmem_shared>> -> memref<80x128xf32, #tpu.memory_space<vmem_shared>>
      tpu.wait_dma2 semaphore(%run_scoped3A : memref<!tpu.dma_semaphore, #tpu.memory_space<semaphore_mem>>) src(%arg10 : memref<80x128xf32, #tpu.memory_space<vmem>>) dst(%dma_wait3A_80 : memref<80x128xf32, #tpu.memory_space<vmem_shared>>)
      tpu.yield
    }) : () -> ()
    %add3A_15 = arith.constant 400 : i32
    %add3A_16 = arith.addi %mul3A_0, %add3A_15 : i32
    "tpu.region"() ({
      %run_scoped3A = tpu.sem_alloc : memref<!tpu.dma_semaphore, #tpu.memory_space<semaphore_mem>>
      %dma_start3A_73 = arith.constant 0 : i32
      %dma_start3A_74 = tpu.memref_slice %arg12[%add3A_16, %dma_start3A_73] : memref<10008x128xf32, #tpu.memory_space<vmem_shared>> -> memref<80x128xf32, #tpu.memory_space<vmem_shared>>
      %dma_start3A_75 = arith.constant 0 : i32
      %dma_start3A_76 = tpu.memref_slice %arg12[%add3A_16, %dma_start3A_75] : memref<10008x128xf32, #tpu.memory_space<vmem_shared>> -> memref<80x128xf32, #tpu.memory_space<vmem_shared>>
      tpu.enqueue_dma source(%arg10 : memref<80x128xf32, #tpu.memory_space<vmem>>) target(%dma_start3A_76 : memref<80x128xf32, #tpu.memory_space<vmem_shared>>) target_semaphore(%run_scoped3A : memref<!tpu.dma_semaphore, #tpu.memory_space<semaphore_mem>>)
      %dma_wait3A_77 = arith.constant 0 : i32
      %dma_wait3A_78 = tpu.memref_slice %arg12[%add3A_16, %dma_wait3A_77] : memref<10008x128xf32, #tpu.memory_space<vmem_shared>> -> memref<80x128xf32, #tpu.memory_space<vmem_shared>>
      %dma_wait3A_79 = arith.constant 0 : i32
      %dma_wait3A_80 = tpu.memref_slice %arg12[%add3A_16, %dma_wait3A_79] : memref<10008x128xf32, #tpu.memory_space<vmem_shared>> -> memref<80x128xf32, #tpu.memory_space<vmem_shared>>
      tpu.wait_dma2 semaphore(%run_scoped3A : memref<!tpu.dma_semaphore, #tpu.memory_space<semaphore_mem>>) src(%arg10 : memref<80x128xf32, #tpu.memory_space<vmem>>) dst(%dma_wait3A_80 : memref<80x128xf32, #tpu.memory_space<vmem_shared>>)
      tpu.yield
    }) : () -> ()
    %add3A_17 = arith.constant 480 : i32
    %add3A_18 = arith.addi %mul3A_0, %add3A_17 : i32
    "tpu.region"() ({
      %run_scoped3A = tpu.sem_alloc : memref<!tpu.dma_semaphore, #tpu.memory_space<semaphore_mem>>
      %dma_start3A_73 = arith.constant 0 : i32
      %dma_start3A_74 = tpu.memref_slice %arg12[%add3A_18, %dma_start3A_73] : memref<10008x128xf32, #tpu.memory_space<vmem_shared>> -> memref<80x128xf32, #tpu.memory_space<vmem_shared>>
      %dma_start3A_75 = arith.constant 0 : i32
      %dma_start3A_76 = tpu.memref_slice %arg12[%add3A_18, %dma_start3A_75] : memref<10008x128xf32, #tpu.memory_space<vmem_shared>> -> memref<80x128xf32, #tpu.memory_space<vmem_shared>>
      tpu.enqueue_dma source(%arg10 : memref<80x128xf32, #tpu.memory_space<vmem>>) target(%dma_start3A_76 : memref<80x128xf32, #tpu.memory_space<vmem_shared>>) target_semaphore(%run_scoped3A : memref<!tpu.dma_semaphore, #tpu.memory_space<semaphore_mem>>)
      %dma_wait3A_77 = arith.constant 0 : i32
      %dma_wait3A_78 = tpu.memref_slice %arg12[%add3A_18, %dma_wait3A_77] : memref<10008x128xf32, #tpu.memory_space<vmem_shared>> -> memref<80x128xf32, #tpu.memory_space<vmem_shared>>
      %dma_wait3A_79 = arith.constant 0 : i32
      %dma_wait3A_80 = tpu.memref_slice %arg12[%add3A_18, %dma_wait3A_79] : memref<10008x128xf32, #tpu.memory_space<vmem_shared>> -> memref<80x128xf32, #tpu.memory_space<vmem_shared>>
      tpu.wait_dma2 semaphore(%run_scoped3A : memref<!tpu.dma_semaphore, #tpu.memory_space<semaphore_mem>>) src(%arg10 : memref<80x128xf32, #tpu.memory_space<vmem>>) dst(%dma_wait3A_80 : memref<80x128xf32, #tpu.memory_space<vmem_shared>>)
      tpu.yield
    }) : () -> ()
    %add3A_19 = arith.constant 560 : i32
    %add3A_20 = arith.addi %mul3A_0, %add3A_19 : i32
    "tpu.region"() ({
      %run_scoped3A = tpu.sem_alloc : memref<!tpu.dma_semaphore, #tpu.memory_space<semaphore_mem>>
      %dma_start3A_73 = arith.constant 0 : i32
      %dma_start3A_74 = arith.constant 0 : i32
      %dma_start3A_75 = tpu.memref_slice %arg10[%dma_start3A_73, %dma_start3A_74] : memref<80x128xf32, #tpu.memory_space<vmem>> -> memref<64x128xf32, #tpu.memory_space<vmem>>
      %dma_start3A_76 = arith.constant 0 : i32
      %dma_start3A_77 = tpu.memref_slice %arg12[%add3A_20, %dma_start3A_76] : memref<10008x128xf32, #tpu.memory_space<vmem_shared>> -> memref<64x128xf32, #tpu.memory_space<vmem_shared>>
      %dma_start3A_78 = arith.constant 0 : i32
      %dma_start3A_79 = tpu.memref_slice %arg12[%add3A_20, %dma_start3A_78] : memref<10008x128xf32, #tpu.memory_space<vmem_shared>> -> memref<64x128xf32, #tpu.memory_space<vmem_shared>>
      %dma_start3A_80 = arith.constant 0 : i32
      %dma_start3A_81 = arith.constant 0 : i32
      %dma_start3A_82 = tpu.memref_slice %arg10[%dma_start3A_80, %dma_start3A_81] : memref<80x128xf32, #tpu.memory_space<vmem>> -> memref<64x128xf32, #tpu.memory_space<vmem>>
      tpu.enqueue_dma source(%dma_start3A_82 : memref<64x128xf32, #tpu.memory_space<vmem>>) target(%dma_start3A_79 : memref<64x128xf32, #tpu.memory_space<vmem_shared>>) target_semaphore(%run_scoped3A : memref<!tpu.dma_semaphore, #tpu.memory_space<semaphore_mem>>)
      %dma_wait3A_83 = arith.constant 0 : i32
      %dma_wait3A_84 = arith.constant 0 : i32
      %dma_wait3A_85 = tpu.memref_slice %arg10[%dma_wait3A_83, %dma_wait3A_84] : memref<80x128xf32, #tpu.memory_space<vmem>> -> memref<64x128xf32, #tpu.memory_space<vmem>>
      %dma_wait3A_86 = arith.constant 0 : i32
      %dma_wait3A_87 = tpu.memref_slice %arg12[%add3A_20, %dma_wait3A_86] : memref<10008x128xf32, #tpu.memory_space<vmem_shared>> -> memref<64x128xf32, #tpu.memory_space<vmem_shared>>
      %dma_wait3A_88 = arith.constant 0 : i32
      %dma_wait3A_89 = tpu.memref_slice %arg12[%add3A_20, %dma_wait3A_88] : memref<10008x128xf32, #tpu.memory_space<vmem_shared>> -> memref<64x128xf32, #tpu.memory_space<vmem_shared>>
      %dma_wait3A_90 = arith.constant 0 : i32
      %dma_wait3A_91 = arith.constant 0 : i32
      %dma_wait3A_92 = tpu.memref_slice %arg10[%dma_wait3A_90, %dma_wait3A_91] : memref<80x128xf32, #tpu.memory_space<vmem>> -> memref<64x128xf32, #tpu.memory_space<vmem>>
      tpu.wait_dma2 semaphore(%run_scoped3A : memref<!tpu.dma_semaphore, #tpu.memory_space<semaphore_mem>>) src(%dma_wait3A_92 : memref<64x128xf32, #tpu.memory_space<vmem>>) dst(%dma_wait3A_89 : memref<64x128xf32, #tpu.memory_space<vmem_shared>>)
      tpu.yield
    }) : () -> ()
    %eq3A = arith.constant 0 : i32
    %eq3A_21 = arith.cmpi eq, %arg1, %eq3A : i32
    %convert_element_type3A = arith.extui %eq3A_21 : i1 to i32
    %cond3A = arith.constant 0 : i32
    %cond3A_22 = arith.cmpi ne, %convert_element_type3A, %cond3A : i32
    scf.if %cond3A_22 {
      "tpu.region"() ({
        %run_scoped3A = tpu.sem_alloc : memref<!tpu.dma_semaphore, #tpu.memory_space<semaphore_mem>>
        %dma_start3A_73 = arith.constant 0 : i32
        %dma_start3A_74 = arith.constant 0 : i32
        %dma_start3A_75 = tpu.memref_slice %arg10[%dma_start3A_73, %dma_start3A_74] : memref<80x128xf32, #tpu.memory_space<vmem>> -> memref<16x128xf32, #tpu.memory_space<vmem>>
        %dma_start3A_76 = arith.constant 9984 : i32
        %dma_start3A_77 = arith.constant 0 : i32
        %dma_start3A_78 = tpu.memref_slice %arg12[%dma_start3A_76, %dma_start3A_77] : memref<10008x128xf32, #tpu.memory_space<vmem_shared>> -> memref<16x128xf32, #tpu.memory_space<vmem_shared>>
        %dma_start3A_79 = arith.constant 9984 : i32
        %dma_start3A_80 = arith.constant 0 : i32
        %dma_start3A_81 = tpu.memref_slice %arg12[%dma_start3A_79, %dma_start3A_80] : memref<10008x128xf32, #tpu.memory_space<vmem_shared>> -> memref<16x128xf32, #tpu.memory_space<vmem_shared>>
        %dma_start3A_82 = arith.constant 0 : i32
        %dma_start3A_83 = arith.constant 0 : i32
        %dma_start3A_84 = tpu.memref_slice %arg10[%dma_start3A_82, %dma_start3A_83] : memref<80x128xf32, #tpu.memory_space<vmem>> -> memref<16x128xf32, #tpu.memory_space<vmem>>
        tpu.enqueue_dma source(%dma_start3A_84 : memref<16x128xf32, #tpu.memory_space<vmem>>) target(%dma_start3A_81 : memref<16x128xf32, #tpu.memory_space<vmem_shared>>) target_semaphore(%run_scoped3A : memref<!tpu.dma_semaphore, #tpu.memory_space<semaphore_mem>>)
        %dma_wait3A_85 = arith.constant 0 : i32
        %dma_wait3A_86 = arith.constant 0 : i32
        %dma_wait3A_87 = tpu.memref_slice %arg10[%dma_wait3A_85, %dma_wait3A_86] : memref<80x128xf32, #tpu.memory_space<vmem>> -> memref<16x128xf32, #tpu.memory_space<vmem>>
        %dma_wait3A_88 = arith.constant 9984 : i32
        %dma_wait3A_89 = arith.constant 0 : i32
        %dma_wait3A_90 = tpu.memref_slice %arg12[%dma_wait3A_88, %dma_wait3A_89] : memref<10008x128xf32, #tpu.memory_space<vmem_shared>> -> memref<16x128xf32, #tpu.memory_space<vmem_shared>>
        %dma_wait3A_91 = arith.constant 9984 : i32
        %dma_wait3A_92 = arith.constant 0 : i32
        %dma_wait3A_93 = tpu.memref_slice %arg12[%dma_wait3A_91, %dma_wait3A_92] : memref<10008x128xf32, #tpu.memory_space<vmem_shared>> -> memref<16x128xf32, #tpu.memory_space<vmem_shared>>
        %dma_wait3A_94 = arith.constant 0 : i32
        %dma_wait3A_95 = arith.constant 0 : i32
        %dma_wait3A_96 = tpu.memref_slice %arg10[%dma_wait3A_94, %dma_wait3A_95] : memref<80x128xf32, #tpu.memory_space<vmem>> -> memref<16x128xf32, #tpu.memory_space<vmem>>
        tpu.wait_dma2 semaphore(%run_scoped3A : memref<!tpu.dma_semaphore, #tpu.memory_space<semaphore_mem>>) src(%dma_wait3A_96 : memref<16x128xf32, #tpu.memory_space<vmem>>) dst(%dma_wait3A_93 : memref<16x128xf32, #tpu.memory_space<vmem_shared>>)
        tpu.yield
      }) : () -> ()
    } else {
    }
    %barrier3A = arith.constant 0 : index
    tpu.barrier barrier_id(%barrier3A)
    %mul3A_23 = arith.constant 320000 : i32
    %mul3A_24 = arith.muli %arg0, %mul3A_23 : i32
    %mul3A_25 = arith.constant 20000 : i32
    %mul3A_26 = arith.muli %arg1, %mul3A_25 : i32
    %add3A_27 = arith.addi %mul3A_24, %mul3A_26 : i32
    %add3A_28 = arith.constant 0 : i32
    %add3A_29 = arith.addi %add3A_27, %add3A_28 : i32
    %dma_start3A = tpu.memref_slice %arg3[%add3A_29] : memref<640000xi32, #tpu.memory_space<hbm>> -> memref<80xi32, #tpu.memory_space<hbm>>
    %dma_start3A_30 = tpu.memref_slice %arg3[%add3A_29] : memref<640000xi32, #tpu.memory_space<hbm>> -> memref<80xi32, #tpu.memory_space<hbm>>
    tpu.enqueue_dma source(%dma_start3A_30 : memref<80xi32, #tpu.memory_space<hbm>>) target(%arg6 : memref<80xi32, #tpu.memory_space<vmem>>) target_semaphore(%arg17 : memref<!tpu.dma_semaphore, #tpu.memory_space<semaphore_mem>>)
    %mul3A_31 = arith.constant 320000 : i32
    %mul3A_32 = arith.muli %arg0, %mul3A_31 : i32
    %mul3A_33 = arith.constant 20000 : i32
    %mul3A_34 = arith.muli %arg1, %mul3A_33 : i32
    %add3A_35 = arith.addi %mul3A_32, %mul3A_34 : i32
    %add3A_36 = arith.constant 80 : i32
    %add3A_37 = arith.addi %add3A_35, %add3A_36 : i32
    %dma_start3A_38 = tpu.memref_slice %arg3[%add3A_37] : memref<640000xi32, #tpu.memory_space<hbm>> -> memref<80xi32, #tpu.memory_space<hbm>>
    %dma_start3A_39 = tpu.memref_slice %arg3[%add3A_37] : memref<640000xi32, #tpu.memory_space<hbm>> -> memref<80xi32, #tpu.memory_space<hbm>>
    tpu.enqueue_dma source(%dma_start3A_39 : memref<80xi32, #tpu.memory_space<hbm>>) target(%arg7 : memref<80xi32, #tpu.memory_space<vmem>>) target_semaphore(%arg18 : memref<!tpu.dma_semaphore, #tpu.memory_space<semaphore_mem>>)
    %mul3A_40 = arith.constant 20000 : i32
    %mul3A_41 = arith.muli %arg1, %mul3A_40 : i32
    %add3A_42 = arith.constant 0 : i32
    %add3A_43 = arith.addi %mul3A_41, %add3A_42 : i32
    %dma_start3A_44 = tpu.memref_slice %arg4[%add3A_43] : memref<320000xi32, #tpu.memory_space<hbm>> -> memref<80xi32, #tpu.memory_space<hbm>>
    %dma_start3A_45 = tpu.memref_slice %arg4[%add3A_43] : memref<320000xi32, #tpu.memory_space<hbm>> -> memref<80xi32, #tpu.memory_space<hbm>>
    tpu.enqueue_dma source(%dma_start3A_45 : memref<80xi32, #tpu.memory_space<hbm>>) target(%arg8 : memref<80xi32, #tpu.memory_space<vmem>>) target_semaphore(%arg19 : memref<!tpu.dma_semaphore, #tpu.memory_space<semaphore_mem>>)
    %mul3A_46 = arith.constant 20000 : i32
    %mul3A_47 = arith.muli %arg1, %mul3A_46 : i32
    %add3A_48 = arith.constant 80 : i32
    %add3A_49 = arith.addi %mul3A_47, %add3A_48 : i32
    %dma_start3A_50 = tpu.memref_slice %arg4[%add3A_49] : memref<320000xi32, #tpu.memory_space<hbm>> -> memref<80xi32, #tpu.memory_space<hbm>>
    %dma_start3A_51 = tpu.memref_slice %arg4[%add3A_49] : memref<320000xi32, #tpu.memory_space<hbm>> -> memref<80xi32, #tpu.memory_space<hbm>>
    tpu.enqueue_dma source(%dma_start3A_51 : memref<80xi32, #tpu.memory_space<hbm>>) target(%arg9 : memref<80xi32, #tpu.memory_space<vmem>>) target_semaphore(%arg20 : memref<!tpu.dma_semaphore, #tpu.memory_space<semaphore_mem>>)
    %dma_wait3A = arith.constant 0 : i32
    %dma_wait3A_52 = tpu.memref_slice %arg3[%dma_wait3A] : memref<640000xi32, #tpu.memory_space<hbm>> -> memref<80xi32, #tpu.memory_space<hbm>>
    %dma_wait3A_53 = arith.constant 0 : i32
    %dma_wait3A_54 = tpu.memref_slice %arg3[%dma_wait3A_53] : memref<640000xi32, #tpu.memory_space<hbm>> -> memref<80xi32, #tpu.memory_space<hbm>>
    tpu.wait_dma2 semaphore(%arg17 : memref<!tpu.dma_semaphore, #tpu.memory_space<semaphore_mem>>) src(%dma_wait3A_54 : memref<80xi32, #tpu.memory_space<hbm>>) dst(%arg6 : memref<80xi32, #tpu.memory_space<vmem>>)
    %dma_start3A_55 = arith.constant 0 : i32
    %dma_start3A_56 = arith.constant 0 : i32
    %dma_start3A_57 = tpu.memref_slice %arg2[%dma_start3A_55, %dma_start3A_56] : memref<20000x128xf32, #tpu.memory_space<hbm>> -> memref<20000x128xf32, #tpu.memory_space<hbm>>
    tpu.enqueue_indirect_dma source(%dma_start3A_57 : memref<20000x128xf32, #tpu.memory_space<hbm>>) target(%arg10 : memref<80x128xf32, #tpu.memory_space<vmem>>) offsets(%arg6 : memref<80xi32, #tpu.memory_space<vmem>>) semaphore(%arg13 : memref<!tpu.dma_semaphore, #tpu.memory_space<semaphore_mem>>)
    %scan3A_58 = arith.constant 0 : i32
    %scan3A_59 = arith.constant 0 : i32
    %scan3A_60 = arith.constant 125 : i32
    %scan3A_61 = arith.addi %scan3A_59, %scan3A_60 : i32
    %scan3A_62 = arith.constant 1 : i32
    scf.for %scan3A_73 = %scan3A_59 to %scan3A_61 step %scan3A_62  : i32 {
      %mul3A_74 = arith.constant 2 : i32
      %mul3A_75 = arith.muli %mul3A_74, %scan3A_73 : i32
      %mul3A_76 = arith.constant 2 : i32
      %mul3A_77 = arith.muli %mul3A_76, %scan3A_73 : i32
      %add3A_78 = arith.constant 1 : i32
      %add3A_79 = arith.addi %mul3A_77, %add3A_78 : i32
      %gt3A = arith.constant 0 : i32
      %gt3A_80 = arith.cmpi sgt, %scan3A_73, %gt3A : i32
      %convert_element_type3A_81 = arith.extui %gt3A_80 : i1 to i32
      %cond3A_82 = arith.constant 0 : i32
      %cond3A_83 = arith.cmpi ne, %convert_element_type3A_81, %cond3A_82 : i32
      scf.if %cond3A_83 {
        %dma_wait3A_128 = arith.constant 0 : i32
        %dma_wait3A_129 = arith.constant 0 : i32
        %dma_wait3A_130 = tpu.memref_slice %arg12[%dma_wait3A_128, %dma_wait3A_129] : memref<10008x128xf32, #tpu.memory_space<vmem_shared>> -> memref<10008x128xf32, #tpu.memory_space<vmem_shared>>
        tpu.wait_indirect_dma semaphore(%arg16 : memref<!tpu.dma_semaphore, #tpu.memory_space<semaphore_mem>>) src(%arg11 : memref<80x128xf32, #tpu.memory_space<vmem>>) dst(%dma_wait3A_130 : memref<10008x128xf32, #tpu.memory_space<vmem_shared>>)
        %sub3A = arith.constant 2 : i32
        %sub3A_131 = arith.subi %add3A_79, %sub3A : i32
        %mul3A_132 = arith.constant 20000 : i32
        %mul3A_133 = arith.muli %arg1, %mul3A_132 : i32
        %mul3A_134 = arith.constant 80 : i32
        %mul3A_135 = arith.muli %add3A_79, %mul3A_134 : i32
        %add3A_136 = arith.addi %mul3A_133, %mul3A_135 : i32
        %dma_start3A_137 = tpu.memref_slice %arg4[%add3A_136] : memref<320000xi32, #tpu.memory_space<hbm>> -> memref<80xi32, #tpu.memory_space<hbm>>
        %dma_start3A_138 = tpu.memref_slice %arg4[%add3A_136] : memref<320000xi32, #tpu.memory_space<hbm>> -> memref<80xi32, #tpu.memory_space<hbm>>
        tpu.enqueue_dma source(%dma_start3A_138 : memref<80xi32, #tpu.memory_space<hbm>>) target(%arg9 : memref<80xi32, #tpu.memory_space<vmem>>) target_semaphore(%arg20 : memref<!tpu.dma_semaphore, #tpu.memory_space<semaphore_mem>>)
      } else {
      }
      %dma_wait3A_84 = arith.constant 0 : i32
      %dma_wait3A_85 = tpu.memref_slice %arg3[%dma_wait3A_84] : memref<640000xi32, #tpu.memory_space<hbm>> -> memref<80xi32, #tpu.memory_space<hbm>>
      %dma_wait3A_86 = arith.constant 0 : i32
      %dma_wait3A_87 = tpu.memref_slice %arg3[%dma_wait3A_86] : memref<640000xi32, #tpu.memory_space<hbm>> -> memref<80xi32, #tpu.memory_space<hbm>>
      tpu.wait_dma2 semaphore(%arg18 : memref<!tpu.dma_semaphore, #tpu.memory_space<semaphore_mem>>) src(%dma_wait3A_87 : memref<80xi32, #tpu.memory_space<hbm>>) dst(%arg7 : memref<80xi32, #tpu.memory_space<vmem>>)
      %dma_start3A_88 = arith.constant 0 : i32
      %dma_start3A_89 = arith.constant 0 : i32
      %dma_start3A_90 = tpu.memref_slice %arg2[%dma_start3A_88, %dma_start3A_89] : memref<20000x128xf32, #tpu.memory_space<hbm>> -> memref<20000x128xf32, #tpu.memory_space<hbm>>
      tpu.enqueue_indirect_dma source(%dma_start3A_90 : memref<20000x128xf32, #tpu.memory_space<hbm>>) target(%arg11 : memref<80x128xf32, #tpu.memory_space<vmem>>) offsets(%arg7 : memref<80xi32, #tpu.memory_space<vmem>>) semaphore(%arg14 : memref<!tpu.dma_semaphore, #tpu.memory_space<semaphore_mem>>)
      %dma_wait3A_91 = arith.constant 0 : i32
      %dma_wait3A_92 = arith.constant 0 : i32
      %dma_wait3A_93 = tpu.memref_slice %arg2[%dma_wait3A_91, %dma_wait3A_92] : memref<20000x128xf32, #tpu.memory_space<hbm>> -> memref<20000x128xf32, #tpu.memory_space<hbm>>
      tpu.wait_indirect_dma semaphore(%arg13 : memref<!tpu.dma_semaphore, #tpu.memory_space<semaphore_mem>>) src(%dma_wait3A_93 : memref<20000x128xf32, #tpu.memory_space<hbm>>) dst(%arg10 : memref<80x128xf32, #tpu.memory_space<vmem>>)
      %lt3A = arith.constant 124 : i32
      %lt3A_94 = arith.cmpi slt, %scan3A_73, %lt3A : i32
      %convert_element_type3A_95 = arith.extui %lt3A_94 : i1 to i32
      %cond3A_96 = arith.constant 0 : i32
      %cond3A_97 = arith.cmpi ne, %convert_element_type3A_95, %cond3A_96 : i32
      scf.if %cond3A_97 {
        %add3A_128 = arith.constant 2 : i32
        %add3A_129 = arith.addi %mul3A_75, %add3A_128 : i32
        %mul3A_130 = arith.constant 320000 : i32
        %mul3A_131 = arith.muli %arg0, %mul3A_130 : i32
        %mul3A_132 = arith.constant 20000 : i32
        %mul3A_133 = arith.muli %arg1, %mul3A_132 : i32
        %add3A_134 = arith.addi %mul3A_131, %mul3A_133 : i32
        %mul3A_135 = arith.constant 80 : i32
        %mul3A_136 = arith.muli %add3A_129, %mul3A_135 : i32
        %add3A_137 = arith.addi %add3A_134, %mul3A_136 : i32
        %dma_start3A_138 = tpu.memref_slice %arg3[%add3A_137] : memref<640000xi32, #tpu.memory_space<hbm>> -> memref<80xi32, #tpu.memory_space<hbm>>
        %dma_start3A_139 = tpu.memref_slice %arg3[%add3A_137] : memref<640000xi32, #tpu.memory_space<hbm>> -> memref<80xi32, #tpu.memory_space<hbm>>
        tpu.enqueue_dma source(%dma_start3A_139 : memref<80xi32, #tpu.memory_space<hbm>>) target(%arg6 : memref<80xi32, #tpu.memory_space<vmem>>) target_semaphore(%arg17 : memref<!tpu.dma_semaphore, #tpu.memory_space<semaphore_mem>>)
      } else {
      }
      %dma_wait3A_98 = arith.constant 0 : i32
      %dma_wait3A_99 = tpu.memref_slice %arg4[%dma_wait3A_98] : memref<320000xi32, #tpu.memory_space<hbm>> -> memref<80xi32, #tpu.memory_space<hbm>>
      %dma_wait3A_100 = arith.constant 0 : i32
      %dma_wait3A_101 = tpu.memref_slice %arg4[%dma_wait3A_100] : memref<320000xi32, #tpu.memory_space<hbm>> -> memref<80xi32, #tpu.memory_space<hbm>>
      tpu.wait_dma2 semaphore(%arg19 : memref<!tpu.dma_semaphore, #tpu.memory_space<semaphore_mem>>) src(%dma_wait3A_101 : memref<80xi32, #tpu.memory_space<hbm>>) dst(%arg8 : memref<80xi32, #tpu.memory_space<vmem>>)
      %dma_start3A_102 = arith.constant 0 : i32
      %dma_start3A_103 = arith.constant 0 : i32
      %dma_start3A_104 = tpu.memref_slice %arg12[%dma_start3A_102, %dma_start3A_103] : memref<10008x128xf32, #tpu.memory_space<vmem_shared>> -> memref<10008x128xf32, #tpu.memory_space<vmem_shared>>
      tpu.enqueue_indirect_dma source(%arg10 : memref<80x128xf32, #tpu.memory_space<vmem>>) target(%dma_start3A_104 : memref<10008x128xf32, #tpu.memory_space<vmem_shared>>) offsets(%arg8 : memref<80xi32, #tpu.memory_space<vmem>>) semaphore(%arg15 : memref<!tpu.dma_semaphore, #tpu.memory_space<semaphore_mem>>) {add = true}
      %dma_wait3A_105 = arith.constant 0 : i32
      %dma_wait3A_106 = arith.constant 0 : i32
      %dma_wait3A_107 = tpu.memref_slice %arg12[%dma_wait3A_105, %dma_wait3A_106] : memref<10008x128xf32, #tpu.memory_space<vmem_shared>> -> memref<10008x128xf32, #tpu.memory_space<vmem_shared>>
      tpu.wait_indirect_dma semaphore(%arg15 : memref<!tpu.dma_semaphore, #tpu.memory_space<semaphore_mem>>) src(%arg10 : memref<80x128xf32, #tpu.memory_space<vmem>>) dst(%dma_wait3A_107 : memref<10008x128xf32, #tpu.memory_space<vmem_shared>>)
      %lt3A_108 = arith.constant 124 : i32
      %lt3A_109 = arith.cmpi slt, %scan3A_73, %lt3A_108 : i32
      %convert_element_type3A_110 = arith.extui %lt3A_109 : i1 to i32
      %cond3A_111 = arith.constant 0 : i32
      %cond3A_112 = arith.cmpi ne, %convert_element_type3A_110, %cond3A_111 : i32
      scf.if %cond3A_112 {
        %add3A_128 = arith.constant 2 : i32
        %add3A_129 = arith.addi %mul3A_75, %add3A_128 : i32
        %mul3A_130 = arith.constant 20000 : i32
        %mul3A_131 = arith.muli %arg1, %mul3A_130 : i32
        %mul3A_132 = arith.constant 80 : i32
        %mul3A_133 = arith.muli %add3A_129, %mul3A_132 : i32
        %add3A_134 = arith.addi %mul3A_131, %mul3A_133 : i32
        %dma_start3A_135 = tpu.memref_slice %arg4[%add3A_134] : memref<320000xi32, #tpu.memory_space<hbm>> -> memref<80xi32, #tpu.memory_space<hbm>>
        %dma_start3A_136 = tpu.memref_slice %arg4[%add3A_134] : memref<320000xi32, #tpu.memory_space<hbm>> -> memref<80xi32, #tpu.memory_space<hbm>>
        tpu.enqueue_dma source(%dma_start3A_136 : memref<80xi32, #tpu.memory_space<hbm>>) target(%arg8 : memref<80xi32, #tpu.memory_space<vmem>>) target_semaphore(%arg19 : memref<!tpu.dma_semaphore, #tpu.memory_space<semaphore_mem>>)
        %dma_wait3A_137 = arith.constant 0 : i32
        %dma_wait3A_138 = tpu.memref_slice %arg3[%dma_wait3A_137] : memref<640000xi32, #tpu.memory_space<hbm>> -> memref<80xi32, #tpu.memory_space<hbm>>
        %dma_wait3A_139 = arith.constant 0 : i32
        %dma_wait3A_140 = tpu.memref_slice %arg3[%dma_wait3A_139] : memref<640000xi32, #tpu.memory_space<hbm>> -> memref<80xi32, #tpu.memory_space<hbm>>
        tpu.wait_dma2 semaphore(%arg17 : memref<!tpu.dma_semaphore, #tpu.memory_space<semaphore_mem>>) src(%dma_wait3A_140 : memref<80xi32, #tpu.memory_space<hbm>>) dst(%arg6 : memref<80xi32, #tpu.memory_space<vmem>>)
        %dma_start3A_141 = arith.constant 0 : i32
        %dma_start3A_142 = arith.constant 0 : i32
        %dma_start3A_143 = tpu.memref_slice %arg2[%dma_start3A_141, %dma_start3A_142] : memref<20000x128xf32, #tpu.memory_space<hbm>> -> memref<20000x128xf32, #tpu.memory_space<hbm>>
        tpu.enqueue_indirect_dma source(%dma_start3A_143 : memref<20000x128xf32, #tpu.memory_space<hbm>>) target(%arg10 : memref<80x128xf32, #tpu.memory_space<vmem>>) offsets(%arg6 : memref<80xi32, #tpu.memory_space<vmem>>) semaphore(%arg13 : memref<!tpu.dma_semaphore, #tpu.memory_space<semaphore_mem>>)
      } else {
      }
      %dma_wait3A_113 = arith.constant 0 : i32
      %dma_wait3A_114 = arith.constant 0 : i32
      %dma_wait3A_115 = tpu.memref_slice %arg2[%dma_wait3A_113, %dma_wait3A_114] : memref<20000x128xf32, #tpu.memory_space<hbm>> -> memref<20000x128xf32, #tpu.memory_space<hbm>>
      tpu.wait_indirect_dma semaphore(%arg14 : memref<!tpu.dma_semaphore, #tpu.memory_space<semaphore_mem>>) src(%dma_wait3A_115 : memref<20000x128xf32, #tpu.memory_space<hbm>>) dst(%arg11 : memref<80x128xf32, #tpu.memory_space<vmem>>)
      %lt3A_116 = arith.constant 124 : i32
      %lt3A_117 = arith.cmpi slt, %scan3A_73, %lt3A_116 : i32
      %convert_element_type3A_118 = arith.extui %lt3A_117 : i1 to i32
      %cond3A_119 = arith.constant 0 : i32
      %cond3A_120 = arith.cmpi ne, %convert_element_type3A_118, %cond3A_119 : i32
      scf.if %cond3A_120 {
        %add3A_128 = arith.constant 2 : i32
        %add3A_129 = arith.addi %add3A_79, %add3A_128 : i32
        %mul3A_130 = arith.constant 320000 : i32
        %mul3A_131 = arith.muli %arg0, %mul3A_130 : i32
        %mul3A_132 = arith.constant 20000 : i32
        %mul3A_133 = arith.muli %arg1, %mul3A_132 : i32
        %add3A_134 = arith.addi %mul3A_131, %mul3A_133 : i32
        %mul3A_135 = arith.constant 80 : i32
        %mul3A_136 = arith.muli %add3A_129, %mul3A_135 : i32
        %add3A_137 = arith.addi %add3A_134, %mul3A_136 : i32
        %dma_start3A_138 = tpu.memref_slice %arg3[%add3A_137] : memref<640000xi32, #tpu.memory_space<hbm>> -> memref<80xi32, #tpu.memory_space<hbm>>
        %dma_start3A_139 = tpu.memref_slice %arg3[%add3A_137] : memref<640000xi32, #tpu.memory_space<hbm>> -> memref<80xi32, #tpu.memory_space<hbm>>
        tpu.enqueue_dma source(%dma_start3A_139 : memref<80xi32, #tpu.memory_space<hbm>>) target(%arg7 : memref<80xi32, #tpu.memory_space<vmem>>) target_semaphore(%arg18 : memref<!tpu.dma_semaphore, #tpu.memory_space<semaphore_mem>>)
      } else {
      }
      %dma_wait3A_121 = arith.constant 0 : i32
      %dma_wait3A_122 = tpu.memref_slice %arg4[%dma_wait3A_121] : memref<320000xi32, #tpu.memory_space<hbm>> -> memref<80xi32, #tpu.memory_space<hbm>>
      %dma_wait3A_123 = arith.constant 0 : i32
      %dma_wait3A_124 = tpu.memref_slice %arg4[%dma_wait3A_123] : memref<320000xi32, #tpu.memory_space<hbm>> -> memref<80xi32, #tpu.memory_space<hbm>>
      tpu.wait_dma2 semaphore(%arg20 : memref<!tpu.dma_semaphore, #tpu.memory_space<semaphore_mem>>) src(%dma_wait3A_124 : memref<80xi32, #tpu.memory_space<hbm>>) dst(%arg9 : memref<80xi32, #tpu.memory_space<vmem>>)
      %dma_start3A_125 = arith.constant 0 : i32
      %dma_start3A_126 = arith.constant 0 : i32
      %dma_start3A_127 = tpu.memref_slice %arg12[%dma_start3A_125, %dma_start3A_126] : memref<10008x128xf32, #tpu.memory_space<vmem_shared>> -> memref<10008x128xf32, #tpu.memory_space<vmem_shared>>
      tpu.enqueue_indirect_dma source(%arg11 : memref<80x128xf32, #tpu.memory_space<vmem>>) target(%dma_start3A_127 : memref<10008x128xf32, #tpu.memory_space<vmem_shared>>) offsets(%arg9 : memref<80xi32, #tpu.memory_space<vmem>>) semaphore(%arg16 : memref<!tpu.dma_semaphore, #tpu.memory_space<semaphore_mem>>) {add = true}
    }
    %scan3A_63 = arith.constant 125 : i32
    %dma_wait3A_64 = arith.constant 0 : i32
    %dma_wait3A_65 = arith.constant 0 : i32
    %dma_wait3A_66 = tpu.memref_slice %arg12[%dma_wait3A_64, %dma_wait3A_65] : memref<10008x128xf32, #tpu.memory_space<vmem_shared>> -> memref<10008x128xf32, #tpu.memory_space<vmem_shared>>
    tpu.wait_indirect_dma semaphore(%arg16 : memref<!tpu.dma_semaphore, #tpu.memory_space<semaphore_mem>>) src(%arg11 : memref<80x128xf32, #tpu.memory_space<vmem>>) dst(%dma_wait3A_66 : memref<10008x128xf32, #tpu.memory_space<vmem_shared>>)
    %barrier3A_67 = arith.constant 0 : index
    tpu.barrier barrier_id(%barrier3A_67)
    "tpu.region"() ({
      %run_scoped3A = tpu.sem_alloc : memref<!tpu.dma_semaphore, #tpu.memory_space<semaphore_mem>>
      %dma_start3A_73 = arith.constant 0 : i32
      %dma_start3A_74 = tpu.memref_slice %arg5[%arg0, %mul3A_0, %dma_start3A_73] : memref<2x10000x128xf32, #tpu.memory_space<hbm>> -> memref<1x624x128xf32, #tpu.memory_space<hbm>>
      %dma_start3A_75 = tpu.memref_squeeze %dma_start3A_74 : memref<1x624x128xf32, #tpu.memory_space<hbm>> -> memref<624x128xf32, #tpu.memory_space<hbm>>
      %dma_start3A_76 = arith.constant 0 : i32
      %dma_start3A_77 = tpu.memref_slice %arg12[%mul3A_0, %dma_start3A_76] : memref<10008x128xf32, #tpu.memory_space<vmem_shared>> -> memref<624x128xf32, #tpu.memory_space<vmem_shared>>
      tpu.enqueue_dma source(%dma_start3A_77 : memref<624x128xf32, #tpu.memory_space<vmem_shared>>) target(%dma_start3A_75 : memref<624x128xf32, #tpu.memory_space<hbm>>) target_semaphore(%run_scoped3A : memref<!tpu.dma_semaphore, #tpu.memory_space<semaphore_mem>>)
      %dma_wait3A_78 = arith.constant 0 : i32
      %dma_wait3A_79 = tpu.memref_slice %arg5[%arg0, %mul3A_0, %dma_wait3A_78] : memref<2x10000x128xf32, #tpu.memory_space<hbm>> -> memref<1x624x128xf32, #tpu.memory_space<hbm>>
      %dma_wait3A_80 = tpu.memref_squeeze %dma_wait3A_79 : memref<1x624x128xf32, #tpu.memory_space<hbm>> -> memref<624x128xf32, #tpu.memory_space<hbm>>
      %dma_wait3A_81 = arith.constant 0 : i32
      %dma_wait3A_82 = tpu.memref_slice %arg12[%mul3A_0, %dma_wait3A_81] : memref<10008x128xf32, #tpu.memory_space<vmem_shared>> -> memref<624x128xf32, #tpu.memory_space<vmem_shared>>
      tpu.wait_dma2 semaphore(%run_scoped3A : memref<!tpu.dma_semaphore, #tpu.memory_space<semaphore_mem>>) src(%dma_wait3A_82 : memref<624x128xf32, #tpu.memory_space<vmem_shared>>) dst(%dma_wait3A_80 : memref<624x128xf32, #tpu.memory_space<hbm>>)
      tpu.yield
    }) : () -> ()
    %eq3A_68 = arith.constant 0 : i32
    %eq3A_69 = arith.cmpi eq, %arg1, %eq3A_68 : i32
    %convert_element_type3A_70 = arith.extui %eq3A_69 : i1 to i32
    %cond3A_71 = arith.constant 0 : i32
    %cond3A_72 = arith.cmpi ne, %convert_element_type3A_70, %cond3A_71 : i32
    scf.if %cond3A_72 {
      "tpu.region"() ({
        %run_scoped3A = tpu.sem_alloc : memref<!tpu.dma_semaphore, #tpu.memory_space<semaphore_mem>>
        %dma_start3A_73 = arith.constant 9984 : i32
        %dma_start3A_74 = arith.constant 0 : i32
        %dma_start3A_75 = tpu.memref_slice %arg5[%arg0, %dma_start3A_73, %dma_start3A_74] : memref<2x10000x128xf32, #tpu.memory_space<hbm>> -> memref<1x16x128xf32, #tpu.memory_space<hbm>>
        %dma_start3A_76 = tpu.memref_squeeze %dma_start3A_75 : memref<1x16x128xf32, #tpu.memory_space<hbm>> -> memref<16x128xf32, #tpu.memory_space<hbm>>
        %dma_start3A_77 = arith.constant 9984 : i32
        %dma_start3A_78 = arith.constant 0 : i32
        %dma_start3A_79 = tpu.memref_slice %arg12[%dma_start3A_77, %dma_start3A_78] : memref<10008x128xf32, #tpu.memory_space<vmem_shared>> -> memref<16x128xf32, #tpu.memory_space<vmem_shared>>
        tpu.enqueue_dma source(%dma_start3A_79 : memref<16x128xf32, #tpu.memory_space<vmem_shared>>) target(%dma_start3A_76 : memref<16x128xf32, #tpu.memory_space<hbm>>) target_semaphore(%run_scoped3A : memref<!tpu.dma_semaphore, #tpu.memory_space<semaphore_mem>>)
        %dma_wait3A_80 = arith.constant 9984 : i32
        %dma_wait3A_81 = arith.constant 0 : i32
        %dma_wait3A_82 = tpu.memref_slice %arg5[%arg0, %dma_wait3A_80, %dma_wait3A_81] : memref<2x10000x128xf32, #tpu.memory_space<hbm>> -> memref<1x16x128xf32, #tpu.memory_space<hbm>>
        %dma_wait3A_83 = tpu.memref_squeeze %dma_wait3A_82 : memref<1x16x128xf32, #tpu.memory_space<hbm>> -> memref<16x128xf32, #tpu.memory_space<hbm>>
        %dma_wait3A_84 = arith.constant 9984 : i32
        %dma_wait3A_85 = arith.constant 0 : i32
        %dma_wait3A_86 = tpu.memref_slice %arg12[%dma_wait3A_84, %dma_wait3A_85] : memref<10008x128xf32, #tpu.memory_space<vmem_shared>> -> memref<16x128xf32, #tpu.memory_space<vmem_shared>>
        tpu.wait_dma2 semaphore(%run_scoped3A : memref<!tpu.dma_semaphore, #tpu.memory_space<semaphore_mem>>) src(%dma_wait3A_86 : memref<16x128xf32, #tpu.memory_space<vmem_shared>>) dst(%dma_wait3A_83 : memref<16x128xf32, #tpu.memory_space<hbm>>)
        tpu.yield
      }) : () -> ()
    } else {
    }
    return
  }
}

#map = affine_map<(d0, d1) -> (0, 0)>
#map1 = affine_map<(d0, d1) -> (0)>
#map2 = affine_map<(d0, d1) -> (0, 0, 0)>
module attributes {stable_mosaic.version = 14 : i64} {
  func.func @body(%arg0: i32, %arg1: i32, %arg2: memref<20000x64xf32, #tpu.memory_space<hbm>>, %arg3: memref<640000xi32, #tpu.memory_space<hbm>>, %arg4: memref<320000xi32, #tpu.memory_space<hbm>>, %arg5: memref<2x10000x64xf32, #tpu.memory_space<hbm>>, %arg6: memref<2x10000x16xf32, #tpu.memory_space<hbm>>, %arg7: memref<80xi32, #tpu.memory_space<vmem>>, %arg8: memref<80xi32, #tpu.memory_space<vmem>>, %arg9: memref<80xi32, #tpu.memory_space<vmem>>, %arg10: memref<80xi32, #tpu.memory_space<vmem>>, %arg11: memref<80x64xf32, #tpu.memory_space<vmem>>, %arg12: memref<80x64xf32, #tpu.memory_space<vmem>>, %arg13: memref<10008x64xf32, #tpu.memory_space<vmem_shared>>, %arg14: memref<!tpu.dma_semaphore, #tpu.memory_space<semaphore_mem>>, %arg15: memref<!tpu.dma_semaphore, #tpu.memory_space<semaphore_mem>>, %arg16: memref<!tpu.dma_semaphore, #tpu.memory_space<semaphore_mem>>, %arg17: memref<!tpu.dma_semaphore, #tpu.memory_space<semaphore_mem>>, %arg18: memref<!tpu.dma_semaphore, #tpu.memory_space<semaphore_mem>>, %arg19: memref<!tpu.dma_semaphore, #tpu.memory_space<semaphore_mem>>, %arg20: memref<!tpu.dma_semaphore, #tpu.memory_space<semaphore_mem>>, %arg21: memref<!tpu.dma_semaphore, #tpu.memory_space<semaphore_mem>>, %arg22: memref<80x16xf32, #tpu.memory_space<vmem>>, %arg23: memref<10008x16xf32, #tpu.memory_space<vmem_shared>>, %arg24: memref<!tpu.dma_semaphore, #tpu.memory_space<semaphore_mem>>, %arg25: memref<!tpu.dma_semaphore, #tpu.memory_space<semaphore_mem>>) attributes {dimension_semantics = [#tpu.dimension_semantics<core_parallel>, #tpu.dimension_semantics<subcore_parallel>], iteration_bounds = array<i64: 2, 16>, scalar_prefetch = 0 : i64, scratch_operands = 19 : i64, tpu.core_type = #tpu.core_type<sc_vector_subcore>, window_params = [{transform_indices = #map}, {transform_indices = #map1}, {transform_indices = #map1}, {transform_indices = #map2}, {transform_indices = #map2}]} {
    %mul3A = arith.constant 624 : i32
    %mul3A_0 = arith.muli %arg1, %mul3A : i32
    %scan3A = arith.constant 0 : i32
    %scan3A_1 = arith.constant 0 : i32
    %scan3A_2 = arith.constant 80 : i32
    %scan3A_3 = arith.addi %scan3A_1, %scan3A_2 : i32
    %scan3A_4 = arith.constant 1 : i32
    scf.for %scan3A_133 = %scan3A_1 to %scan3A_3 step %scan3A_4  : i32 {
      %broadcast_in_dim3A = arith.constant 0.000000e+00 : f32
      %broadcast_in_dim3A_134 = vector.broadcast %broadcast_in_dim3A : f32 to vector<16xf32>
      %swap3A = arith.index_cast %scan3A_133 : i32 to index
      %swap3A_135 = arith.constant 0 : index
      %swap3A_136 = tpu.vector_load %arg11[%swap3A, %swap3A_135] {strides = array<i32>} : memref<80x64xf32, #tpu.memory_space<vmem>>, vector<1x16xf32>,
      %swap3A_137 = vector.shape_cast %swap3A_136 : vector<1x16xf32> to vector<16xf32>
      %swap3A_138 = vector.shape_cast %broadcast_in_dim3A_134 : vector<16xf32> to vector<1x16xf32>
      tpu.vector_store %arg11[%swap3A, %swap3A_135], %swap3A_138 {strides = array<i32>} : memref<80x64xf32, #tpu.memory_space<vmem>>, vector<1x16xf32>,
      %broadcast_in_dim3A_139 = arith.constant 0.000000e+00 : f32
      %broadcast_in_dim3A_140 = vector.broadcast %broadcast_in_dim3A_139 : f32 to vector<16xf32>
      %swap3A_141 = arith.index_cast %scan3A_133 : i32 to index
      %swap3A_142 = arith.constant 16 : index
      %swap3A_143 = tpu.vector_load %arg11[%swap3A_141, %swap3A_142] {strides = array<i32>} : memref<80x64xf32, #tpu.memory_space<vmem>>, vector<1x16xf32>,
      %swap3A_144 = vector.shape_cast %swap3A_143 : vector<1x16xf32> to vector<16xf32>
      %swap3A_145 = vector.shape_cast %broadcast_in_dim3A_140 : vector<16xf32> to vector<1x16xf32>
      tpu.vector_store %arg11[%swap3A_141, %swap3A_142], %swap3A_145 {strides = array<i32>} : memref<80x64xf32, #tpu.memory_space<vmem>>, vector<1x16xf32>,
      %broadcast_in_dim3A_146 = arith.constant 0.000000e+00 : f32
      %broadcast_in_dim3A_147 = vector.broadcast %broadcast_in_dim3A_146 : f32 to vector<16xf32>
      %swap3A_148 = arith.index_cast %scan3A_133 : i32 to index
      %swap3A_149 = arith.constant 32 : index
      %swap3A_150 = tpu.vector_load %arg11[%swap3A_148, %swap3A_149] {strides = array<i32>} : memref<80x64xf32, #tpu.memory_space<vmem>>, vector<1x16xf32>,
      %swap3A_151 = vector.shape_cast %swap3A_150 : vector<1x16xf32> to vector<16xf32>
      %swap3A_152 = vector.shape_cast %broadcast_in_dim3A_147 : vector<16xf32> to vector<1x16xf32>
      tpu.vector_store %arg11[%swap3A_148, %swap3A_149], %swap3A_152 {strides = array<i32>} : memref<80x64xf32, #tpu.memory_space<vmem>>, vector<1x16xf32>,
      %broadcast_in_dim3A_153 = arith.constant 0.000000e+00 : f32
      %broadcast_in_dim3A_154 = vector.broadcast %broadcast_in_dim3A_153 : f32 to vector<16xf32>
      %swap3A_155 = arith.index_cast %scan3A_133 : i32 to index
      %swap3A_156 = arith.constant 48 : index
      %swap3A_157 = tpu.vector_load %arg11[%swap3A_155, %swap3A_156] {strides = array<i32>} : memref<80x64xf32, #tpu.memory_space<vmem>>, vector<1x16xf32>,
      %swap3A_158 = vector.shape_cast %swap3A_157 : vector<1x16xf32> to vector<16xf32>
      %swap3A_159 = vector.shape_cast %broadcast_in_dim3A_154 : vector<16xf32> to vector<1x16xf32>
      tpu.vector_store %arg11[%swap3A_155, %swap3A_156], %swap3A_159 {strides = array<i32>} : memref<80x64xf32, #tpu.memory_space<vmem>>, vector<1x16xf32>,
    }
    %scan3A_5 = arith.constant 80 : i32
    %add3A = arith.constant 0 : i32
    %add3A_6 = arith.addi %mul3A_0, %add3A : i32
    "tpu.region"() ({
      %run_scoped3A = tpu.sem_alloc : memref<!tpu.dma_semaphore, #tpu.memory_space<semaphore_mem>>
      %dma_start3A_133 = arith.constant 0 : i32
      %dma_start3A_134 = tpu.memref_slice %arg13[%add3A_6, %dma_start3A_133] : memref<10008x64xf32, #tpu.memory_space<vmem_shared>> -> memref<80x64xf32, #tpu.memory_space<vmem_shared>>
      %dma_start3A_135 = arith.constant 0 : i32
      %dma_start3A_136 = tpu.memref_slice %arg13[%add3A_6, %dma_start3A_135] : memref<10008x64xf32, #tpu.memory_space<vmem_shared>> -> memref<80x64xf32, #tpu.memory_space<vmem_shared>>
      tpu.enqueue_dma source(%arg11 : memref<80x64xf32, #tpu.memory_space<vmem>>) target(%dma_start3A_136 : memref<80x64xf32, #tpu.memory_space<vmem_shared>>) target_semaphore(%run_scoped3A : memref<!tpu.dma_semaphore, #tpu.memory_space<semaphore_mem>>)
      %dma_wait3A_137 = arith.constant 0 : i32
      %dma_wait3A_138 = tpu.memref_slice %arg13[%add3A_6, %dma_wait3A_137] : memref<10008x64xf32, #tpu.memory_space<vmem_shared>> -> memref<80x64xf32, #tpu.memory_space<vmem_shared>>
      %dma_wait3A_139 = arith.constant 0 : i32
      %dma_wait3A_140 = tpu.memref_slice %arg13[%add3A_6, %dma_wait3A_139] : memref<10008x64xf32, #tpu.memory_space<vmem_shared>> -> memref<80x64xf32, #tpu.memory_space<vmem_shared>>
      tpu.wait_dma2 semaphore(%run_scoped3A : memref<!tpu.dma_semaphore, #tpu.memory_space<semaphore_mem>>) src(%arg11 : memref<80x64xf32, #tpu.memory_space<vmem>>) dst(%dma_wait3A_140 : memref<80x64xf32, #tpu.memory_space<vmem_shared>>)
      tpu.yield
    }) : () -> ()
    %add3A_7 = arith.constant 80 : i32
    %add3A_8 = arith.addi %mul3A_0, %add3A_7 : i32
    "tpu.region"() ({
      %run_scoped3A = tpu.sem_alloc : memref<!tpu.dma_semaphore, #tpu.memory_space<semaphore_mem>>
      %dma_start3A_133 = arith.constant 0 : i32
      %dma_start3A_134 = tpu.memref_slice %arg13[%add3A_8, %dma_start3A_133] : memref<10008x64xf32, #tpu.memory_space<vmem_shared>> -> memref<80x64xf32, #tpu.memory_space<vmem_shared>>
      %dma_start3A_135 = arith.constant 0 : i32
      %dma_start3A_136 = tpu.memref_slice %arg13[%add3A_8, %dma_start3A_135] : memref<10008x64xf32, #tpu.memory_space<vmem_shared>> -> memref<80x64xf32, #tpu.memory_space<vmem_shared>>
      tpu.enqueue_dma source(%arg11 : memref<80x64xf32, #tpu.memory_space<vmem>>) target(%dma_start3A_136 : memref<80x64xf32, #tpu.memory_space<vmem_shared>>) target_semaphore(%run_scoped3A : memref<!tpu.dma_semaphore, #tpu.memory_space<semaphore_mem>>)
      %dma_wait3A_137 = arith.constant 0 : i32
      %dma_wait3A_138 = tpu.memref_slice %arg13[%add3A_8, %dma_wait3A_137] : memref<10008x64xf32, #tpu.memory_space<vmem_shared>> -> memref<80x64xf32, #tpu.memory_space<vmem_shared>>
      %dma_wait3A_139 = arith.constant 0 : i32
      %dma_wait3A_140 = tpu.memref_slice %arg13[%add3A_8, %dma_wait3A_139] : memref<10008x64xf32, #tpu.memory_space<vmem_shared>> -> memref<80x64xf32, #tpu.memory_space<vmem_shared>>
      tpu.wait_dma2 semaphore(%run_scoped3A : memref<!tpu.dma_semaphore, #tpu.memory_space<semaphore_mem>>) src(%arg11 : memref<80x64xf32, #tpu.memory_space<vmem>>) dst(%dma_wait3A_140 : memref<80x64xf32, #tpu.memory_space<vmem_shared>>)
      tpu.yield
    }) : () -> ()
    %add3A_9 = arith.constant 160 : i32
    %add3A_10 = arith.addi %mul3A_0, %add3A_9 : i32
    "tpu.region"() ({
      %run_scoped3A = tpu.sem_alloc : memref<!tpu.dma_semaphore, #tpu.memory_space<semaphore_mem>>
      %dma_start3A_133 = arith.constant 0 : i32
      %dma_start3A_134 = tpu.memref_slice %arg13[%add3A_10, %dma_start3A_133] : memref<10008x64xf32, #tpu.memory_space<vmem_shared>> -> memref<80x64xf32, #tpu.memory_space<vmem_shared>>
      %dma_start3A_135 = arith.constant 0 : i32
      %dma_start3A_136 = tpu.memref_slice %arg13[%add3A_10, %dma_start3A_135] : memref<10008x64xf32, #tpu.memory_space<vmem_shared>> -> memref<80x64xf32, #tpu.memory_space<vmem_shared>>
      tpu.enqueue_dma source(%arg11 : memref<80x64xf32, #tpu.memory_space<vmem>>) target(%dma_start3A_136 : memref<80x64xf32, #tpu.memory_space<vmem_shared>>) target_semaphore(%run_scoped3A : memref<!tpu.dma_semaphore, #tpu.memory_space<semaphore_mem>>)
      %dma_wait3A_137 = arith.constant 0 : i32
      %dma_wait3A_138 = tpu.memref_slice %arg13[%add3A_10, %dma_wait3A_137] : memref<10008x64xf32, #tpu.memory_space<vmem_shared>> -> memref<80x64xf32, #tpu.memory_space<vmem_shared>>
      %dma_wait3A_139 = arith.constant 0 : i32
      %dma_wait3A_140 = tpu.memref_slice %arg13[%add3A_10, %dma_wait3A_139] : memref<10008x64xf32, #tpu.memory_space<vmem_shared>> -> memref<80x64xf32, #tpu.memory_space<vmem_shared>>
      tpu.wait_dma2 semaphore(%run_scoped3A : memref<!tpu.dma_semaphore, #tpu.memory_space<semaphore_mem>>) src(%arg11 : memref<80x64xf32, #tpu.memory_space<vmem>>) dst(%dma_wait3A_140 : memref<80x64xf32, #tpu.memory_space<vmem_shared>>)
      tpu.yield
    }) : () -> ()
    %add3A_11 = arith.constant 240 : i32
    %add3A_12 = arith.addi %mul3A_0, %add3A_11 : i32
    "tpu.region"() ({
      %run_scoped3A = tpu.sem_alloc : memref<!tpu.dma_semaphore, #tpu.memory_space<semaphore_mem>>
      %dma_start3A_133 = arith.constant 0 : i32
      %dma_start3A_134 = tpu.memref_slice %arg13[%add3A_12, %dma_start3A_133] : memref<10008x64xf32, #tpu.memory_space<vmem_shared>> -> memref<80x64xf32, #tpu.memory_space<vmem_shared>>
      %dma_start3A_135 = arith.constant 0 : i32
      %dma_start3A_136 = tpu.memref_slice %arg13[%add3A_12, %dma_start3A_135] : memref<10008x64xf32, #tpu.memory_space<vmem_shared>> -> memref<80x64xf32, #tpu.memory_space<vmem_shared>>
      tpu.enqueue_dma source(%arg11 : memref<80x64xf32, #tpu.memory_space<vmem>>) target(%dma_start3A_136 : memref<80x64xf32, #tpu.memory_space<vmem_shared>>) target_semaphore(%run_scoped3A : memref<!tpu.dma_semaphore, #tpu.memory_space<semaphore_mem>>)
      %dma_wait3A_137 = arith.constant 0 : i32
      %dma_wait3A_138 = tpu.memref_slice %arg13[%add3A_12, %dma_wait3A_137] : memref<10008x64xf32, #tpu.memory_space<vmem_shared>> -> memref<80x64xf32, #tpu.memory_space<vmem_shared>>
      %dma_wait3A_139 = arith.constant 0 : i32
      %dma_wait3A_140 = tpu.memref_slice %arg13[%add3A_12, %dma_wait3A_139] : memref<10008x64xf32, #tpu.memory_space<vmem_shared>> -> memref<80x64xf32, #tpu.memory_space<vmem_shared>>
      tpu.wait_dma2 semaphore(%run_scoped3A : memref<!tpu.dma_semaphore, #tpu.memory_space<semaphore_mem>>) src(%arg11 : memref<80x64xf32, #tpu.memory_space<vmem>>) dst(%dma_wait3A_140 : memref<80x64xf32, #tpu.memory_space<vmem_shared>>)
      tpu.yield
    }) : () -> ()
    %add3A_13 = arith.constant 320 : i32
    %add3A_14 = arith.addi %mul3A_0, %add3A_13 : i32
    "tpu.region"() ({
      %run_scoped3A = tpu.sem_alloc : memref<!tpu.dma_semaphore, #tpu.memory_space<semaphore_mem>>
      %dma_start3A_133 = arith.constant 0 : i32
      %dma_start3A_134 = tpu.memref_slice %arg13[%add3A_14, %dma_start3A_133] : memref<10008x64xf32, #tpu.memory_space<vmem_shared>> -> memref<80x64xf32, #tpu.memory_space<vmem_shared>>
      %dma_start3A_135 = arith.constant 0 : i32
      %dma_start3A_136 = tpu.memref_slice %arg13[%add3A_14, %dma_start3A_135] : memref<10008x64xf32, #tpu.memory_space<vmem_shared>> -> memref<80x64xf32, #tpu.memory_space<vmem_shared>>
      tpu.enqueue_dma source(%arg11 : memref<80x64xf32, #tpu.memory_space<vmem>>) target(%dma_start3A_136 : memref<80x64xf32, #tpu.memory_space<vmem_shared>>) target_semaphore(%run_scoped3A : memref<!tpu.dma_semaphore, #tpu.memory_space<semaphore_mem>>)
      %dma_wait3A_137 = arith.constant 0 : i32
      %dma_wait3A_138 = tpu.memref_slice %arg13[%add3A_14, %dma_wait3A_137] : memref<10008x64xf32, #tpu.memory_space<vmem_shared>> -> memref<80x64xf32, #tpu.memory_space<vmem_shared>>
      %dma_wait3A_139 = arith.constant 0 : i32
      %dma_wait3A_140 = tpu.memref_slice %arg13[%add3A_14, %dma_wait3A_139] : memref<10008x64xf32, #tpu.memory_space<vmem_shared>> -> memref<80x64xf32, #tpu.memory_space<vmem_shared>>
      tpu.wait_dma2 semaphore(%run_scoped3A : memref<!tpu.dma_semaphore, #tpu.memory_space<semaphore_mem>>) src(%arg11 : memref<80x64xf32, #tpu.memory_space<vmem>>) dst(%dma_wait3A_140 : memref<80x64xf32, #tpu.memory_space<vmem_shared>>)
      tpu.yield
    }) : () -> ()
    %add3A_15 = arith.constant 400 : i32
    %add3A_16 = arith.addi %mul3A_0, %add3A_15 : i32
    "tpu.region"() ({
      %run_scoped3A = tpu.sem_alloc : memref<!tpu.dma_semaphore, #tpu.memory_space<semaphore_mem>>
      %dma_start3A_133 = arith.constant 0 : i32
      %dma_start3A_134 = tpu.memref_slice %arg13[%add3A_16, %dma_start3A_133] : memref<10008x64xf32, #tpu.memory_space<vmem_shared>> -> memref<80x64xf32, #tpu.memory_space<vmem_shared>>
      %dma_start3A_135 = arith.constant 0 : i32
      %dma_start3A_136 = tpu.memref_slice %arg13[%add3A_16, %dma_start3A_135] : memref<10008x64xf32, #tpu.memory_space<vmem_shared>> -> memref<80x64xf32, #tpu.memory_space<vmem_shared>>
      tpu.enqueue_dma source(%arg11 : memref<80x64xf32, #tpu.memory_space<vmem>>) target(%dma_start3A_136 : memref<80x64xf32, #tpu.memory_space<vmem_shared>>) target_semaphore(%run_scoped3A : memref<!tpu.dma_semaphore, #tpu.memory_space<semaphore_mem>>)
      %dma_wait3A_137 = arith.constant 0 : i32
      %dma_wait3A_138 = tpu.memref_slice %arg13[%add3A_16, %dma_wait3A_137] : memref<10008x64xf32, #tpu.memory_space<vmem_shared>> -> memref<80x64xf32, #tpu.memory_space<vmem_shared>>
      %dma_wait3A_139 = arith.constant 0 : i32
      %dma_wait3A_140 = tpu.memref_slice %arg13[%add3A_16, %dma_wait3A_139] : memref<10008x64xf32, #tpu.memory_space<vmem_shared>> -> memref<80x64xf32, #tpu.memory_space<vmem_shared>>
      tpu.wait_dma2 semaphore(%run_scoped3A : memref<!tpu.dma_semaphore, #tpu.memory_space<semaphore_mem>>) src(%arg11 : memref<80x64xf32, #tpu.memory_space<vmem>>) dst(%dma_wait3A_140 : memref<80x64xf32, #tpu.memory_space<vmem_shared>>)
      tpu.yield
    }) : () -> ()
    %add3A_17 = arith.constant 480 : i32
    %add3A_18 = arith.addi %mul3A_0, %add3A_17 : i32
    "tpu.region"() ({
      %run_scoped3A = tpu.sem_alloc : memref<!tpu.dma_semaphore, #tpu.memory_space<semaphore_mem>>
      %dma_start3A_133 = arith.constant 0 : i32
      %dma_start3A_134 = tpu.memref_slice %arg13[%add3A_18, %dma_start3A_133] : memref<10008x64xf32, #tpu.memory_space<vmem_shared>> -> memref<80x64xf32, #tpu.memory_space<vmem_shared>>
      %dma_start3A_135 = arith.constant 0 : i32
      %dma_start3A_136 = tpu.memref_slice %arg13[%add3A_18, %dma_start3A_135] : memref<10008x64xf32, #tpu.memory_space<vmem_shared>> -> memref<80x64xf32, #tpu.memory_space<vmem_shared>>
      tpu.enqueue_dma source(%arg11 : memref<80x64xf32, #tpu.memory_space<vmem>>) target(%dma_start3A_136 : memref<80x64xf32, #tpu.memory_space<vmem_shared>>) target_semaphore(%run_scoped3A : memref<!tpu.dma_semaphore, #tpu.memory_space<semaphore_mem>>)
      %dma_wait3A_137 = arith.constant 0 : i32
      %dma_wait3A_138 = tpu.memref_slice %arg13[%add3A_18, %dma_wait3A_137] : memref<10008x64xf32, #tpu.memory_space<vmem_shared>> -> memref<80x64xf32, #tpu.memory_space<vmem_shared>>
      %dma_wait3A_139 = arith.constant 0 : i32
      %dma_wait3A_140 = tpu.memref_slice %arg13[%add3A_18, %dma_wait3A_139] : memref<10008x64xf32, #tpu.memory_space<vmem_shared>> -> memref<80x64xf32, #tpu.memory_space<vmem_shared>>
      tpu.wait_dma2 semaphore(%run_scoped3A : memref<!tpu.dma_semaphore, #tpu.memory_space<semaphore_mem>>) src(%arg11 : memref<80x64xf32, #tpu.memory_space<vmem>>) dst(%dma_wait3A_140 : memref<80x64xf32, #tpu.memory_space<vmem_shared>>)
      tpu.yield
    }) : () -> ()
    %add3A_19 = arith.constant 560 : i32
    %add3A_20 = arith.addi %mul3A_0, %add3A_19 : i32
    "tpu.region"() ({
      %run_scoped3A = tpu.sem_alloc : memref<!tpu.dma_semaphore, #tpu.memory_space<semaphore_mem>>
      %dma_start3A_133 = arith.constant 0 : i32
      %dma_start3A_134 = arith.constant 0 : i32
      %dma_start3A_135 = tpu.memref_slice %arg11[%dma_start3A_133, %dma_start3A_134] : memref<80x64xf32, #tpu.memory_space<vmem>> -> memref<64x64xf32, #tpu.memory_space<vmem>>
      %dma_start3A_136 = arith.constant 0 : i32
      %dma_start3A_137 = tpu.memref_slice %arg13[%add3A_20, %dma_start3A_136] : memref<10008x64xf32, #tpu.memory_space<vmem_shared>> -> memref<64x64xf32, #tpu.memory_space<vmem_shared>>
      %dma_start3A_138 = arith.constant 0 : i32
      %dma_start3A_139 = tpu.memref_slice %arg13[%add3A_20, %dma_start3A_138] : memref<10008x64xf32, #tpu.memory_space<vmem_shared>> -> memref<64x64xf32, #tpu.memory_space<vmem_shared>>
      %dma_start3A_140 = arith.constant 0 : i32
      %dma_start3A_141 = arith.constant 0 : i32
      %dma_start3A_142 = tpu.memref_slice %arg11[%dma_start3A_140, %dma_start3A_141] : memref<80x64xf32, #tpu.memory_space<vmem>> -> memref<64x64xf32, #tpu.memory_space<vmem>>
      tpu.enqueue_dma source(%dma_start3A_142 : memref<64x64xf32, #tpu.memory_space<vmem>>) target(%dma_start3A_139 : memref<64x64xf32, #tpu.memory_space<vmem_shared>>) target_semaphore(%run_scoped3A : memref<!tpu.dma_semaphore, #tpu.memory_space<semaphore_mem>>)
      %dma_wait3A_143 = arith.constant 0 : i32
      %dma_wait3A_144 = arith.constant 0 : i32
      %dma_wait3A_145 = tpu.memref_slice %arg11[%dma_wait3A_143, %dma_wait3A_144] : memref<80x64xf32, #tpu.memory_space<vmem>> -> memref<64x64xf32, #tpu.memory_space<vmem>>
      %dma_wait3A_146 = arith.constant 0 : i32
      %dma_wait3A_147 = tpu.memref_slice %arg13[%add3A_20, %dma_wait3A_146] : memref<10008x64xf32, #tpu.memory_space<vmem_shared>> -> memref<64x64xf32, #tpu.memory_space<vmem_shared>>
      %dma_wait3A_148 = arith.constant 0 : i32
      %dma_wait3A_149 = tpu.memref_slice %arg13[%add3A_20, %dma_wait3A_148] : memref<10008x64xf32, #tpu.memory_space<vmem_shared>> -> memref<64x64xf32, #tpu.memory_space<vmem_shared>>
      %dma_wait3A_150 = arith.constant 0 : i32
      %dma_wait3A_151 = arith.constant 0 : i32
      %dma_wait3A_152 = tpu.memref_slice %arg11[%dma_wait3A_150, %dma_wait3A_151] : memref<80x64xf32, #tpu.memory_space<vmem>> -> memref<64x64xf32, #tpu.memory_space<vmem>>
      tpu.wait_dma2 semaphore(%run_scoped3A : memref<!tpu.dma_semaphore, #tpu.memory_space<semaphore_mem>>) src(%dma_wait3A_152 : memref<64x64xf32, #tpu.memory_space<vmem>>) dst(%dma_wait3A_149 : memref<64x64xf32, #tpu.memory_space<vmem_shared>>)
      tpu.yield
    }) : () -> ()
    %eq3A = arith.constant 0 : i32
    %eq3A_21 = arith.cmpi eq, %arg1, %eq3A : i32
    %convert_element_type3A = arith.extui %eq3A_21 : i1 to i32
    %cond3A = arith.constant 0 : i32
    %cond3A_22 = arith.cmpi ne, %convert_element_type3A, %cond3A : i32
    scf.if %cond3A_22 {
      "tpu.region"() ({
        %run_scoped3A = tpu.sem_alloc : memref<!tpu.dma_semaphore, #tpu.memory_space<semaphore_mem>>
        %dma_start3A_133 = arith.constant 0 : i32
        %dma_start3A_134 = arith.constant 0 : i32
        %dma_start3A_135 = tpu.memref_slice %arg11[%dma_start3A_133, %dma_start3A_134] : memref<80x64xf32, #tpu.memory_space<vmem>> -> memref<16x64xf32, #tpu.memory_space<vmem>>
        %dma_start3A_136 = arith.constant 9984 : i32
        %dma_start3A_137 = arith.constant 0 : i32
        %dma_start3A_138 = tpu.memref_slice %arg13[%dma_start3A_136, %dma_start3A_137] : memref<10008x64xf32, #tpu.memory_space<vmem_shared>> -> memref<16x64xf32, #tpu.memory_space<vmem_shared>>
        %dma_start3A_139 = arith.constant 9984 : i32
        %dma_start3A_140 = arith.constant 0 : i32
        %dma_start3A_141 = tpu.memref_slice %arg13[%dma_start3A_139, %dma_start3A_140] : memref<10008x64xf32, #tpu.memory_space<vmem_shared>> -> memref<16x64xf32, #tpu.memory_space<vmem_shared>>
        %dma_start3A_142 = arith.constant 0 : i32
        %dma_start3A_143 = arith.constant 0 : i32
        %dma_start3A_144 = tpu.memref_slice %arg11[%dma_start3A_142, %dma_start3A_143] : memref<80x64xf32, #tpu.memory_space<vmem>> -> memref<16x64xf32, #tpu.memory_space<vmem>>
        tpu.enqueue_dma source(%dma_start3A_144 : memref<16x64xf32, #tpu.memory_space<vmem>>) target(%dma_start3A_141 : memref<16x64xf32, #tpu.memory_space<vmem_shared>>) target_semaphore(%run_scoped3A : memref<!tpu.dma_semaphore, #tpu.memory_space<semaphore_mem>>)
        %dma_wait3A_145 = arith.constant 0 : i32
        %dma_wait3A_146 = arith.constant 0 : i32
        %dma_wait3A_147 = tpu.memref_slice %arg11[%dma_wait3A_145, %dma_wait3A_146] : memref<80x64xf32, #tpu.memory_space<vmem>> -> memref<16x64xf32, #tpu.memory_space<vmem>>
        %dma_wait3A_148 = arith.constant 9984 : i32
        %dma_wait3A_149 = arith.constant 0 : i32
        %dma_wait3A_150 = tpu.memref_slice %arg13[%dma_wait3A_148, %dma_wait3A_149] : memref<10008x64xf32, #tpu.memory_space<vmem_shared>> -> memref<16x64xf32, #tpu.memory_space<vmem_shared>>
        %dma_wait3A_151 = arith.constant 9984 : i32
        %dma_wait3A_152 = arith.constant 0 : i32
        %dma_wait3A_153 = tpu.memref_slice %arg13[%dma_wait3A_151, %dma_wait3A_152] : memref<10008x64xf32, #tpu.memory_space<vmem_shared>> -> memref<16x64xf32, #tpu.memory_space<vmem_shared>>
        %dma_wait3A_154 = arith.constant 0 : i32
        %dma_wait3A_155 = arith.constant 0 : i32
        %dma_wait3A_156 = tpu.memref_slice %arg11[%dma_wait3A_154, %dma_wait3A_155] : memref<80x64xf32, #tpu.memory_space<vmem>> -> memref<16x64xf32, #tpu.memory_space<vmem>>
        tpu.wait_dma2 semaphore(%run_scoped3A : memref<!tpu.dma_semaphore, #tpu.memory_space<semaphore_mem>>) src(%dma_wait3A_156 : memref<16x64xf32, #tpu.memory_space<vmem>>) dst(%dma_wait3A_153 : memref<16x64xf32, #tpu.memory_space<vmem_shared>>)
        tpu.yield
      }) : () -> ()
    } else {
    }
    %scan3A_23 = arith.constant 0 : i32
    %scan3A_24 = arith.constant 0 : i32
    %scan3A_25 = arith.constant 80 : i32
    %scan3A_26 = arith.addi %scan3A_24, %scan3A_25 : i32
    %scan3A_27 = arith.constant 1 : i32
    scf.for %scan3A_133 = %scan3A_24 to %scan3A_26 step %scan3A_27  : i32 {
      %broadcast_in_dim3A = arith.constant 0.000000e+00 : f32
      %broadcast_in_dim3A_134 = vector.broadcast %broadcast_in_dim3A : f32 to vector<16xf32>
      %swap3A = arith.index_cast %scan3A_133 : i32 to index
      %swap3A_135 = arith.constant 0 : index
      %swap3A_136 = tpu.vector_load %arg22[%swap3A, %swap3A_135] {strides = array<i32>} : memref<80x16xf32, #tpu.memory_space<vmem>>, vector<1x16xf32>,
      %swap3A_137 = vector.shape_cast %swap3A_136 : vector<1x16xf32> to vector<16xf32>
      %swap3A_138 = vector.shape_cast %broadcast_in_dim3A_134 : vector<16xf32> to vector<1x16xf32>
      tpu.vector_store %arg22[%swap3A, %swap3A_135], %swap3A_138 {strides = array<i32>} : memref<80x16xf32, #tpu.memory_space<vmem>>, vector<1x16xf32>,
    }
    %scan3A_28 = arith.constant 80 : i32
    %add3A_29 = arith.constant 0 : i32
    %add3A_30 = arith.addi %mul3A_0, %add3A_29 : i32
    "tpu.region"() ({
      %run_scoped3A = tpu.sem_alloc : memref<!tpu.dma_semaphore, #tpu.memory_space<semaphore_mem>>
      %dma_start3A_133 = arith.constant 0 : i32
      %dma_start3A_134 = tpu.memref_slice %arg23[%add3A_30, %dma_start3A_133] : memref<10008x16xf32, #tpu.memory_space<vmem_shared>> -> memref<80x16xf32, #tpu.memory_space<vmem_shared>>
      %dma_start3A_135 = arith.constant 0 : i32
      %dma_start3A_136 = tpu.memref_slice %arg23[%add3A_30, %dma_start3A_135] : memref<10008x16xf32, #tpu.memory_space<vmem_shared>> -> memref<80x16xf32, #tpu.memory_space<vmem_shared>>
      tpu.enqueue_dma source(%arg22 : memref<80x16xf32, #tpu.memory_space<vmem>>) target(%dma_start3A_136 : memref<80x16xf32, #tpu.memory_space<vmem_shared>>) target_semaphore(%run_scoped3A : memref<!tpu.dma_semaphore, #tpu.memory_space<semaphore_mem>>)
      %dma_wait3A_137 = arith.constant 0 : i32
      %dma_wait3A_138 = tpu.memref_slice %arg23[%add3A_30, %dma_wait3A_137] : memref<10008x16xf32, #tpu.memory_space<vmem_shared>> -> memref<80x16xf32, #tpu.memory_space<vmem_shared>>
      %dma_wait3A_139 = arith.constant 0 : i32
      %dma_wait3A_140 = tpu.memref_slice %arg23[%add3A_30, %dma_wait3A_139] : memref<10008x16xf32, #tpu.memory_space<vmem_shared>> -> memref<80x16xf32, #tpu.memory_space<vmem_shared>>
      tpu.wait_dma2 semaphore(%run_scoped3A : memref<!tpu.dma_semaphore, #tpu.memory_space<semaphore_mem>>) src(%arg22 : memref<80x16xf32, #tpu.memory_space<vmem>>) dst(%dma_wait3A_140 : memref<80x16xf32, #tpu.memory_space<vmem_shared>>)
      tpu.yield
    }) : () -> ()
    %add3A_31 = arith.constant 80 : i32
    %add3A_32 = arith.addi %mul3A_0, %add3A_31 : i32
    "tpu.region"() ({
      %run_scoped3A = tpu.sem_alloc : memref<!tpu.dma_semaphore, #tpu.memory_space<semaphore_mem>>
      %dma_start3A_133 = arith.constant 0 : i32
      %dma_start3A_134 = tpu.memref_slice %arg23[%add3A_32, %dma_start3A_133] : memref<10008x16xf32, #tpu.memory_space<vmem_shared>> -> memref<80x16xf32, #tpu.memory_space<vmem_shared>>
      %dma_start3A_135 = arith.constant 0 : i32
      %dma_start3A_136 = tpu.memref_slice %arg23[%add3A_32, %dma_start3A_135] : memref<10008x16xf32, #tpu.memory_space<vmem_shared>> -> memref<80x16xf32, #tpu.memory_space<vmem_shared>>
      tpu.enqueue_dma source(%arg22 : memref<80x16xf32, #tpu.memory_space<vmem>>) target(%dma_start3A_136 : memref<80x16xf32, #tpu.memory_space<vmem_shared>>) target_semaphore(%run_scoped3A : memref<!tpu.dma_semaphore, #tpu.memory_space<semaphore_mem>>)
      %dma_wait3A_137 = arith.constant 0 : i32
      %dma_wait3A_138 = tpu.memref_slice %arg23[%add3A_32, %dma_wait3A_137] : memref<10008x16xf32, #tpu.memory_space<vmem_shared>> -> memref<80x16xf32, #tpu.memory_space<vmem_shared>>
      %dma_wait3A_139 = arith.constant 0 : i32
      %dma_wait3A_140 = tpu.memref_slice %arg23[%add3A_32, %dma_wait3A_139] : memref<10008x16xf32, #tpu.memory_space<vmem_shared>> -> memref<80x16xf32, #tpu.memory_space<vmem_shared>>
      tpu.wait_dma2 semaphore(%run_scoped3A : memref<!tpu.dma_semaphore, #tpu.memory_space<semaphore_mem>>) src(%arg22 : memref<80x16xf32, #tpu.memory_space<vmem>>) dst(%dma_wait3A_140 : memref<80x16xf32, #tpu.memory_space<vmem_shared>>)
      tpu.yield
    }) : () -> ()
    %add3A_33 = arith.constant 160 : i32
    %add3A_34 = arith.addi %mul3A_0, %add3A_33 : i32
    "tpu.region"() ({
      %run_scoped3A = tpu.sem_alloc : memref<!tpu.dma_semaphore, #tpu.memory_space<semaphore_mem>>
      %dma_start3A_133 = arith.constant 0 : i32
      %dma_start3A_134 = tpu.memref_slice %arg23[%add3A_34, %dma_start3A_133] : memref<10008x16xf32, #tpu.memory_space<vmem_shared>> -> memref<80x16xf32, #tpu.memory_space<vmem_shared>>
      %dma_start3A_135 = arith.constant 0 : i32
      %dma_start3A_136 = tpu.memref_slice %arg23[%add3A_34, %dma_start3A_135] : memref<10008x16xf32, #tpu.memory_space<vmem_shared>> -> memref<80x16xf32, #tpu.memory_space<vmem_shared>>
      tpu.enqueue_dma source(%arg22 : memref<80x16xf32, #tpu.memory_space<vmem>>) target(%dma_start3A_136 : memref<80x16xf32, #tpu.memory_space<vmem_shared>>) target_semaphore(%run_scoped3A : memref<!tpu.dma_semaphore, #tpu.memory_space<semaphore_mem>>)
      %dma_wait3A_137 = arith.constant 0 : i32
      %dma_wait3A_138 = tpu.memref_slice %arg23[%add3A_34, %dma_wait3A_137] : memref<10008x16xf32, #tpu.memory_space<vmem_shared>> -> memref<80x16xf32, #tpu.memory_space<vmem_shared>>
      %dma_wait3A_139 = arith.constant 0 : i32
      %dma_wait3A_140 = tpu.memref_slice %arg23[%add3A_34, %dma_wait3A_139] : memref<10008x16xf32, #tpu.memory_space<vmem_shared>> -> memref<80x16xf32, #tpu.memory_space<vmem_shared>>
      tpu.wait_dma2 semaphore(%run_scoped3A : memref<!tpu.dma_semaphore, #tpu.memory_space<semaphore_mem>>) src(%arg22 : memref<80x16xf32, #tpu.memory_space<vmem>>) dst(%dma_wait3A_140 : memref<80x16xf32, #tpu.memory_space<vmem_shared>>)
      tpu.yield
    }) : () -> ()
    %add3A_35 = arith.constant 240 : i32
    %add3A_36 = arith.addi %mul3A_0, %add3A_35 : i32
    "tpu.region"() ({
      %run_scoped3A = tpu.sem_alloc : memref<!tpu.dma_semaphore, #tpu.memory_space<semaphore_mem>>
      %dma_start3A_133 = arith.constant 0 : i32
      %dma_start3A_134 = tpu.memref_slice %arg23[%add3A_36, %dma_start3A_133] : memref<10008x16xf32, #tpu.memory_space<vmem_shared>> -> memref<80x16xf32, #tpu.memory_space<vmem_shared>>
      %dma_start3A_135 = arith.constant 0 : i32
      %dma_start3A_136 = tpu.memref_slice %arg23[%add3A_36, %dma_start3A_135] : memref<10008x16xf32, #tpu.memory_space<vmem_shared>> -> memref<80x16xf32, #tpu.memory_space<vmem_shared>>
      tpu.enqueue_dma source(%arg22 : memref<80x16xf32, #tpu.memory_space<vmem>>) target(%dma_start3A_136 : memref<80x16xf32, #tpu.memory_space<vmem_shared>>) target_semaphore(%run_scoped3A : memref<!tpu.dma_semaphore, #tpu.memory_space<semaphore_mem>>)
      %dma_wait3A_137 = arith.constant 0 : i32
      %dma_wait3A_138 = tpu.memref_slice %arg23[%add3A_36, %dma_wait3A_137] : memref<10008x16xf32, #tpu.memory_space<vmem_shared>> -> memref<80x16xf32, #tpu.memory_space<vmem_shared>>
      %dma_wait3A_139 = arith.constant 0 : i32
      %dma_wait3A_140 = tpu.memref_slice %arg23[%add3A_36, %dma_wait3A_139] : memref<10008x16xf32, #tpu.memory_space<vmem_shared>> -> memref<80x16xf32, #tpu.memory_space<vmem_shared>>
      tpu.wait_dma2 semaphore(%run_scoped3A : memref<!tpu.dma_semaphore, #tpu.memory_space<semaphore_mem>>) src(%arg22 : memref<80x16xf32, #tpu.memory_space<vmem>>) dst(%dma_wait3A_140 : memref<80x16xf32, #tpu.memory_space<vmem_shared>>)
      tpu.yield
    }) : () -> ()
    %add3A_37 = arith.constant 320 : i32
    %add3A_38 = arith.addi %mul3A_0, %add3A_37 : i32
    "tpu.region"() ({
      %run_scoped3A = tpu.sem_alloc : memref<!tpu.dma_semaphore, #tpu.memory_space<semaphore_mem>>
      %dma_start3A_133 = arith.constant 0 : i32
      %dma_start3A_134 = tpu.memref_slice %arg23[%add3A_38, %dma_start3A_133] : memref<10008x16xf32, #tpu.memory_space<vmem_shared>> -> memref<80x16xf32, #tpu.memory_space<vmem_shared>>
      %dma_start3A_135 = arith.constant 0 : i32
      %dma_start3A_136 = tpu.memref_slice %arg23[%add3A_38, %dma_start3A_135] : memref<10008x16xf32, #tpu.memory_space<vmem_shared>> -> memref<80x16xf32, #tpu.memory_space<vmem_shared>>
      tpu.enqueue_dma source(%arg22 : memref<80x16xf32, #tpu.memory_space<vmem>>) target(%dma_start3A_136 : memref<80x16xf32, #tpu.memory_space<vmem_shared>>) target_semaphore(%run_scoped3A : memref<!tpu.dma_semaphore, #tpu.memory_space<semaphore_mem>>)
      %dma_wait3A_137 = arith.constant 0 : i32
      %dma_wait3A_138 = tpu.memref_slice %arg23[%add3A_38, %dma_wait3A_137] : memref<10008x16xf32, #tpu.memory_space<vmem_shared>> -> memref<80x16xf32, #tpu.memory_space<vmem_shared>>
      %dma_wait3A_139 = arith.constant 0 : i32
      %dma_wait3A_140 = tpu.memref_slice %arg23[%add3A_38, %dma_wait3A_139] : memref<10008x16xf32, #tpu.memory_space<vmem_shared>> -> memref<80x16xf32, #tpu.memory_space<vmem_shared>>
      tpu.wait_dma2 semaphore(%run_scoped3A : memref<!tpu.dma_semaphore, #tpu.memory_space<semaphore_mem>>) src(%arg22 : memref<80x16xf32, #tpu.memory_space<vmem>>) dst(%dma_wait3A_140 : memref<80x16xf32, #tpu.memory_space<vmem_shared>>)
      tpu.yield
    }) : () -> ()
    %add3A_39 = arith.constant 400 : i32
    %add3A_40 = arith.addi %mul3A_0, %add3A_39 : i32
    "tpu.region"() ({
      %run_scoped3A = tpu.sem_alloc : memref<!tpu.dma_semaphore, #tpu.memory_space<semaphore_mem>>
      %dma_start3A_133 = arith.constant 0 : i32
      %dma_start3A_134 = tpu.memref_slice %arg23[%add3A_40, %dma_start3A_133] : memref<10008x16xf32, #tpu.memory_space<vmem_shared>> -> memref<80x16xf32, #tpu.memory_space<vmem_shared>>
      %dma_start3A_135 = arith.constant 0 : i32
      %dma_start3A_136 = tpu.memref_slice %arg23[%add3A_40, %dma_start3A_135] : memref<10008x16xf32, #tpu.memory_space<vmem_shared>> -> memref<80x16xf32, #tpu.memory_space<vmem_shared>>
      tpu.enqueue_dma source(%arg22 : memref<80x16xf32, #tpu.memory_space<vmem>>) target(%dma_start3A_136 : memref<80x16xf32, #tpu.memory_space<vmem_shared>>) target_semaphore(%run_scoped3A : memref<!tpu.dma_semaphore, #tpu.memory_space<semaphore_mem>>)
      %dma_wait3A_137 = arith.constant 0 : i32
      %dma_wait3A_138 = tpu.memref_slice %arg23[%add3A_40, %dma_wait3A_137] : memref<10008x16xf32, #tpu.memory_space<vmem_shared>> -> memref<80x16xf32, #tpu.memory_space<vmem_shared>>
      %dma_wait3A_139 = arith.constant 0 : i32
      %dma_wait3A_140 = tpu.memref_slice %arg23[%add3A_40, %dma_wait3A_139] : memref<10008x16xf32, #tpu.memory_space<vmem_shared>> -> memref<80x16xf32, #tpu.memory_space<vmem_shared>>
      tpu.wait_dma2 semaphore(%run_scoped3A : memref<!tpu.dma_semaphore, #tpu.memory_space<semaphore_mem>>) src(%arg22 : memref<80x16xf32, #tpu.memory_space<vmem>>) dst(%dma_wait3A_140 : memref<80x16xf32, #tpu.memory_space<vmem_shared>>)
      tpu.yield
    }) : () -> ()
    %add3A_41 = arith.constant 480 : i32
    %add3A_42 = arith.addi %mul3A_0, %add3A_41 : i32
    "tpu.region"() ({
      %run_scoped3A = tpu.sem_alloc : memref<!tpu.dma_semaphore, #tpu.memory_space<semaphore_mem>>
      %dma_start3A_133 = arith.constant 0 : i32
      %dma_start3A_134 = tpu.memref_slice %arg23[%add3A_42, %dma_start3A_133] : memref<10008x16xf32, #tpu.memory_space<vmem_shared>> -> memref<80x16xf32, #tpu.memory_space<vmem_shared>>
      %dma_start3A_135 = arith.constant 0 : i32
      %dma_start3A_136 = tpu.memref_slice %arg23[%add3A_42, %dma_start3A_135] : memref<10008x16xf32, #tpu.memory_space<vmem_shared>> -> memref<80x16xf32, #tpu.memory_space<vmem_shared>>
      tpu.enqueue_dma source(%arg22 : memref<80x16xf32, #tpu.memory_space<vmem>>) target(%dma_start3A_136 : memref<80x16xf32, #tpu.memory_space<vmem_shared>>) target_semaphore(%run_scoped3A : memref<!tpu.dma_semaphore, #tpu.memory_space<semaphore_mem>>)
      %dma_wait3A_137 = arith.constant 0 : i32
      %dma_wait3A_138 = tpu.memref_slice %arg23[%add3A_42, %dma_wait3A_137] : memref<10008x16xf32, #tpu.memory_space<vmem_shared>> -> memref<80x16xf32, #tpu.memory_space<vmem_shared>>
      %dma_wait3A_139 = arith.constant 0 : i32
      %dma_wait3A_140 = tpu.memref_slice %arg23[%add3A_42, %dma_wait3A_139] : memref<10008x16xf32, #tpu.memory_space<vmem_shared>> -> memref<80x16xf32, #tpu.memory_space<vmem_shared>>
      tpu.wait_dma2 semaphore(%run_scoped3A : memref<!tpu.dma_semaphore, #tpu.memory_space<semaphore_mem>>) src(%arg22 : memref<80x16xf32, #tpu.memory_space<vmem>>) dst(%dma_wait3A_140 : memref<80x16xf32, #tpu.memory_space<vmem_shared>>)
      tpu.yield
    }) : () -> ()
    %add3A_43 = arith.constant 560 : i32
    %add3A_44 = arith.addi %mul3A_0, %add3A_43 : i32
    "tpu.region"() ({
      %run_scoped3A = tpu.sem_alloc : memref<!tpu.dma_semaphore, #tpu.memory_space<semaphore_mem>>
      %dma_start3A_133 = arith.constant 0 : i32
      %dma_start3A_134 = arith.constant 0 : i32
      %dma_start3A_135 = tpu.memref_slice %arg22[%dma_start3A_133, %dma_start3A_134] : memref<80x16xf32, #tpu.memory_space<vmem>> -> memref<64x16xf32, #tpu.memory_space<vmem>>
      %dma_start3A_136 = arith.constant 0 : i32
      %dma_start3A_137 = tpu.memref_slice %arg23[%add3A_44, %dma_start3A_136] : memref<10008x16xf32, #tpu.memory_space<vmem_shared>> -> memref<64x16xf32, #tpu.memory_space<vmem_shared>>
      %dma_start3A_138 = arith.constant 0 : i32
      %dma_start3A_139 = tpu.memref_slice %arg23[%add3A_44, %dma_start3A_138] : memref<10008x16xf32, #tpu.memory_space<vmem_shared>> -> memref<64x16xf32, #tpu.memory_space<vmem_shared>>
      %dma_start3A_140 = arith.constant 0 : i32
      %dma_start3A_141 = arith.constant 0 : i32
      %dma_start3A_142 = tpu.memref_slice %arg22[%dma_start3A_140, %dma_start3A_141] : memref<80x16xf32, #tpu.memory_space<vmem>> -> memref<64x16xf32, #tpu.memory_space<vmem>>
      tpu.enqueue_dma source(%dma_start3A_142 : memref<64x16xf32, #tpu.memory_space<vmem>>) target(%dma_start3A_139 : memref<64x16xf32, #tpu.memory_space<vmem_shared>>) target_semaphore(%run_scoped3A : memref<!tpu.dma_semaphore, #tpu.memory_space<semaphore_mem>>)
      %dma_wait3A_143 = arith.constant 0 : i32
      %dma_wait3A_144 = arith.constant 0 : i32
      %dma_wait3A_145 = tpu.memref_slice %arg22[%dma_wait3A_143, %dma_wait3A_144] : memref<80x16xf32, #tpu.memory_space<vmem>> -> memref<64x16xf32, #tpu.memory_space<vmem>>
      %dma_wait3A_146 = arith.constant 0 : i32
      %dma_wait3A_147 = tpu.memref_slice %arg23[%add3A_44, %dma_wait3A_146] : memref<10008x16xf32, #tpu.memory_space<vmem_shared>> -> memref<64x16xf32, #tpu.memory_space<vmem_shared>>
      %dma_wait3A_148 = arith.constant 0 : i32
      %dma_wait3A_149 = tpu.memref_slice %arg23[%add3A_44, %dma_wait3A_148] : memref<10008x16xf32, #tpu.memory_space<vmem_shared>> -> memref<64x16xf32, #tpu.memory_space<vmem_shared>>
      %dma_wait3A_150 = arith.constant 0 : i32
      %dma_wait3A_151 = arith.constant 0 : i32
      %dma_wait3A_152 = tpu.memref_slice %arg22[%dma_wait3A_150, %dma_wait3A_151] : memref<80x16xf32, #tpu.memory_space<vmem>> -> memref<64x16xf32, #tpu.memory_space<vmem>>
      tpu.wait_dma2 semaphore(%run_scoped3A : memref<!tpu.dma_semaphore, #tpu.memory_space<semaphore_mem>>) src(%dma_wait3A_152 : memref<64x16xf32, #tpu.memory_space<vmem>>) dst(%dma_wait3A_149 : memref<64x16xf32, #tpu.memory_space<vmem_shared>>)
      tpu.yield
    }) : () -> ()
    %eq3A_45 = arith.constant 0 : i32
    %eq3A_46 = arith.cmpi eq, %arg1, %eq3A_45 : i32
    %convert_element_type3A_47 = arith.extui %eq3A_46 : i1 to i32
    %cond3A_48 = arith.constant 0 : i32
    %cond3A_49 = arith.cmpi ne, %convert_element_type3A_47, %cond3A_48 : i32
    scf.if %cond3A_49 {
      "tpu.region"() ({
        %run_scoped3A = tpu.sem_alloc : memref<!tpu.dma_semaphore, #tpu.memory_space<semaphore_mem>>
        %dma_start3A_133 = arith.constant 0 : i32
        %dma_start3A_134 = arith.constant 0 : i32
        %dma_start3A_135 = tpu.memref_slice %arg22[%dma_start3A_133, %dma_start3A_134] : memref<80x16xf32, #tpu.memory_space<vmem>> -> memref<16x16xf32, #tpu.memory_space<vmem>>
        %dma_start3A_136 = arith.constant 9984 : i32
        %dma_start3A_137 = arith.constant 0 : i32
        %dma_start3A_138 = tpu.memref_slice %arg23[%dma_start3A_136, %dma_start3A_137] : memref<10008x16xf32, #tpu.memory_space<vmem_shared>> -> memref<16x16xf32, #tpu.memory_space<vmem_shared>>
        %dma_start3A_139 = arith.constant 9984 : i32
        %dma_start3A_140 = arith.constant 0 : i32
        %dma_start3A_141 = tpu.memref_slice %arg23[%dma_start3A_139, %dma_start3A_140] : memref<10008x16xf32, #tpu.memory_space<vmem_shared>> -> memref<16x16xf32, #tpu.memory_space<vmem_shared>>
        %dma_start3A_142 = arith.constant 0 : i32
        %dma_start3A_143 = arith.constant 0 : i32
        %dma_start3A_144 = tpu.memref_slice %arg22[%dma_start3A_142, %dma_start3A_143] : memref<80x16xf32, #tpu.memory_space<vmem>> -> memref<16x16xf32, #tpu.memory_space<vmem>>
        tpu.enqueue_dma source(%dma_start3A_144 : memref<16x16xf32, #tpu.memory_space<vmem>>) target(%dma_start3A_141 : memref<16x16xf32, #tpu.memory_space<vmem_shared>>) target_semaphore(%run_scoped3A : memref<!tpu.dma_semaphore, #tpu.memory_space<semaphore_mem>>)
        %dma_wait3A_145 = arith.constant 0 : i32
        %dma_wait3A_146 = arith.constant 0 : i32
        %dma_wait3A_147 = tpu.memref_slice %arg22[%dma_wait3A_145, %dma_wait3A_146] : memref<80x16xf32, #tpu.memory_space<vmem>> -> memref<16x16xf32, #tpu.memory_space<vmem>>
        %dma_wait3A_148 = arith.constant 9984 : i32
        %dma_wait3A_149 = arith.constant 0 : i32
        %dma_wait3A_150 = tpu.memref_slice %arg23[%dma_wait3A_148, %dma_wait3A_149] : memref<10008x16xf32, #tpu.memory_space<vmem_shared>> -> memref<16x16xf32, #tpu.memory_space<vmem_shared>>
        %dma_wait3A_151 = arith.constant 9984 : i32
        %dma_wait3A_152 = arith.constant 0 : i32
        %dma_wait3A_153 = tpu.memref_slice %arg23[%dma_wait3A_151, %dma_wait3A_152] : memref<10008x16xf32, #tpu.memory_space<vmem_shared>> -> memref<16x16xf32, #tpu.memory_space<vmem_shared>>
        %dma_wait3A_154 = arith.constant 0 : i32
        %dma_wait3A_155 = arith.constant 0 : i32
        %dma_wait3A_156 = tpu.memref_slice %arg22[%dma_wait3A_154, %dma_wait3A_155] : memref<80x16xf32, #tpu.memory_space<vmem>> -> memref<16x16xf32, #tpu.memory_space<vmem>>
        tpu.wait_dma2 semaphore(%run_scoped3A : memref<!tpu.dma_semaphore, #tpu.memory_space<semaphore_mem>>) src(%dma_wait3A_156 : memref<16x16xf32, #tpu.memory_space<vmem>>) dst(%dma_wait3A_153 : memref<16x16xf32, #tpu.memory_space<vmem_shared>>)
        tpu.yield
      }) : () -> ()
    } else {
    }
    %scan3A_50 = arith.constant 0 : i32
    %scan3A_51 = arith.constant 0 : i32
    %scan3A_52 = arith.constant 80 : i32
    %scan3A_53 = arith.addi %scan3A_51, %scan3A_52 : i32
    %scan3A_54 = arith.constant 1 : i32
    scf.for %scan3A_133 = %scan3A_51 to %scan3A_53 step %scan3A_54  : i32 {
      %broadcast_in_dim3A = arith.constant 1.000000e+00 : f32
      %broadcast_in_dim3A_134 = vector.broadcast %broadcast_in_dim3A : f32 to vector<16xf32>
      %swap3A = arith.index_cast %scan3A_133 : i32 to index
      %swap3A_135 = arith.constant 0 : index
      %swap3A_136 = tpu.vector_load %arg22[%swap3A, %swap3A_135] {strides = array<i32>} : memref<80x16xf32, #tpu.memory_space<vmem>>, vector<1x16xf32>,
      %swap3A_137 = vector.shape_cast %swap3A_136 : vector<1x16xf32> to vector<16xf32>
      %swap3A_138 = vector.shape_cast %broadcast_in_dim3A_134 : vector<16xf32> to vector<1x16xf32>
      tpu.vector_store %arg22[%swap3A, %swap3A_135], %swap3A_138 {strides = array<i32>} : memref<80x16xf32, #tpu.memory_space<vmem>>, vector<1x16xf32>,
    }
    %scan3A_55 = arith.constant 80 : i32
    %barrier3A = arith.constant 0 : index
    tpu.barrier barrier_id(%barrier3A)
    %mul3A_56 = arith.constant 320000 : i32
    %mul3A_57 = arith.muli %arg0, %mul3A_56 : i32
    %mul3A_58 = arith.constant 20000 : i32
    %mul3A_59 = arith.muli %arg1, %mul3A_58 : i32
    %add3A_60 = arith.addi %mul3A_57, %mul3A_59 : i32
    %add3A_61 = arith.constant 0 : i32
    %add3A_62 = arith.addi %add3A_60, %add3A_61 : i32
    %dma_start3A = tpu.memref_slice %arg3[%add3A_62] : memref<640000xi32, #tpu.memory_space<hbm>> -> memref<80xi32, #tpu.memory_space<hbm>>
    %dma_start3A_63 = tpu.memref_slice %arg3[%add3A_62] : memref<640000xi32, #tpu.memory_space<hbm>> -> memref<80xi32, #tpu.memory_space<hbm>>
    tpu.enqueue_dma source(%dma_start3A_63 : memref<80xi32, #tpu.memory_space<hbm>>) target(%arg7 : memref<80xi32, #tpu.memory_space<vmem>>) target_semaphore(%arg18 : memref<!tpu.dma_semaphore, #tpu.memory_space<semaphore_mem>>)
    %mul3A_64 = arith.constant 320000 : i32
    %mul3A_65 = arith.muli %arg0, %mul3A_64 : i32
    %mul3A_66 = arith.constant 20000 : i32
    %mul3A_67 = arith.muli %arg1, %mul3A_66 : i32
    %add3A_68 = arith.addi %mul3A_65, %mul3A_67 : i32
    %add3A_69 = arith.constant 80 : i32
    %add3A_70 = arith.addi %add3A_68, %add3A_69 : i32
    %dma_start3A_71 = tpu.memref_slice %arg3[%add3A_70] : memref<640000xi32, #tpu.memory_space<hbm>> -> memref<80xi32, #tpu.memory_space<hbm>>
    %dma_start3A_72 = tpu.memref_slice %arg3[%add3A_70] : memref<640000xi32, #tpu.memory_space<hbm>> -> memref<80xi32, #tpu.memory_space<hbm>>
    tpu.enqueue_dma source(%dma_start3A_72 : memref<80xi32, #tpu.memory_space<hbm>>) target(%arg8 : memref<80xi32, #tpu.memory_space<vmem>>) target_semaphore(%arg19 : memref<!tpu.dma_semaphore, #tpu.memory_space<semaphore_mem>>)
    %mul3A_73 = arith.constant 20000 : i32
    %mul3A_74 = arith.muli %arg1, %mul3A_73 : i32
    %add3A_75 = arith.constant 0 : i32
    %add3A_76 = arith.addi %mul3A_74, %add3A_75 : i32
    %dma_start3A_77 = tpu.memref_slice %arg4[%add3A_76] : memref<320000xi32, #tpu.memory_space<hbm>> -> memref<80xi32, #tpu.memory_space<hbm>>
    %dma_start3A_78 = tpu.memref_slice %arg4[%add3A_76] : memref<320000xi32, #tpu.memory_space<hbm>> -> memref<80xi32, #tpu.memory_space<hbm>>
    tpu.enqueue_dma source(%dma_start3A_78 : memref<80xi32, #tpu.memory_space<hbm>>) target(%arg9 : memref<80xi32, #tpu.memory_space<vmem>>) target_semaphore(%arg20 : memref<!tpu.dma_semaphore, #tpu.memory_space<semaphore_mem>>)
    %mul3A_79 = arith.constant 20000 : i32
    %mul3A_80 = arith.muli %arg1, %mul3A_79 : i32
    %add3A_81 = arith.constant 80 : i32
    %add3A_82 = arith.addi %mul3A_80, %add3A_81 : i32
    %dma_start3A_83 = tpu.memref_slice %arg4[%add3A_82] : memref<320000xi32, #tpu.memory_space<hbm>> -> memref<80xi32, #tpu.memory_space<hbm>>
    %dma_start3A_84 = tpu.memref_slice %arg4[%add3A_82] : memref<320000xi32, #tpu.memory_space<hbm>> -> memref<80xi32, #tpu.memory_space<hbm>>
    tpu.enqueue_dma source(%dma_start3A_84 : memref<80xi32, #tpu.memory_space<hbm>>) target(%arg10 : memref<80xi32, #tpu.memory_space<vmem>>) target_semaphore(%arg21 : memref<!tpu.dma_semaphore, #tpu.memory_space<semaphore_mem>>)
    %dma_wait3A = arith.constant 0 : i32
    %dma_wait3A_85 = tpu.memref_slice %arg3[%dma_wait3A] : memref<640000xi32, #tpu.memory_space<hbm>> -> memref<80xi32, #tpu.memory_space<hbm>>
    %dma_wait3A_86 = arith.constant 0 : i32
    %dma_wait3A_87 = tpu.memref_slice %arg3[%dma_wait3A_86] : memref<640000xi32, #tpu.memory_space<hbm>> -> memref<80xi32, #tpu.memory_space<hbm>>
    tpu.wait_dma2 semaphore(%arg18 : memref<!tpu.dma_semaphore, #tpu.memory_space<semaphore_mem>>) src(%dma_wait3A_87 : memref<80xi32, #tpu.memory_space<hbm>>) dst(%arg7 : memref<80xi32, #tpu.memory_space<vmem>>)
    %dma_start3A_88 = arith.constant 0 : i32
    %dma_start3A_89 = arith.constant 0 : i32
    %dma_start3A_90 = tpu.memref_slice %arg2[%dma_start3A_88, %dma_start3A_89] : memref<20000x64xf32, #tpu.memory_space<hbm>> -> memref<20000x64xf32, #tpu.memory_space<hbm>>
    tpu.enqueue_indirect_dma source(%dma_start3A_90 : memref<20000x64xf32, #tpu.memory_space<hbm>>) target(%arg11 : memref<80x64xf32, #tpu.memory_space<vmem>>) offsets(%arg7 : memref<80xi32, #tpu.memory_space<vmem>>) semaphore(%arg14 : memref<!tpu.dma_semaphore, #tpu.memory_space<semaphore_mem>>)
    %scan3A_91 = arith.constant 0 : i32
    %scan3A_92 = arith.constant 0 : i32
    %scan3A_93 = arith.constant 125 : i32
    %scan3A_94 = arith.addi %scan3A_92, %scan3A_93 : i32
    %scan3A_95 = arith.constant 1 : i32
    scf.for %scan3A_133 = %scan3A_92 to %scan3A_94 step %scan3A_95  : i32 {
      %mul3A_134 = arith.constant 2 : i32
      %mul3A_135 = arith.muli %mul3A_134, %scan3A_133 : i32
      %mul3A_136 = arith.constant 2 : i32
      %mul3A_137 = arith.muli %mul3A_136, %scan3A_133 : i32
      %add3A_138 = arith.constant 1 : i32
      %add3A_139 = arith.addi %mul3A_137, %add3A_138 : i32
      %gt3A = arith.constant 0 : i32
      %gt3A_140 = arith.cmpi sgt, %scan3A_133, %gt3A : i32
      %convert_element_type3A_141 = arith.extui %gt3A_140 : i1 to i32
      %cond3A_142 = arith.constant 0 : i32
      %cond3A_143 = arith.cmpi ne, %convert_element_type3A_141, %cond3A_142 : i32
      scf.if %cond3A_143 {
        %dma_wait3A_215 = arith.constant 0 : i32
        %dma_wait3A_216 = arith.constant 0 : i32
        %dma_wait3A_217 = tpu.memref_slice %arg13[%dma_wait3A_215, %dma_wait3A_216] : memref<10008x64xf32, #tpu.memory_space<vmem_shared>> -> memref<10008x64xf32, #tpu.memory_space<vmem_shared>>
        tpu.wait_indirect_dma semaphore(%arg17 : memref<!tpu.dma_semaphore, #tpu.memory_space<semaphore_mem>>) src(%arg12 : memref<80x64xf32, #tpu.memory_space<vmem>>) dst(%dma_wait3A_217 : memref<10008x64xf32, #tpu.memory_space<vmem_shared>>)
        %sub3A = arith.constant 2 : i32
        %sub3A_218 = arith.subi %add3A_139, %sub3A : i32
        %eq3A_219 = arith.constant 0 : i32
        %eq3A_220 = arith.cmpi eq, %arg0, %eq3A_219 : i32
        %lt3A_221 = arith.constant 125 : i32
        %lt3A_222 = arith.cmpi slt, %sub3A_218, %lt3A_221 : i32
        %and3A_223 = arith.andi %eq3A_220, %lt3A_222 : i1
        %eq3A_224 = arith.constant 1 : i32
        %eq3A_225 = arith.cmpi eq, %arg0, %eq3A_224 : i32
        %ge3A_226 = arith.constant 125 : i32
        %ge3A_227 = arith.cmpi sge, %sub3A_218, %ge3A_226 : i32
        %and3A_228 = arith.andi %eq3A_225, %ge3A_227 : i1
        %or3A_229 = arith.ori %and3A_223, %and3A_228 : i1
        %convert_element_type3A_230 = arith.extui %or3A_229 : i1 to i32
        %cond3A_231 = arith.constant 0 : i32
        %cond3A_232 = arith.cmpi ne, %convert_element_type3A_230, %cond3A_231 : i32
        scf.if %cond3A_232 {
          %dma_wait3A_240 = arith.constant 0 : i32
          %dma_wait3A_241 = arith.constant 0 : i32
          %dma_wait3A_242 = tpu.memref_slice %arg23[%dma_wait3A_240, %dma_wait3A_241] : memref<10008x16xf32, #tpu.memory_space<vmem_shared>> -> memref<10008x16xf32, #tpu.memory_space<vmem_shared>>
          tpu.wait_indirect_dma semaphore(%arg25 : memref<!tpu.dma_semaphore, #tpu.memory_space<semaphore_mem>>) src(%arg22 : memref<80x16xf32, #tpu.memory_space<vmem>>) dst(%dma_wait3A_242 : memref<10008x16xf32, #tpu.memory_space<vmem_shared>>)
        } else {
        }
        %mul3A_233 = arith.constant 20000 : i32
        %mul3A_234 = arith.muli %arg1, %mul3A_233 : i32
        %mul3A_235 = arith.constant 80 : i32
        %mul3A_236 = arith.muli %add3A_139, %mul3A_235 : i32
        %add3A_237 = arith.addi %mul3A_234, %mul3A_236 : i32
        %dma_start3A_238 = tpu.memref_slice %arg4[%add3A_237] : memref<320000xi32, #tpu.memory_space<hbm>> -> memref<80xi32, #tpu.memory_space<hbm>>
        %dma_start3A_239 = tpu.memref_slice %arg4[%add3A_237] : memref<320000xi32, #tpu.memory_space<hbm>> -> memref<80xi32, #tpu.memory_space<hbm>>
        tpu.enqueue_dma source(%dma_start3A_239 : memref<80xi32, #tpu.memory_space<hbm>>) target(%arg10 : memref<80xi32, #tpu.memory_space<vmem>>) target_semaphore(%arg21 : memref<!tpu.dma_semaphore, #tpu.memory_space<semaphore_mem>>)
      } else {
      }
      %dma_wait3A_144 = arith.constant 0 : i32
      %dma_wait3A_145 = tpu.memref_slice %arg3[%dma_wait3A_144] : memref<640000xi32, #tpu.memory_space<hbm>> -> memref<80xi32, #tpu.memory_space<hbm>>
      %dma_wait3A_146 = arith.constant 0 : i32
      %dma_wait3A_147 = tpu.memref_slice %arg3[%dma_wait3A_146] : memref<640000xi32, #tpu.memory_space<hbm>> -> memref<80xi32, #tpu.memory_space<hbm>>
      tpu.wait_dma2 semaphore(%arg19 : memref<!tpu.dma_semaphore, #tpu.memory_space<semaphore_mem>>) src(%dma_wait3A_147 : memref<80xi32, #tpu.memory_space<hbm>>) dst(%arg8 : memref<80xi32, #tpu.memory_space<vmem>>)
      %dma_start3A_148 = arith.constant 0 : i32
      %dma_start3A_149 = arith.constant 0 : i32
      %dma_start3A_150 = tpu.memref_slice %arg2[%dma_start3A_148, %dma_start3A_149] : memref<20000x64xf32, #tpu.memory_space<hbm>> -> memref<20000x64xf32, #tpu.memory_space<hbm>>
      tpu.enqueue_indirect_dma source(%dma_start3A_150 : memref<20000x64xf32, #tpu.memory_space<hbm>>) target(%arg12 : memref<80x64xf32, #tpu.memory_space<vmem>>) offsets(%arg8 : memref<80xi32, #tpu.memory_space<vmem>>) semaphore(%arg15 : memref<!tpu.dma_semaphore, #tpu.memory_space<semaphore_mem>>)
      %dma_wait3A_151 = arith.constant 0 : i32
      %dma_wait3A_152 = arith.constant 0 : i32
      %dma_wait3A_153 = tpu.memref_slice %arg2[%dma_wait3A_151, %dma_wait3A_152] : memref<20000x64xf32, #tpu.memory_space<hbm>> -> memref<20000x64xf32, #tpu.memory_space<hbm>>
      tpu.wait_indirect_dma semaphore(%arg14 : memref<!tpu.dma_semaphore, #tpu.memory_space<semaphore_mem>>) src(%dma_wait3A_153 : memref<20000x64xf32, #tpu.memory_space<hbm>>) dst(%arg11 : memref<80x64xf32, #tpu.memory_space<vmem>>)
      %lt3A = arith.constant 124 : i32
      %lt3A_154 = arith.cmpi slt, %scan3A_133, %lt3A : i32
      %convert_element_type3A_155 = arith.extui %lt3A_154 : i1 to i32
      %cond3A_156 = arith.constant 0 : i32
      %cond3A_157 = arith.cmpi ne, %convert_element_type3A_155, %cond3A_156 : i32
      scf.if %cond3A_157 {
        %add3A_215 = arith.constant 2 : i32
        %add3A_216 = arith.addi %mul3A_135, %add3A_215 : i32
        %mul3A_217 = arith.constant 320000 : i32
        %mul3A_218 = arith.muli %arg0, %mul3A_217 : i32
        %mul3A_219 = arith.constant 20000 : i32
        %mul3A_220 = arith.muli %arg1, %mul3A_219 : i32
        %add3A_221 = arith.addi %mul3A_218, %mul3A_220 : i32
        %mul3A_222 = arith.constant 80 : i32
        %mul3A_223 = arith.muli %add3A_216, %mul3A_222 : i32
        %add3A_224 = arith.addi %add3A_221, %mul3A_223 : i32
        %dma_start3A_225 = tpu.memref_slice %arg3[%add3A_224] : memref<640000xi32, #tpu.memory_space<hbm>> -> memref<80xi32, #tpu.memory_space<hbm>>
        %dma_start3A_226 = tpu.memref_slice %arg3[%add3A_224] : memref<640000xi32, #tpu.memory_space<hbm>> -> memref<80xi32, #tpu.memory_space<hbm>>
        tpu.enqueue_dma source(%dma_start3A_226 : memref<80xi32, #tpu.memory_space<hbm>>) target(%arg7 : memref<80xi32, #tpu.memory_space<vmem>>) target_semaphore(%arg18 : memref<!tpu.dma_semaphore, #tpu.memory_space<semaphore_mem>>)
      } else {
      }
      %dma_wait3A_158 = arith.constant 0 : i32
      %dma_wait3A_159 = tpu.memref_slice %arg4[%dma_wait3A_158] : memref<320000xi32, #tpu.memory_space<hbm>> -> memref<80xi32, #tpu.memory_space<hbm>>
      %dma_wait3A_160 = arith.constant 0 : i32
      %dma_wait3A_161 = tpu.memref_slice %arg4[%dma_wait3A_160] : memref<320000xi32, #tpu.memory_space<hbm>> -> memref<80xi32, #tpu.memory_space<hbm>>
      tpu.wait_dma2 semaphore(%arg20 : memref<!tpu.dma_semaphore, #tpu.memory_space<semaphore_mem>>) src(%dma_wait3A_161 : memref<80xi32, #tpu.memory_space<hbm>>) dst(%arg9 : memref<80xi32, #tpu.memory_space<vmem>>)
      %dma_start3A_162 = arith.constant 0 : i32
      %dma_start3A_163 = arith.constant 0 : i32
      %dma_start3A_164 = tpu.memref_slice %arg13[%dma_start3A_162, %dma_start3A_163] : memref<10008x64xf32, #tpu.memory_space<vmem_shared>> -> memref<10008x64xf32, #tpu.memory_space<vmem_shared>>
      tpu.enqueue_indirect_dma source(%arg11 : memref<80x64xf32, #tpu.memory_space<vmem>>) target(%dma_start3A_164 : memref<10008x64xf32, #tpu.memory_space<vmem_shared>>) offsets(%arg9 : memref<80xi32, #tpu.memory_space<vmem>>) semaphore(%arg16 : memref<!tpu.dma_semaphore, #tpu.memory_space<semaphore_mem>>) {add = true}
      %eq3A_165 = arith.constant 0 : i32
      %eq3A_166 = arith.cmpi eq, %arg0, %eq3A_165 : i32
      %lt3A_167 = arith.constant 125 : i32
      %lt3A_168 = arith.cmpi slt, %mul3A_135, %lt3A_167 : i32
      %and3A_169 = arith.andi %eq3A_166, %lt3A_168 : i1
      %eq3A_170 = arith.constant 1 : i32
      %eq3A_171 = arith.cmpi eq, %arg0, %eq3A_170 : i32
      %ge3A = arith.constant 125 : i32
      %ge3A_172 = arith.cmpi sge, %mul3A_135, %ge3A : i32
      %and3A_173 = arith.andi %eq3A_171, %ge3A_172 : i1
      %or3A_174 = arith.ori %and3A_169, %and3A_173 : i1
      %convert_element_type3A_175 = arith.extui %or3A_174 : i1 to i32
      %cond3A_176 = arith.constant 0 : i32
      %cond3A_177 = arith.cmpi ne, %convert_element_type3A_175, %cond3A_176 : i32
      scf.if %cond3A_177 {
        %dma_start3A_215 = arith.constant 0 : i32
        %dma_start3A_216 = arith.constant 0 : i32
        %dma_start3A_217 = tpu.memref_slice %arg23[%dma_start3A_215, %dma_start3A_216] : memref<10008x16xf32, #tpu.memory_space<vmem_shared>> -> memref<10008x16xf32, #tpu.memory_space<vmem_shared>>
        tpu.enqueue_indirect_dma source(%arg22 : memref<80x16xf32, #tpu.memory_space<vmem>>) target(%dma_start3A_217 : memref<10008x16xf32, #tpu.memory_space<vmem_shared>>) offsets(%arg9 : memref<80xi32, #tpu.memory_space<vmem>>) semaphore(%arg24 : memref<!tpu.dma_semaphore, #tpu.memory_space<semaphore_mem>>) {add = true}
      } else {
      }
      %dma_wait3A_178 = arith.constant 0 : i32
      %dma_wait3A_179 = arith.constant 0 : i32
      %dma_wait3A_180 = tpu.memref_slice %arg13[%dma_wait3A_178, %dma_wait3A_179] : memref<10008x64xf32, #tpu.memory_space<vmem_shared>> -> memref<10008x64xf32, #tpu.memory_space<vmem_shared>>
      tpu.wait_indirect_dma semaphore(%arg16 : memref<!tpu.dma_semaphore, #tpu.memory_space<semaphore_mem>>) src(%arg11 : memref<80x64xf32, #tpu.memory_space<vmem>>) dst(%dma_wait3A_180 : memref<10008x64xf32, #tpu.memory_space<vmem_shared>>)
      %lt3A_181 = arith.constant 124 : i32
      %lt3A_182 = arith.cmpi slt, %scan3A_133, %lt3A_181 : i32
      %convert_element_type3A_183 = arith.extui %lt3A_182 : i1 to i32
      %cond3A_184 = arith.constant 0 : i32
      %cond3A_185 = arith.cmpi ne, %convert_element_type3A_183, %cond3A_184 : i32
      scf.if %cond3A_185 {
        %eq3A_215 = arith.constant 0 : i32
        %eq3A_216 = arith.cmpi eq, %arg0, %eq3A_215 : i32
        %lt3A_217 = arith.constant 125 : i32
        %lt3A_218 = arith.cmpi slt, %mul3A_135, %lt3A_217 : i32
        %and3A_219 = arith.andi %eq3A_216, %lt3A_218 : i1
        %eq3A_220 = arith.constant 1 : i32
        %eq3A_221 = arith.cmpi eq, %arg0, %eq3A_220 : i32
        %ge3A_222 = arith.constant 125 : i32
        %ge3A_223 = arith.cmpi sge, %mul3A_135, %ge3A_222 : i32
        %and3A_224 = arith.andi %eq3A_221, %ge3A_223 : i1
        %or3A_225 = arith.ori %and3A_219, %and3A_224 : i1
        %convert_element_type3A_226 = arith.extui %or3A_225 : i1 to i32
        %cond3A_227 = arith.constant 0 : i32
        %cond3A_228 = arith.cmpi ne, %convert_element_type3A_226, %cond3A_227 : i32
        scf.if %cond3A_228 {
          %dma_wait3A_245 = arith.constant 0 : i32
          %dma_wait3A_246 = arith.constant 0 : i32
          %dma_wait3A_247 = tpu.memref_slice %arg23[%dma_wait3A_245, %dma_wait3A_246] : memref<10008x16xf32, #tpu.memory_space<vmem_shared>> -> memref<10008x16xf32, #tpu.memory_space<vmem_shared>>
          tpu.wait_indirect_dma semaphore(%arg24 : memref<!tpu.dma_semaphore, #tpu.memory_space<semaphore_mem>>) src(%arg22 : memref<80x16xf32, #tpu.memory_space<vmem>>) dst(%dma_wait3A_247 : memref<10008x16xf32, #tpu.memory_space<vmem_shared>>)
        } else {
        }
        %add3A_229 = arith.constant 2 : i32
        %add3A_230 = arith.addi %mul3A_135, %add3A_229 : i32
        %mul3A_231 = arith.constant 20000 : i32
        %mul3A_232 = arith.muli %arg1, %mul3A_231 : i32
        %mul3A_233 = arith.constant 80 : i32
        %mul3A_234 = arith.muli %add3A_230, %mul3A_233 : i32
        %add3A_235 = arith.addi %mul3A_232, %mul3A_234 : i32
        %dma_start3A_236 = tpu.memref_slice %arg4[%add3A_235] : memref<320000xi32, #tpu.memory_space<hbm>> -> memref<80xi32, #tpu.memory_space<hbm>>
        %dma_start3A_237 = tpu.memref_slice %arg4[%add3A_235] : memref<320000xi32, #tpu.memory_space<hbm>> -> memref<80xi32, #tpu.memory_space<hbm>>
        tpu.enqueue_dma source(%dma_start3A_237 : memref<80xi32, #tpu.memory_space<hbm>>) target(%arg9 : memref<80xi32, #tpu.memory_space<vmem>>) target_semaphore(%arg20 : memref<!tpu.dma_semaphore, #tpu.memory_space<semaphore_mem>>)
        %dma_wait3A_238 = arith.constant 0 : i32
        %dma_wait3A_239 = tpu.memref_slice %arg3[%dma_wait3A_238] : memref<640000xi32, #tpu.memory_space<hbm>> -> memref<80xi32, #tpu.memory_space<hbm>>
        %dma_wait3A_240 = arith.constant 0 : i32
        %dma_wait3A_241 = tpu.memref_slice %arg3[%dma_wait3A_240] : memref<640000xi32, #tpu.memory_space<hbm>> -> memref<80xi32, #tpu.memory_space<hbm>>
        tpu.wait_dma2 semaphore(%arg18 : memref<!tpu.dma_semaphore, #tpu.memory_space<semaphore_mem>>) src(%dma_wait3A_241 : memref<80xi32, #tpu.memory_space<hbm>>) dst(%arg7 : memref<80xi32, #tpu.memory_space<vmem>>)
        %dma_start3A_242 = arith.constant 0 : i32
        %dma_start3A_243 = arith.constant 0 : i32
        %dma_start3A_244 = tpu.memref_slice %arg2[%dma_start3A_242, %dma_start3A_243] : memref<20000x64xf32, #tpu.memory_space<hbm>> -> memref<20000x64xf32, #tpu.memory_space<hbm>>
        tpu.enqueue_indirect_dma source(%dma_start3A_244 : memref<20000x64xf32, #tpu.memory_space<hbm>>) target(%arg11 : memref<80x64xf32, #tpu.memory_space<vmem>>) offsets(%arg7 : memref<80xi32, #tpu.memory_space<vmem>>) semaphore(%arg14 : memref<!tpu.dma_semaphore, #tpu.memory_space<semaphore_mem>>)
      } else {
      }
      %dma_wait3A_186 = arith.constant 0 : i32
      %dma_wait3A_187 = arith.constant 0 : i32
      %dma_wait3A_188 = tpu.memref_slice %arg2[%dma_wait3A_186, %dma_wait3A_187] : memref<20000x64xf32, #tpu.memory_space<hbm>> -> memref<20000x64xf32, #tpu.memory_space<hbm>>
      tpu.wait_indirect_dma semaphore(%arg15 : memref<!tpu.dma_semaphore, #tpu.memory_space<semaphore_mem>>) src(%dma_wait3A_188 : memref<20000x64xf32, #tpu.memory_space<hbm>>) dst(%arg12 : memref<80x64xf32, #tpu.memory_space<vmem>>)
      %lt3A_189 = arith.constant 124 : i32
      %lt3A_190 = arith.cmpi slt, %scan3A_133, %lt3A_189 : i32
      %convert_element_type3A_191 = arith.extui %lt3A_190 : i1 to i32
      %cond3A_192 = arith.constant 0 : i32
      %cond3A_193 = arith.cmpi ne, %convert_element_type3A_191, %cond3A_192 : i32
      scf.if %cond3A_193 {
        %add3A_215 = arith.constant 2 : i32
        %add3A_216 = arith.addi %add3A_139, %add3A_215 : i32
        %mul3A_217 = arith.constant 320000 : i32
        %mul3A_218 = arith.muli %arg0, %mul3A_217 : i32
        %mul3A_219 = arith.constant 20000 : i32
        %mul3A_220 = arith.muli %arg1, %mul3A_219 : i32
        %add3A_221 = arith.addi %mul3A_218, %mul3A_220 : i32
        %mul3A_222 = arith.constant 80 : i32
        %mul3A_223 = arith.muli %add3A_216, %mul3A_222 : i32
        %add3A_224 = arith.addi %add3A_221, %mul3A_223 : i32
        %dma_start3A_225 = tpu.memref_slice %arg3[%add3A_224] : memref<640000xi32, #tpu.memory_space<hbm>> -> memref<80xi32, #tpu.memory_space<hbm>>
        %dma_start3A_226 = tpu.memref_slice %arg3[%add3A_224] : memref<640000xi32, #tpu.memory_space<hbm>> -> memref<80xi32, #tpu.memory_space<hbm>>
        tpu.enqueue_dma source(%dma_start3A_226 : memref<80xi32, #tpu.memory_space<hbm>>) target(%arg8 : memref<80xi32, #tpu.memory_space<vmem>>) target_semaphore(%arg19 : memref<!tpu.dma_semaphore, #tpu.memory_space<semaphore_mem>>)
      } else {
      }
      %dma_wait3A_194 = arith.constant 0 : i32
      %dma_wait3A_195 = tpu.memref_slice %arg4[%dma_wait3A_194] : memref<320000xi32, #tpu.memory_space<hbm>> -> memref<80xi32, #tpu.memory_space<hbm>>
      %dma_wait3A_196 = arith.constant 0 : i32
      %dma_wait3A_197 = tpu.memref_slice %arg4[%dma_wait3A_196] : memref<320000xi32, #tpu.memory_space<hbm>> -> memref<80xi32, #tpu.memory_space<hbm>>
      tpu.wait_dma2 semaphore(%arg21 : memref<!tpu.dma_semaphore, #tpu.memory_space<semaphore_mem>>) src(%dma_wait3A_197 : memref<80xi32, #tpu.memory_space<hbm>>) dst(%arg10 : memref<80xi32, #tpu.memory_space<vmem>>)
      %dma_start3A_198 = arith.constant 0 : i32
      %dma_start3A_199 = arith.constant 0 : i32
      %dma_start3A_200 = tpu.memref_slice %arg13[%dma_start3A_198, %dma_start3A_199] : memref<10008x64xf32, #tpu.memory_space<vmem_shared>> -> memref<10008x64xf32, #tpu.memory_space<vmem_shared>>
      tpu.enqueue_indirect_dma source(%arg12 : memref<80x64xf32, #tpu.memory_space<vmem>>) target(%dma_start3A_200 : memref<10008x64xf32, #tpu.memory_space<vmem_shared>>) offsets(%arg10 : memref<80xi32, #tpu.memory_space<vmem>>) semaphore(%arg17 : memref<!tpu.dma_semaphore, #tpu.memory_space<semaphore_mem>>) {add = true}
      %eq3A_201 = arith.constant 0 : i32
      %eq3A_202 = arith.cmpi eq, %arg0, %eq3A_201 : i32
      %lt3A_203 = arith.constant 125 : i32
      %lt3A_204 = arith.cmpi slt, %add3A_139, %lt3A_203 : i32
      %and3A_205 = arith.andi %eq3A_202, %lt3A_204 : i1
      %eq3A_206 = arith.constant 1 : i32
      %eq3A_207 = arith.cmpi eq, %arg0, %eq3A_206 : i32
      %ge3A_208 = arith.constant 125 : i32
      %ge3A_209 = arith.cmpi sge, %add3A_139, %ge3A_208 : i32
      %and3A_210 = arith.andi %eq3A_207, %ge3A_209 : i1
      %or3A_211 = arith.ori %and3A_205, %and3A_210 : i1
      %convert_element_type3A_212 = arith.extui %or3A_211 : i1 to i32
      %cond3A_213 = arith.constant 0 : i32
      %cond3A_214 = arith.cmpi ne, %convert_element_type3A_212, %cond3A_213 : i32
      scf.if %cond3A_214 {
        %dma_start3A_215 = arith.constant 0 : i32
        %dma_start3A_216 = arith.constant 0 : i32
        %dma_start3A_217 = tpu.memref_slice %arg23[%dma_start3A_215, %dma_start3A_216] : memref<10008x16xf32, #tpu.memory_space<vmem_shared>> -> memref<10008x16xf32, #tpu.memory_space<vmem_shared>>
        tpu.enqueue_indirect_dma source(%arg22 : memref<80x16xf32, #tpu.memory_space<vmem>>) target(%dma_start3A_217 : memref<10008x16xf32, #tpu.memory_space<vmem_shared>>) offsets(%arg10 : memref<80xi32, #tpu.memory_space<vmem>>) semaphore(%arg25 : memref<!tpu.dma_semaphore, #tpu.memory_space<semaphore_mem>>) {add = true}
      } else {
      }
    }
    %scan3A_96 = arith.constant 125 : i32
    %dma_wait3A_97 = arith.constant 0 : i32
    %dma_wait3A_98 = arith.constant 0 : i32
    %dma_wait3A_99 = tpu.memref_slice %arg13[%dma_wait3A_97, %dma_wait3A_98] : memref<10008x64xf32, #tpu.memory_space<vmem_shared>> -> memref<10008x64xf32, #tpu.memory_space<vmem_shared>>
    tpu.wait_indirect_dma semaphore(%arg17 : memref<!tpu.dma_semaphore, #tpu.memory_space<semaphore_mem>>) src(%arg12 : memref<80x64xf32, #tpu.memory_space<vmem>>) dst(%dma_wait3A_99 : memref<10008x64xf32, #tpu.memory_space<vmem_shared>>)
    %eq3A_100 = arith.constant 0 : i32
    %eq3A_101 = arith.cmpi eq, %arg0, %eq3A_100 : i32
    %and3A = arith.constant false
    %and3A_102 = arith.andi %eq3A_101, %and3A : i1
    %eq3A_103 = arith.constant 1 : i32
    %eq3A_104 = arith.cmpi eq, %arg0, %eq3A_103 : i32
    %and3A_105 = arith.constant true
    %and3A_106 = arith.andi %eq3A_104, %and3A_105 : i1
    %or3A = arith.ori %and3A_102, %and3A_106 : i1
    %convert_element_type3A_107 = arith.extui %or3A : i1 to i32
    %cond3A_108 = arith.constant 0 : i32
    %cond3A_109 = arith.cmpi ne, %convert_element_type3A_107, %cond3A_108 : i32
    scf.if %cond3A_109 {
      %dma_wait3A_133 = arith.constant 0 : i32
      %dma_wait3A_134 = arith.constant 0 : i32
      %dma_wait3A_135 = tpu.memref_slice %arg23[%dma_wait3A_133, %dma_wait3A_134] : memref<10008x16xf32, #tpu.memory_space<vmem_shared>> -> memref<10008x16xf32, #tpu.memory_space<vmem_shared>>
      tpu.wait_indirect_dma semaphore(%arg24 : memref<!tpu.dma_semaphore, #tpu.memory_space<semaphore_mem>>) src(%arg22 : memref<80x16xf32, #tpu.memory_space<vmem>>) dst(%dma_wait3A_135 : memref<10008x16xf32, #tpu.memory_space<vmem_shared>>)
    } else {
    }
    %eq3A_110 = arith.constant 0 : i32
    %eq3A_111 = arith.cmpi eq, %arg0, %eq3A_110 : i32
    %and3A_112 = arith.constant false
    %and3A_113 = arith.andi %eq3A_111, %and3A_112 : i1
    %eq3A_114 = arith.constant 1 : i32
    %eq3A_115 = arith.cmpi eq, %arg0, %eq3A_114 : i32
    %and3A_116 = arith.constant true
    %and3A_117 = arith.andi %eq3A_115, %and3A_116 : i1
    %or3A_118 = arith.ori %and3A_113, %and3A_117 : i1
    %convert_element_type3A_119 = arith.extui %or3A_118 : i1 to i32
    %cond3A_120 = arith.constant 0 : i32
    %cond3A_121 = arith.cmpi ne, %convert_element_type3A_119, %cond3A_120 : i32
    scf.if %cond3A_121 {
      %dma_wait3A_133 = arith.constant 0 : i32
      %dma_wait3A_134 = arith.constant 0 : i32
      %dma_wait3A_135 = tpu.memref_slice %arg23[%dma_wait3A_133, %dma_wait3A_134] : memref<10008x16xf32, #tpu.memory_space<vmem_shared>> -> memref<10008x16xf32, #tpu.memory_space<vmem_shared>>
      tpu.wait_indirect_dma semaphore(%arg25 : memref<!tpu.dma_semaphore, #tpu.memory_space<semaphore_mem>>) src(%arg22 : memref<80x16xf32, #tpu.memory_space<vmem>>) dst(%dma_wait3A_135 : memref<10008x16xf32, #tpu.memory_space<vmem_shared>>)
    } else {
    }
    %barrier3A_122 = arith.constant 0 : index
    tpu.barrier barrier_id(%barrier3A_122)
    "tpu.region"() ({
      %run_scoped3A = tpu.sem_alloc : memref<!tpu.dma_semaphore, #tpu.memory_space<semaphore_mem>>
      %dma_start3A_133 = arith.constant 0 : i32
      %dma_start3A_134 = tpu.memref_slice %arg5[%arg0, %mul3A_0, %dma_start3A_133] : memref<2x10000x64xf32, #tpu.memory_space<hbm>> -> memref<1x624x64xf32, #tpu.memory_space<hbm>>
      %dma_start3A_135 = tpu.memref_squeeze %dma_start3A_134 : memref<1x624x64xf32, #tpu.memory_space<hbm>> -> memref<624x64xf32, #tpu.memory_space<hbm>>
      %dma_start3A_136 = arith.constant 0 : i32
      %dma_start3A_137 = tpu.memref_slice %arg13[%mul3A_0, %dma_start3A_136] : memref<10008x64xf32, #tpu.memory_space<vmem_shared>> -> memref<624x64xf32, #tpu.memory_space<vmem_shared>>
      tpu.enqueue_dma source(%dma_start3A_137 : memref<624x64xf32, #tpu.memory_space<vmem_shared>>) target(%dma_start3A_135 : memref<624x64xf32, #tpu.memory_space<hbm>>) target_semaphore(%run_scoped3A : memref<!tpu.dma_semaphore, #tpu.memory_space<semaphore_mem>>)
      %dma_wait3A_138 = arith.constant 0 : i32
      %dma_wait3A_139 = tpu.memref_slice %arg5[%arg0, %mul3A_0, %dma_wait3A_138] : memref<2x10000x64xf32, #tpu.memory_space<hbm>> -> memref<1x624x64xf32, #tpu.memory_space<hbm>>
      %dma_wait3A_140 = tpu.memref_squeeze %dma_wait3A_139 : memref<1x624x64xf32, #tpu.memory_space<hbm>> -> memref<624x64xf32, #tpu.memory_space<hbm>>
      %dma_wait3A_141 = arith.constant 0 : i32
      %dma_wait3A_142 = tpu.memref_slice %arg13[%mul3A_0, %dma_wait3A_141] : memref<10008x64xf32, #tpu.memory_space<vmem_shared>> -> memref<624x64xf32, #tpu.memory_space<vmem_shared>>
      tpu.wait_dma2 semaphore(%run_scoped3A : memref<!tpu.dma_semaphore, #tpu.memory_space<semaphore_mem>>) src(%dma_wait3A_142 : memref<624x64xf32, #tpu.memory_space<vmem_shared>>) dst(%dma_wait3A_140 : memref<624x64xf32, #tpu.memory_space<hbm>>)
      tpu.yield
    }) : () -> ()
    %eq3A_123 = arith.constant 0 : i32
    %eq3A_124 = arith.cmpi eq, %arg1, %eq3A_123 : i32
    %convert_element_type3A_125 = arith.extui %eq3A_124 : i1 to i32
    %cond3A_126 = arith.constant 0 : i32
    %cond3A_127 = arith.cmpi ne, %convert_element_type3A_125, %cond3A_126 : i32
    scf.if %cond3A_127 {
      "tpu.region"() ({
        %run_scoped3A = tpu.sem_alloc : memref<!tpu.dma_semaphore, #tpu.memory_space<semaphore_mem>>
        %dma_start3A_133 = arith.constant 9984 : i32
        %dma_start3A_134 = arith.constant 0 : i32
        %dma_start3A_135 = tpu.memref_slice %arg5[%arg0, %dma_start3A_133, %dma_start3A_134] : memref<2x10000x64xf32, #tpu.memory_space<hbm>> -> memref<1x16x64xf32, #tpu.memory_space<hbm>>
        %dma_start3A_136 = tpu.memref_squeeze %dma_start3A_135 : memref<1x16x64xf32, #tpu.memory_space<hbm>> -> memref<16x64xf32, #tpu.memory_space<hbm>>
        %dma_start3A_137 = arith.constant 9984 : i32
        %dma_start3A_138 = arith.constant 0 : i32
        %dma_start3A_139 = tpu.memref_slice %arg13[%dma_start3A_137, %dma_start3A_138] : memref<10008x64xf32, #tpu.memory_space<vmem_shared>> -> memref<16x64xf32, #tpu.memory_space<vmem_shared>>
        tpu.enqueue_dma source(%dma_start3A_139 : memref<16x64xf32, #tpu.memory_space<vmem_shared>>) target(%dma_start3A_136 : memref<16x64xf32, #tpu.memory_space<hbm>>) target_semaphore(%run_scoped3A : memref<!tpu.dma_semaphore, #tpu.memory_space<semaphore_mem>>)
        %dma_wait3A_140 = arith.constant 9984 : i32
        %dma_wait3A_141 = arith.constant 0 : i32
        %dma_wait3A_142 = tpu.memref_slice %arg5[%arg0, %dma_wait3A_140, %dma_wait3A_141] : memref<2x10000x64xf32, #tpu.memory_space<hbm>> -> memref<1x16x64xf32, #tpu.memory_space<hbm>>
        %dma_wait3A_143 = tpu.memref_squeeze %dma_wait3A_142 : memref<1x16x64xf32, #tpu.memory_space<hbm>> -> memref<16x64xf32, #tpu.memory_space<hbm>>
        %dma_wait3A_144 = arith.constant 9984 : i32
        %dma_wait3A_145 = arith.constant 0 : i32
        %dma_wait3A_146 = tpu.memref_slice %arg13[%dma_wait3A_144, %dma_wait3A_145] : memref<10008x64xf32, #tpu.memory_space<vmem_shared>> -> memref<16x64xf32, #tpu.memory_space<vmem_shared>>
        tpu.wait_dma2 semaphore(%run_scoped3A : memref<!tpu.dma_semaphore, #tpu.memory_space<semaphore_mem>>) src(%dma_wait3A_146 : memref<16x64xf32, #tpu.memory_space<vmem_shared>>) dst(%dma_wait3A_143 : memref<16x64xf32, #tpu.memory_space<hbm>>)
        tpu.yield
      }) : () -> ()
    } else {
    }
    "tpu.region"() ({
      %run_scoped3A = tpu.sem_alloc : memref<!tpu.dma_semaphore, #tpu.memory_space<semaphore_mem>>
      %dma_start3A_133 = arith.constant 0 : i32
      %dma_start3A_134 = tpu.memref_slice %arg6[%arg0, %mul3A_0, %dma_start3A_133] : memref<2x10000x16xf32, #tpu.memory_space<hbm>> -> memref<1x624x16xf32, #tpu.memory_space<hbm>>
      %dma_start3A_135 = tpu.memref_squeeze %dma_start3A_134 : memref<1x624x16xf32, #tpu.memory_space<hbm>> -> memref<624x16xf32, #tpu.memory_space<hbm>>
      %dma_start3A_136 = arith.constant 0 : i32
      %dma_start3A_137 = tpu.memref_slice %arg23[%mul3A_0, %dma_start3A_136] : memref<10008x16xf32, #tpu.memory_space<vmem_shared>> -> memref<624x16xf32, #tpu.memory_space<vmem_shared>>
      tpu.enqueue_dma source(%dma_start3A_137 : memref<624x16xf32, #tpu.memory_space<vmem_shared>>) target(%dma_start3A_135 : memref<624x16xf32, #tpu.memory_space<hbm>>) target_semaphore(%run_scoped3A : memref<!tpu.dma_semaphore, #tpu.memory_space<semaphore_mem>>)
      %dma_wait3A_138 = arith.constant 0 : i32
      %dma_wait3A_139 = tpu.memref_slice %arg6[%arg0, %mul3A_0, %dma_wait3A_138] : memref<2x10000x16xf32, #tpu.memory_space<hbm>> -> memref<1x624x16xf32, #tpu.memory_space<hbm>>
      %dma_wait3A_140 = tpu.memref_squeeze %dma_wait3A_139 : memref<1x624x16xf32, #tpu.memory_space<hbm>> -> memref<624x16xf32, #tpu.memory_space<hbm>>
      %dma_wait3A_141 = arith.constant 0 : i32
      %dma_wait3A_142 = tpu.memref_slice %arg23[%mul3A_0, %dma_wait3A_141] : memref<10008x16xf32, #tpu.memory_space<vmem_shared>> -> memref<624x16xf32, #tpu.memory_space<vmem_shared>>
      tpu.wait_dma2 semaphore(%run_scoped3A : memref<!tpu.dma_semaphore, #tpu.memory_space<semaphore_mem>>) src(%dma_wait3A_142 : memref<624x16xf32, #tpu.memory_space<vmem_shared>>) dst(%dma_wait3A_140 : memref<624x16xf32, #tpu.memory_space<hbm>>)
      tpu.yield
    }) : () -> ()
    %eq3A_128 = arith.constant 0 : i32
    %eq3A_129 = arith.cmpi eq, %arg1, %eq3A_128 : i32
    %convert_element_type3A_130 = arith.extui %eq3A_129 : i1 to i32
    %cond3A_131 = arith.constant 0 : i32
    %cond3A_132 = arith.cmpi ne, %convert_element_type3A_130, %cond3A_131 : i32
    scf.if %cond3A_132 {
      "tpu.region"() ({
        %run_scoped3A = tpu.sem_alloc : memref<!tpu.dma_semaphore, #tpu.memory_space<semaphore_mem>>
        %dma_start3A_133 = arith.constant 9984 : i32
        %dma_start3A_134 = arith.constant 0 : i32
        %dma_start3A_135 = tpu.memref_slice %arg6[%arg0, %dma_start3A_133, %dma_start3A_134] : memref<2x10000x16xf32, #tpu.memory_space<hbm>> -> memref<1x16x16xf32, #tpu.memory_space<hbm>>
        %dma_start3A_136 = tpu.memref_squeeze %dma_start3A_135 : memref<1x16x16xf32, #tpu.memory_space<hbm>> -> memref<16x16xf32, #tpu.memory_space<hbm>>
        %dma_start3A_137 = arith.constant 9984 : i32
        %dma_start3A_138 = arith.constant 0 : i32
        %dma_start3A_139 = tpu.memref_slice %arg23[%dma_start3A_137, %dma_start3A_138] : memref<10008x16xf32, #tpu.memory_space<vmem_shared>> -> memref<16x16xf32, #tpu.memory_space<vmem_shared>>
        tpu.enqueue_dma source(%dma_start3A_139 : memref<16x16xf32, #tpu.memory_space<vmem_shared>>) target(%dma_start3A_136 : memref<16x16xf32, #tpu.memory_space<hbm>>) target_semaphore(%run_scoped3A : memref<!tpu.dma_semaphore, #tpu.memory_space<semaphore_mem>>)
        %dma_wait3A_140 = arith.constant 9984 : i32
        %dma_wait3A_141 = arith.constant 0 : i32
        %dma_wait3A_142 = tpu.memref_slice %arg6[%arg0, %dma_wait3A_140, %dma_wait3A_141] : memref<2x10000x16xf32, #tpu.memory_space<hbm>> -> memref<1x16x16xf32, #tpu.memory_space<hbm>>
        %dma_wait3A_143 = tpu.memref_squeeze %dma_wait3A_142 : memref<1x16x16xf32, #tpu.memory_space<hbm>> -> memref<16x16xf32, #tpu.memory_space<hbm>>
        %dma_wait3A_144 = arith.constant 9984 : i32
        %dma_wait3A_145 = arith.constant 0 : i32
        %dma_wait3A_146 = tpu.memref_slice %arg23[%dma_wait3A_144, %dma_wait3A_145] : memref<10008x16xf32, #tpu.memory_space<vmem_shared>> -> memref<16x16xf32, #tpu.memory_space<vmem_shared>>
        tpu.wait_dma2 semaphore(%run_scoped3A : memref<!tpu.dma_semaphore, #tpu.memory_space<semaphore_mem>>) src(%dma_wait3A_146 : memref<16x16xf32, #tpu.memory_space<vmem_shared>>) dst(%dma_wait3A_143 : memref<16x16xf32, #tpu.memory_space<hbm>>)
        tpu.yield
      }) : () -> ()
    } else {
    }
    return
  }
}

#map = affine_map<(d0, d1) -> (0)>
module attributes {stable_mosaic.version = 14 : i64} {
  func.func @body(%arg0: i32, %arg1: i32, %arg2: memref<10000xf32, #tpu.memory_space<hbm>>, %arg3: memref<320000xi32, #tpu.memory_space<hbm>>, %arg4: memref<320000xi32, #tpu.memory_space<hbm>>, %arg5: memref<320000xf32, #tpu.memory_space<hbm>>, %arg6: memref<10000xf32, #tpu.memory_space<vmem>>, %arg7: memref<10000xi32, #tpu.memory_space<vmem>>, %arg8: memref<10000xi32, #tpu.memory_space<vmem>>, %arg9: memref<10000xf32, #tpu.memory_space<vmem>>, %arg10: memref<!tpu.dma_semaphore, #tpu.memory_space<semaphore_mem>>) attributes {dimension_semantics = [#tpu.dimension_semantics<core_parallel>, #tpu.dimension_semantics<subcore_parallel>], iteration_bounds = array<i64: 2, 16>, scalar_prefetch = 0 : i64, scratch_operands = 5 : i64, tpu.core_type = #tpu.core_type<sc_vector_subcore>, window_params = [{transform_indices = #map}, {transform_indices = #map}, {transform_indices = #map}, {transform_indices = #map}]} {
    %mul3A = arith.constant 2 : i32
    %mul3A_0 = arith.muli %arg1, %mul3A : i32
    %add3A = arith.addi %mul3A_0, %arg0 : i32
    %mul3A_1 = arith.constant 10000 : i32
    %mul3A_2 = arith.muli %add3A, %mul3A_1 : i32
    "tpu.region"() ({
      %run_scoped3A = tpu.sem_alloc : memref<!tpu.dma_semaphore, #tpu.memory_space<semaphore_mem>>
      tpu.enqueue_dma source(%arg2 : memref<10000xf32, #tpu.memory_space<hbm>>) target(%arg6 : memref<10000xf32, #tpu.memory_space<vmem>>) target_semaphore(%run_scoped3A : memref<!tpu.dma_semaphore, #tpu.memory_space<semaphore_mem>>)
      tpu.wait_dma2 semaphore(%run_scoped3A : memref<!tpu.dma_semaphore, #tpu.memory_space<semaphore_mem>>) src(%arg2 : memref<10000xf32, #tpu.memory_space<hbm>>) dst(%arg6 : memref<10000xf32, #tpu.memory_space<vmem>>)
      tpu.yield
    }) : () -> ()
    "tpu.region"() ({
      %run_scoped3A = tpu.sem_alloc : memref<!tpu.dma_semaphore, #tpu.memory_space<semaphore_mem>>
      %dma_start3A = tpu.memref_slice %arg3[%mul3A_2] : memref<320000xi32, #tpu.memory_space<hbm>> -> memref<10000xi32, #tpu.memory_space<hbm>>
      %dma_start3A_8 = tpu.memref_slice %arg3[%mul3A_2] : memref<320000xi32, #tpu.memory_space<hbm>> -> memref<10000xi32, #tpu.memory_space<hbm>>
      tpu.enqueue_dma source(%dma_start3A_8 : memref<10000xi32, #tpu.memory_space<hbm>>) target(%arg7 : memref<10000xi32, #tpu.memory_space<vmem>>) target_semaphore(%run_scoped3A : memref<!tpu.dma_semaphore, #tpu.memory_space<semaphore_mem>>)
      %dma_wait3A = tpu.memref_slice %arg3[%mul3A_2] : memref<320000xi32, #tpu.memory_space<hbm>> -> memref<10000xi32, #tpu.memory_space<hbm>>
      %dma_wait3A_9 = tpu.memref_slice %arg3[%mul3A_2] : memref<320000xi32, #tpu.memory_space<hbm>> -> memref<10000xi32, #tpu.memory_space<hbm>>
      tpu.wait_dma2 semaphore(%run_scoped3A : memref<!tpu.dma_semaphore, #tpu.memory_space<semaphore_mem>>) src(%dma_wait3A_9 : memref<10000xi32, #tpu.memory_space<hbm>>) dst(%arg7 : memref<10000xi32, #tpu.memory_space<vmem>>)
      tpu.yield
    }) : () -> ()
    "tpu.region"() ({
      %run_scoped3A = tpu.sem_alloc : memref<!tpu.dma_semaphore, #tpu.memory_space<semaphore_mem>>
      %dma_start3A = tpu.memref_slice %arg4[%mul3A_2] : memref<320000xi32, #tpu.memory_space<hbm>> -> memref<10000xi32, #tpu.memory_space<hbm>>
      %dma_start3A_8 = tpu.memref_slice %arg4[%mul3A_2] : memref<320000xi32, #tpu.memory_space<hbm>> -> memref<10000xi32, #tpu.memory_space<hbm>>
      tpu.enqueue_dma source(%dma_start3A_8 : memref<10000xi32, #tpu.memory_space<hbm>>) target(%arg8 : memref<10000xi32, #tpu.memory_space<vmem>>) target_semaphore(%run_scoped3A : memref<!tpu.dma_semaphore, #tpu.memory_space<semaphore_mem>>)
      %dma_wait3A = tpu.memref_slice %arg4[%mul3A_2] : memref<320000xi32, #tpu.memory_space<hbm>> -> memref<10000xi32, #tpu.memory_space<hbm>>
      %dma_wait3A_9 = tpu.memref_slice %arg4[%mul3A_2] : memref<320000xi32, #tpu.memory_space<hbm>> -> memref<10000xi32, #tpu.memory_space<hbm>>
      tpu.wait_dma2 semaphore(%run_scoped3A : memref<!tpu.dma_semaphore, #tpu.memory_space<semaphore_mem>>) src(%dma_wait3A_9 : memref<10000xi32, #tpu.memory_space<hbm>>) dst(%arg8 : memref<10000xi32, #tpu.memory_space<vmem>>)
      tpu.yield
    }) : () -> ()
    %scan3A = arith.constant 0 : i32
    %scan3A_3 = arith.constant 0 : i32
    %scan3A_4 = arith.constant 625 : i32
    %scan3A_5 = arith.addi %scan3A_3, %scan3A_4 : i32
    %scan3A_6 = arith.constant 1 : i32
    scf.for %scan3A_8 = %scan3A_3 to %scan3A_5 step %scan3A_6  : i32 {
      %mul3A_9 = arith.constant 16 : i32
      %mul3A_10 = arith.muli %scan3A_8, %mul3A_9 : i32
      %get3A = arith.index_cast %mul3A_10 : i32 to index
      %get3A_11 = tpu.vector_load %arg7[%get3A] {strides = array<i32>} : memref<10000xi32, #tpu.memory_space<vmem>>, vector<16xi32>,
      %mul3A_12 = arith.constant 16 : i32
      %mul3A_13 = arith.muli %scan3A_8, %mul3A_12 : i32
      %get3A_14 = arith.index_cast %mul3A_13 : i32 to index
      %get3A_15 = tpu.vector_load %arg8[%get3A_14] {strides = array<i32>} : memref<10000xi32, #tpu.memory_space<vmem>>, vector<16xi32>,
      %gather3A = tpu.vector_load_idx %arg6[%get3A_11] : memref<10000xf32, #tpu.memory_space<vmem>>[vector<16xi32>], vector<16xf32>,
      %gather3A_16 = tpu.vector_load_idx %arg6[%get3A_15] : memref<10000xf32, #tpu.memory_space<vmem>>[vector<16xi32>], vector<16xf32>,
      %add3A_17 = arith.addf %gather3A, %gather3A_16 : vector<16xf32>
      %mul3A_18 = arith.constant 16 : i32
      %mul3A_19 = arith.muli %scan3A_8, %mul3A_18 : i32
      %swap3A = arith.index_cast %mul3A_19 : i32 to index
      %swap3A_20 = tpu.vector_load %arg9[%swap3A] {strides = array<i32>} : memref<10000xf32, #tpu.memory_space<vmem>>, vector<16xf32>,
      tpu.vector_store %arg9[%swap3A], %add3A_17 {strides = array<i32>} : memref<10000xf32, #tpu.memory_space<vmem>>, vector<16xf32>,
    }
    %scan3A_7 = arith.constant 625 : i32
    "tpu.region"() ({
      %run_scoped3A = tpu.sem_alloc : memref<!tpu.dma_semaphore, #tpu.memory_space<semaphore_mem>>
      %dma_start3A = tpu.memref_slice %arg5[%mul3A_2] : memref<320000xf32, #tpu.memory_space<hbm>> -> memref<10000xf32, #tpu.memory_space<hbm>>
      %dma_start3A_8 = tpu.memref_slice %arg5[%mul3A_2] : memref<320000xf32, #tpu.memory_space<hbm>> -> memref<10000xf32, #tpu.memory_space<hbm>>
      tpu.enqueue_dma source(%arg9 : memref<10000xf32, #tpu.memory_space<vmem>>) target(%dma_start3A_8 : memref<10000xf32, #tpu.memory_space<hbm>>) target_semaphore(%run_scoped3A : memref<!tpu.dma_semaphore, #tpu.memory_space<semaphore_mem>>)
      %dma_wait3A = tpu.memref_slice %arg5[%mul3A_2] : memref<320000xf32, #tpu.memory_space<hbm>> -> memref<10000xf32, #tpu.memory_space<hbm>>
      %dma_wait3A_9 = tpu.memref_slice %arg5[%mul3A_2] : memref<320000xf32, #tpu.memory_space<hbm>> -> memref<10000xf32, #tpu.memory_space<hbm>>
      tpu.wait_dma2 semaphore(%run_scoped3A : memref<!tpu.dma_semaphore, #tpu.memory_space<semaphore_mem>>) src(%arg9 : memref<10000xf32, #tpu.memory_space<vmem>>) dst(%dma_wait3A_9 : memref<10000xf32, #tpu.memory_space<hbm>>)
      tpu.yield
    }) : () -> ()
    return
  }
}

module attributes {stable_mosaic.version = 14 : i64} {
  func.func @_tc1_body(%arg0: i32, %arg1: memref<2x400x64xf32, #tpu.memory_space<vmem>>, %arg2: memref<2x400x16xf32, #tpu.memory_space<vmem>>, %arg3: memref<400x128xf32, #tpu.memory_space<vmem>>, %arg4: memref<128x256xf32, #tpu.memory_space<vmem>>, %arg5: memref<128x256xf32, #tpu.memory_space<vmem>>, %arg6: memref<256xf32, #tpu.memory_space<vmem>>, %arg7: memref<256xf32, #tpu.memory_space<vmem>>, %arg8: memref<2x400x128xf32, #tpu.memory_space<vmem>>, %arg9: memref<25x400xf32, #tpu.memory_space<vmem>>) attributes {dimension_semantics = [#tpu.dimension_semantics<arbitrary>], iteration_bounds = array<i64: 25>, scalar_prefetch = 0 : i64, scratch_operands = 0 : i64, tpu.core_type = #tpu.core_type<tc>, window_params = [{transform_indices = @transform_0, window_bounds = array<i64: 2, 400, 64>}, {transform_indices = @transform_1, window_bounds = array<i64: 2, 400, 16>}, {transform_indices = @transform_2, window_bounds = array<i64: 400, 128>}, {pipeline_mode = #tpu.pipeline_mode<synchronous>, transform_indices = @transform_3, window_bounds = array<i64: 128, 256>}, {pipeline_mode = #tpu.pipeline_mode<synchronous>, transform_indices = @transform_4, window_bounds = array<i64: 128, 256>}, {pipeline_mode = #tpu.pipeline_mode<synchronous>, transform_indices = @transform_5, window_bounds = array<i64: 256>}, {pipeline_mode = #tpu.pipeline_mode<synchronous>, transform_indices = @transform_6, window_bounds = array<i64: 256>}, {transform_indices = @transform_7, window_bounds = array<i64: 2, 400, 128>}, {pipeline_mode = #tpu.pipeline_mode<synchronous>, transform_indices = @transform_8, window_bounds = array<i64: 25, 400>}]} {
    %get3A = arith.constant 0 : index
    %get3A_0 = arith.constant 0 : index
    %get3A_1 = arith.constant 0 : index
    %get3A_2 = vector.load %arg2[%get3A, %get3A_0, %get3A_1] : memref<2x400x16xf32, #tpu.memory_space<vmem>>, vector<1x400x16xf32>
    %get3A_3 = vector.shape_cast %get3A_2 : vector<1x400x16xf32> to vector<400x16xf32>
    %slice3A = vector.extract_strided_slice %get3A_3 {offsets = [0, 0], sizes = [400, 1], strides = [1, 1]} : vector<400x16xf32> to vector<400x1xf32>
    %squeeze3A = vector.shape_cast %slice3A : vector<400x1xf32> to vector<400xf32>
    %get3A_4 = arith.constant 1 : index
    %get3A_5 = arith.constant 0 : index
    %get3A_6 = arith.constant 0 : index
    %get3A_7 = vector.load %arg2[%get3A_4, %get3A_5, %get3A_6] : memref<2x400x16xf32, #tpu.memory_space<vmem>>, vector<1x400x16xf32>
    %get3A_8 = vector.shape_cast %get3A_7 : vector<1x400x16xf32> to vector<400x16xf32>
    %slice3A_9 = vector.extract_strided_slice %get3A_8 {offsets = [0, 0], sizes = [400, 1], strides = [1, 1]} : vector<400x16xf32> to vector<400x1xf32>
    %squeeze3A_10 = vector.shape_cast %slice3A_9 : vector<400x1xf32> to vector<400xf32>
    %add3A = arith.addf %squeeze3A, %squeeze3A_10 : vector<400xf32>
    %max3A = arith.constant 1.000000e+00 : f32
    %max3A_11 = vector.broadcast %max3A : f32 to vector<400xf32>
    %max3A_12 = arith.maximumf %add3A, %max3A_11 : vector<400xf32>
    %div3A = arith.constant 1.000000e+00 : f32
    %div3A_13 = vector.broadcast %div3A : f32 to vector<400xf32>
    %div3A_14 = arith.divf %div3A_13, %max3A_12 : vector<400xf32>
    %get3A_15 = arith.constant 0 : index
    %get3A_16 = arith.constant 0 : index
    %get3A_17 = arith.constant 0 : index
    %get3A_18 = vector.load %arg1[%get3A_15, %get3A_16, %get3A_17] : memref<2x400x64xf32, #tpu.memory_space<vmem>>, vector<1x400x64xf32>
    %get3A_19 = vector.shape_cast %get3A_18 : vector<1x400x64xf32> to vector<400x64xf32>
    %get3A_20 = arith.constant 1 : index
    %get3A_21 = arith.constant 0 : index
    %get3A_22 = arith.constant 0 : index
    %get3A_23 = vector.load %arg1[%get3A_20, %get3A_21, %get3A_22] : memref<2x400x64xf32, #tpu.memory_space<vmem>>, vector<1x400x64xf32>
    %get3A_24 = vector.shape_cast %get3A_23 : vector<1x400x64xf32> to vector<400x64xf32>
    %concatenate3A = tpu.concatenate %get3A_19, %get3A_24 in 1 : vector<400x64xf32>, vector<400x64xf32> -> vector<400x128xf32>
    %broadcast_in_dim3A = vector.shape_cast %div3A_14 : vector<400xf32> to vector<400x1xf32>
    %mul3A = vector.broadcast %broadcast_in_dim3A : vector<400x1xf32> to vector<400x128xf32>
    %mul3A_25 = arith.mulf %concatenate3A, %mul3A : vector<400x128xf32>
    %get3A_26 = arith.constant 0 : index
    %get3A_27 = arith.constant 0 : index
    %get3A_28 = vector.load %arg4[%get3A_26, %get3A_27] : memref<128x256xf32, #tpu.memory_space<vmem>>, vector<128x256xf32>
    %dot_general3A = arith.constant dense<0.000000e+00> : vector<400x256xf32>
    %dot_general3A_29 = tpu.matmul %mul3A_25, %get3A_28, %dot_general3A {dimension_numbers = #tpu.dot_dimension_numbers<[1], [0], [0], [1], [0, 0, 1, 1], [], []>, transpose_lhs_hint = false} : vector<400x128xf32>, vector<128x256xf32>, vector<400x256xf32> -> vector<400x256xf32>
    %get3A_30 = arith.constant 0 : index
    %get3A_31 = arith.constant 0 : index
    %get3A_32 = vector.load %arg3[%get3A_30, %get3A_31] : memref<400x128xf32, #tpu.memory_space<vmem>>, vector<400x128xf32>
    %get3A_33 = arith.constant 0 : index
    %get3A_34 = arith.constant 0 : index
    %get3A_35 = vector.load %arg5[%get3A_33, %get3A_34] : memref<128x256xf32, #tpu.memory_space<vmem>>, vector<128x256xf32>
    %dot_general3A_36 = arith.constant dense<0.000000e+00> : vector<400x256xf32>
    %dot_general3A_37 = tpu.matmul %get3A_32, %get3A_35, %dot_general3A_36 {dimension_numbers = #tpu.dot_dimension_numbers<[1], [0], [0], [1], [0, 0, 1, 1], [], []>, transpose_lhs_hint = false} : vector<400x128xf32>, vector<128x256xf32>, vector<400x256xf32> -> vector<400x256xf32>
    %add3A_38 = arith.addf %dot_general3A_29, %dot_general3A_37 : vector<400x256xf32>
    %get3A_39 = arith.constant 0 : index
    %get3A_40 = vector.load %arg6[%get3A_39] : memref<256xf32, #tpu.memory_space<vmem>>, vector<256xf32>
    %get3A_41 = arith.constant 0 : index
    %get3A_42 = vector.load %arg7[%get3A_41] : memref<256xf32, #tpu.memory_space<vmem>>, vector<256xf32>
    %add3A_43 = arith.addf %get3A_40, %get3A_42 : vector<256xf32>
    %broadcast_in_dim3A_44 = vector.shape_cast %add3A_43 : vector<256xf32> to vector<1x256xf32>
    %add3A_45 = vector.broadcast %broadcast_in_dim3A_44 : vector<1x256xf32> to vector<400x256xf32>
    %add3A_46 = arith.addf %add3A_38, %add3A_45 : vector<400x256xf32>
    %max3A_47 = arith.constant 0.000000e+00 : f32
    %max3A_48 = vector.broadcast %max3A_47 : f32 to vector<400x256xf32>
    %max3A_49 = arith.maximumf %add3A_46, %max3A_48 : vector<400x256xf32>
    %slice3A_50 = vector.extract_strided_slice %max3A_49 {offsets = [0, 0], sizes = [400, 128], strides = [1, 1]} : vector<400x256xf32> to vector<400x128xf32>
    %swap3A = arith.constant 0 : index
    %swap3A_51 = arith.constant 0 : index
    %swap3A_52 = arith.constant 0 : index
    %swap3A_53 = vector.load %arg8[%swap3A, %swap3A_51, %swap3A_52] : memref<2x400x128xf32, #tpu.memory_space<vmem>>, vector<1x400x128xf32>
    %swap3A_54 = vector.shape_cast %swap3A_53 : vector<1x400x128xf32> to vector<400x128xf32>
    %swap3A_55 = vector.shape_cast %slice3A_50 : vector<400x128xf32> to vector<1x400x128xf32>
    tpu.vector_store %arg8[%swap3A, %swap3A_51, %swap3A_52], %swap3A_55 {strides = array<i32>} : memref<2x400x128xf32, #tpu.memory_space<vmem>>, vector<1x400x128xf32>,
    %slice3A_56 = vector.extract_strided_slice %max3A_49 {offsets = [0, 128], sizes = [400, 128], strides = [1, 1]} : vector<400x256xf32> to vector<400x128xf32>
    %swap3A_57 = arith.constant 1 : index
    %swap3A_58 = arith.constant 0 : index
    %swap3A_59 = arith.constant 0 : index
    %swap3A_60 = vector.load %arg8[%swap3A_57, %swap3A_58, %swap3A_59] : memref<2x400x128xf32, #tpu.memory_space<vmem>>, vector<1x400x128xf32>
    %swap3A_61 = vector.shape_cast %swap3A_60 : vector<1x400x128xf32> to vector<400x128xf32>
    %swap3A_62 = vector.shape_cast %slice3A_56 : vector<400x128xf32> to vector<1x400x128xf32>
    tpu.vector_store %arg8[%swap3A_57, %swap3A_58, %swap3A_59], %swap3A_62 {strides = array<i32>} : memref<2x400x128xf32, #tpu.memory_space<vmem>>, vector<1x400x128xf32>,
    %swap3A_63 = arith.index_cast %arg0 : i32 to index
    %swap3A_64 = arith.constant 0 : index
    %swap3A_65 = vector.load %arg9[%swap3A_63, %swap3A_64] : memref<25x400xf32, #tpu.memory_space<vmem>>, vector<1x400xf32>
    %swap3A_66 = vector.shape_cast %swap3A_65 : vector<1x400xf32> to vector<400xf32>
    %swap3A_67 = vector.shape_cast %div3A_14 : vector<400xf32> to vector<1x400xf32>
    tpu.vector_store %arg9[%swap3A_63, %swap3A_64], %swap3A_67 {strides = array<i32>} : memref<25x400xf32, #tpu.memory_space<vmem>>, vector<1x400xf32>,
    return
  }
  func.func @transform_0(%arg0: i32) -> (i32, i32, i32) {
    %c0_i32 = arith.constant 0 : i32
    %c0_i32_0 = arith.constant 0 : i32
    %c0_i32_1 = arith.constant 0 : i32
    return %c0_i32, %arg0, %c0_i32_0 : i32, i32, i32
  }
  func.func @transform_1(%arg0: i32) -> (i32, i32, i32) {
    %c0_i32 = arith.constant 0 : i32
    %c0_i32_0 = arith.constant 0 : i32
    %c0_i32_1 = arith.constant 0 : i32
    return %c0_i32, %arg0, %c0_i32_0 : i32, i32, i32
  }
  func.func @transform_2(%arg0: i32) -> (i32, i32) {
    %c0_i32 = arith.constant 0 : i32
    %c0_i32_0 = arith.constant 0 : i32
    return %arg0, %c0_i32 : i32, i32
  }
  func.func @transform_3(%arg0: i32) -> (i32, i32) {
    %c0_i32 = arith.constant 0 : i32
    %c0_i32_0 = arith.constant 0 : i32
    %c0_i32_1 = arith.constant 0 : i32
    return %c0_i32, %c0_i32_0 : i32, i32
  }
  func.func @transform_4(%arg0: i32) -> (i32, i32) {
    %c0_i32 = arith.constant 0 : i32
    %c0_i32_0 = arith.constant 0 : i32
    %c0_i32_1 = arith.constant 0 : i32
    return %c0_i32, %c0_i32_0 : i32, i32
  }
  func.func @transform_5(%arg0: i32) -> i32 {
    %c0_i32 = arith.constant 0 : i32
    %c0_i32_0 = arith.constant 0 : i32
    return %c0_i32 : i32
  }
  func.func @transform_6(%arg0: i32) -> i32 {
    %c0_i32 = arith.constant 0 : i32
    %c0_i32_0 = arith.constant 0 : i32
    return %c0_i32 : i32
  }
  func.func @transform_7(%arg0: i32) -> (i32, i32, i32) {
    %c0_i32 = arith.constant 0 : i32
    %c0_i32_0 = arith.constant 0 : i32
    %c0_i32_1 = arith.constant 0 : i32
    return %c0_i32, %arg0, %c0_i32_0 : i32, i32, i32
  }
  func.func @transform_8(%arg0: i32) -> (i32, i32) {
    %c0_i32 = arith.constant 0 : i32
    %c0_i32_0 = arith.constant 0 : i32
    %c0_i32_1 = arith.constant 0 : i32
    return %c0_i32, %c0_i32_0 : i32, i32
  }
}

module attributes {stable_mosaic.version = 14 : i64} {
  func.func @_tc2_body(%arg0: i32, %arg1: memref<2x400x128xf32, #tpu.memory_space<vmem>>, %arg2: memref<25x400xf32, #tpu.memory_space<vmem>>, %arg3: memref<2x400x128xf32, #tpu.memory_space<vmem>>, %arg4: memref<256x256xf32, #tpu.memory_space<vmem>>, %arg5: memref<256x256xf32, #tpu.memory_space<vmem>>, %arg6: memref<256xf32, #tpu.memory_space<vmem>>, %arg7: memref<256xf32, #tpu.memory_space<vmem>>, %arg8: memref<256xf32, #tpu.memory_space<vmem>>, %arg9: memref<1xf32, #tpu.memory_space<vmem>>, %arg10: memref<25x400xf32, #tpu.memory_space<vmem>>) attributes {dimension_semantics = [#tpu.dimension_semantics<arbitrary>], iteration_bounds = array<i64: 25>, scalar_prefetch = 0 : i64, scratch_operands = 0 : i64, tpu.core_type = #tpu.core_type<tc>, window_params = [{transform_indices = @transform_0, window_bounds = array<i64: 2, 400, 128>}, {pipeline_mode = #tpu.pipeline_mode<synchronous>, transform_indices = @transform_1, window_bounds = array<i64: 25, 400>}, {transform_indices = @transform_2, window_bounds = array<i64: 2, 400, 128>}, {pipeline_mode = #tpu.pipeline_mode<synchronous>, transform_indices = @transform_3, window_bounds = array<i64: 256, 256>}, {pipeline_mode = #tpu.pipeline_mode<synchronous>, transform_indices = @transform_4, window_bounds = array<i64: 256, 256>}, {pipeline_mode = #tpu.pipeline_mode<synchronous>, transform_indices = @transform_5, window_bounds = array<i64: 256>}, {pipeline_mode = #tpu.pipeline_mode<synchronous>, transform_indices = @transform_6, window_bounds = array<i64: 256>}, {pipeline_mode = #tpu.pipeline_mode<synchronous>, transform_indices = @transform_7, window_bounds = array<i64: 256>}, {pipeline_mode = #tpu.pipeline_mode<synchronous>, transform_indices = @transform_8, window_bounds = array<i64: 1>}, {pipeline_mode = #tpu.pipeline_mode<synchronous>, transform_indices = @transform_9, window_bounds = array<i64: 25, 400>}]} {
    %get3A = arith.index_cast %arg0 : i32 to index
    %get3A_0 = arith.constant 0 : index
    %get3A_1 = vector.load %arg2[%get3A, %get3A_0] : memref<25x400xf32, #tpu.memory_space<vmem>>, vector<1x400xf32>
    %get3A_2 = vector.shape_cast %get3A_1 : vector<1x400xf32> to vector<400xf32>
    %get3A_3 = arith.constant 0 : index
    %get3A_4 = arith.constant 0 : index
    %get3A_5 = arith.constant 0 : index
    %get3A_6 = vector.load %arg1[%get3A_3, %get3A_4, %get3A_5] : memref<2x400x128xf32, #tpu.memory_space<vmem>>, vector<1x400x128xf32>
    %get3A_7 = vector.shape_cast %get3A_6 : vector<1x400x128xf32> to vector<400x128xf32>
    %get3A_8 = arith.constant 1 : index
    %get3A_9 = arith.constant 0 : index
    %get3A_10 = arith.constant 0 : index
    %get3A_11 = vector.load %arg1[%get3A_8, %get3A_9, %get3A_10] : memref<2x400x128xf32, #tpu.memory_space<vmem>>, vector<1x400x128xf32>
    %get3A_12 = vector.shape_cast %get3A_11 : vector<1x400x128xf32> to vector<400x128xf32>
    %concatenate3A = tpu.concatenate %get3A_7, %get3A_12 in 1 : vector<400x128xf32>, vector<400x128xf32> -> vector<400x256xf32>
    %broadcast_in_dim3A = vector.shape_cast %get3A_2 : vector<400xf32> to vector<400x1xf32>
    %mul3A = vector.broadcast %broadcast_in_dim3A : vector<400x1xf32> to vector<400x256xf32>
    %mul3A_13 = arith.mulf %concatenate3A, %mul3A : vector<400x256xf32>
    %get3A_14 = arith.constant 0 : index
    %get3A_15 = arith.constant 0 : index
    %get3A_16 = arith.constant 0 : index
    %get3A_17 = vector.load %arg3[%get3A_14, %get3A_15, %get3A_16] : memref<2x400x128xf32, #tpu.memory_space<vmem>>, vector<1x400x128xf32>
    %get3A_18 = vector.shape_cast %get3A_17 : vector<1x400x128xf32> to vector<400x128xf32>
    %get3A_19 = arith.constant 1 : index
    %get3A_20 = arith.constant 0 : index
    %get3A_21 = arith.constant 0 : index
    %get3A_22 = vector.load %arg3[%get3A_19, %get3A_20, %get3A_21] : memref<2x400x128xf32, #tpu.memory_space<vmem>>, vector<1x400x128xf32>
    %get3A_23 = vector.shape_cast %get3A_22 : vector<1x400x128xf32> to vector<400x128xf32>
    %concatenate3A_24 = tpu.concatenate %get3A_18, %get3A_23 in 1 : vector<400x128xf32>, vector<400x128xf32> -> vector<400x256xf32>
    %get3A_25 = arith.constant 0 : index
    %get3A_26 = arith.constant 0 : index
    %get3A_27 = vector.load %arg4[%get3A_25, %get3A_26] : memref<256x256xf32, #tpu.memory_space<vmem>>, vector<256x256xf32>
    %dot_general3A = arith.constant dense<0.000000e+00> : vector<400x256xf32>
    %dot_general3A_28 = tpu.matmul %mul3A_13, %get3A_27, %dot_general3A {dimension_numbers = #tpu.dot_dimension_numbers<[1], [0], [0], [1], [0, 0, 1, 1], [], []>, transpose_lhs_hint = false} : vector<400x256xf32>, vector<256x256xf32>, vector<400x256xf32> -> vector<400x256xf32>
    %get3A_29 = arith.constant 0 : index
    %get3A_30 = arith.constant 0 : index
    %get3A_31 = vector.load %arg5[%get3A_29, %get3A_30] : memref<256x256xf32, #tpu.memory_space<vmem>>, vector<256x256xf32>
    %dot_general3A_32 = arith.constant dense<0.000000e+00> : vector<400x256xf32>
    %dot_general3A_33 = tpu.matmul %concatenate3A_24, %get3A_31, %dot_general3A_32 {dimension_numbers = #tpu.dot_dimension_numbers<[1], [0], [0], [1], [0, 0, 1, 1], [], []>, transpose_lhs_hint = false} : vector<400x256xf32>, vector<256x256xf32>, vector<400x256xf32> -> vector<400x256xf32>
    %add3A = arith.addf %dot_general3A_28, %dot_general3A_33 : vector<400x256xf32>
    %get3A_34 = arith.constant 0 : index
    %get3A_35 = vector.load %arg6[%get3A_34] : memref<256xf32, #tpu.memory_space<vmem>>, vector<256xf32>
    %get3A_36 = arith.constant 0 : index
    %get3A_37 = vector.load %arg7[%get3A_36] : memref<256xf32, #tpu.memory_space<vmem>>, vector<256xf32>
    %add3A_38 = arith.addf %get3A_35, %get3A_37 : vector<256xf32>
    %broadcast_in_dim3A_39 = vector.shape_cast %add3A_38 : vector<256xf32> to vector<1x256xf32>
    %add3A_40 = vector.broadcast %broadcast_in_dim3A_39 : vector<1x256xf32> to vector<400x256xf32>
    %add3A_41 = arith.addf %add3A, %add3A_40 : vector<400x256xf32>
    %max3A = arith.constant 0.000000e+00 : f32
    %max3A_42 = vector.broadcast %max3A : f32 to vector<400x256xf32>
    %max3A_43 = arith.maximumf %add3A_41, %max3A_42 : vector<400x256xf32>
    %get3A_44 = arith.constant 0 : index
    %get3A_45 = vector.load %arg8[%get3A_44] : memref<256xf32, #tpu.memory_space<vmem>>, vector<256xf32>
    %broadcast_in_dim3A_46 = vector.shape_cast %get3A_45 : vector<256xf32> to vector<1x256xf32>
    %mul3A_47 = vector.broadcast %broadcast_in_dim3A_46 : vector<1x256xf32> to vector<400x256xf32>
    %mul3A_48 = arith.mulf %max3A_43, %mul3A_47 : vector<400x256xf32>
    %reduce_sum3A = arith.constant dense<0.000000e+00> : vector<400xf32>
    %reduce_sum3A_49 = vector.multi_reduction <add>, %mul3A_48, %reduce_sum3A [1] : vector<400x256xf32> to vector<400xf32>
    %get3A_50 = arith.constant 0 : index
    %get3A_51 = vector.load %arg9[%get3A_50] : memref<1xf32, #tpu.memory_space<vmem>>, vector<1xf32>
    %get3A_52 = vector.extract %get3A_51[0] : f32 from vector<1xf32>
    %mul3A_53 = arith.constant 5.000000e-01 : f32
    %mul3A_54 = arith.mulf %get3A_52, %mul3A_53 : f32
    %add3A_55 = vector.broadcast %mul3A_54 : f32 to vector<400xf32>
    %add3A_56 = arith.addf %reduce_sum3A_49, %add3A_55 : vector<400xf32>
    %swap3A = arith.index_cast %arg0 : i32 to index
    %swap3A_57 = arith.constant 0 : index
    %swap3A_58 = vector.load %arg10[%swap3A, %swap3A_57] : memref<25x400xf32, #tpu.memory_space<vmem>>, vector<1x400xf32>
    %swap3A_59 = vector.shape_cast %swap3A_58 : vector<1x400xf32> to vector<400xf32>
    %swap3A_60 = vector.shape_cast %add3A_56 : vector<400xf32> to vector<1x400xf32>
    tpu.vector_store %arg10[%swap3A, %swap3A_57], %swap3A_60 {strides = array<i32>} : memref<25x400xf32, #tpu.memory_space<vmem>>, vector<1x400xf32>,
    return
  }
  func.func @transform_0(%arg0: i32) -> (i32, i32, i32) {
    %c0_i32 = arith.constant 0 : i32
    %c0_i32_0 = arith.constant 0 : i32
    %c0_i32_1 = arith.constant 0 : i32
    return %c0_i32, %arg0, %c0_i32_0 : i32, i32, i32
  }
  func.func @transform_1(%arg0: i32) -> (i32, i32) {
    %c0_i32 = arith.constant 0 : i32
    %c0_i32_0 = arith.constant 0 : i32
    %c0_i32_1 = arith.constant 0 : i32
    return %c0_i32, %c0_i32_0 : i32, i32
  }
  func.func @transform_2(%arg0: i32) -> (i32, i32, i32) {
    %c0_i32 = arith.constant 0 : i32
    %c0_i32_0 = arith.constant 0 : i32
    %c0_i32_1 = arith.constant 0 : i32
    return %c0_i32, %arg0, %c0_i32_0 : i32, i32, i32
  }
  func.func @transform_3(%arg0: i32) -> (i32, i32) {
    %c0_i32 = arith.constant 0 : i32
    %c0_i32_0 = arith.constant 0 : i32
    %c0_i32_1 = arith.constant 0 : i32
    return %c0_i32, %c0_i32_0 : i32, i32
  }
  func.func @transform_4(%arg0: i32) -> (i32, i32) {
    %c0_i32 = arith.constant 0 : i32
    %c0_i32_0 = arith.constant 0 : i32
    %c0_i32_1 = arith.constant 0 : i32
    return %c0_i32, %c0_i32_0 : i32, i32
  }
  func.func @transform_5(%arg0: i32) -> i32 {
    %c0_i32 = arith.constant 0 : i32
    %c0_i32_0 = arith.constant 0 : i32
    return %c0_i32 : i32
  }
  func.func @transform_6(%arg0: i32) -> i32 {
    %c0_i32 = arith.constant 0 : i32
    %c0_i32_0 = arith.constant 0 : i32
    return %c0_i32 : i32
  }
  func.func @transform_7(%arg0: i32) -> i32 {
    %c0_i32 = arith.constant 0 : i32
    %c0_i32_0 = arith.constant 0 : i32
    return %c0_i32 : i32
  }
  func.func @transform_8(%arg0: i32) -> i32 {
    %c0_i32 = arith.constant 0 : i32
    %c0_i32_0 = arith.constant 0 : i32
    return %c0_i32 : i32
  }
  func.func @transform_9(%arg0: i32) -> (i32, i32) {
    %c0_i32 = arith.constant 0 : i32
    %c0_i32_0 = arith.constant 0 : i32
    %c0_i32_1 = arith.constant 0 : i32
    return %c0_i32, %c0_i32_0 : i32, i32
  }
}

</mosaic_0001>

<sc_bundles>
// kernel: kernel.10.cloned.1.call-start
scs
__scs_entry_jumppad:
0x0: {  	(pc) =	sbr.rel $0x88, $3  }
0x1: {  	(tag) =	ssettag $0x0;
	lr =	simm.s32 $0x1  }
0x2: {  	[smem:$0x3F95] =	sst lr;
	_ =	strace $0xD0000000  }
0x3: {  	_ = 	snop  }
0x4: {  	_ = 	snop  }
0x5: {  	_ = 	snop  }
0x6: {  	_ = 	snop  }
0x7: {  	_ = 	snop  }
__scs_overlays_trampoline_lowered:
0x8: {  	[smem:$0x3FA4] =	sst s0  }
0x9: {  	[smem:$0x3FA5] =	sst s1  }
0xa: {  	[smem:$0x3FA6] =	sst s2  }
0xb: {  	[smem:$0x3FA7] =	sst s3  }
0xc: {  	[smem:$0x3FA8] =	sst s4  }
0xd: {  	[smem:$0x3FA9] =	sst s5  }
0xe: {  	[smem:$0x3FAA] =	sst s6  }
0xf: {  	[smem:$0x3FAB] =	sst s7  }
0x10: {  	[smem:$0x3FAC] =	sst s8  }
0x11: {  	[smem:$0x3FAD] =	sst s9;
	s0 =	simm.s32 @!p0 $0x0  }
0x12: {  	s1 =	sld [smem:$0x3F93];
	s0 =	simm.s32 @p0 $0x1  }
0x13: {  	[smem:$0x3FAE] =	sst s0;
	s0 =	simm.s32 @!p1 $0x0  }
0x14: {  	s2 =	sld [smem:$0x3F92];
	s0 =	simm.s32 @p1 $0x1  }
0x15: {  	[smem:$0x3FAF] =	sst s0;
	s0 =	simm.s32 @!p2 $0x0  }
0x16: {  	s3 =	sld [smem:$0x3FDB];
	s0 =	simm.s32 @p2 $0x1  }
0x17: {  	s4 =	simm.s32 $0x1BF5;
	[smem:$0x3FB1] =	sst s0  }
0x18: {  	s0 =	sld [smem:$0x3F94];
	_ =	swait.ge [sflag:s4], $0x0  }
0x19: {  	s7 =	sld [smem:$0x3F95]  }
0x1a: {  	s8 =	sadd.s32 $0xFFFFE003, lr  }
0x1b: {  	s9 =	sadd.s32 $0xFFFFFEF7, lr;
	s5 =	simm.s32 $0xFFFFFFFF;
	p2 =	slt.u32 s8, $0xFFFFF086  }
0x1c: {  	p1 =	slt.u32 s9, $0xF7A;
	s5 =	simm.s32 @!p2 $0x0  }
0x1d: {  	s5 =	simm.s32 @p1 $0x1;
	p0 =	seq.s32 s7, s2  }
0x1e: {  	s7 =	smul.u32 @!p0 $0xF7A, s2;
	p2 =	seq.s32 @!p0 s5, $0x0  }
0x1f: {  	s9 =	smul.u32 $0xF7A, s1;
	s8 =	simm.s32 @!p0 $0x1BF5;
	p2 =	por !p2, p0  }
0x20: {  	[sflag:s8] =	ssyncset.s32 @!p0 $0xFFFFF086;
	s6 =	sadd.s32 @!p0 s3, s7;
	s7 =	simm.s32 @!p0 $0x108  }
0x21: {  	s3 =	sadd.s32 s3, s9;
	s6 =	sadd.s32 @!p0 $0x88, s6;
	s7 =	simm.s32 @p2 $0x1082  }
0x22: {  	[simem:s7], [sflag:s8] =	dma.local @!p0 [hbm:s6], $0xF7A  }
0x23: {  	s9 =	sor.u32 $0xD0000000, s2;
	s6 =	simm.s32 $0x108;
	_ =	swait.ge @!p0 [sflag:s8], $0x0  }
0x24: {  	s3 =	sadd.s32 $0x88, s3;
	s6 =	simm.s32 @!p1 $0x1082;
	[sflag:s4] =	ssyncset.s32 $0xFFFFF086  }
0x25: {  	[simem:s6], [sflag:s4] =	dma.local [hbm:s3], $0xF7A  }
0x26: {  	[smem:$0x3F95] =	sst s1;
	(tag) =	ssettag s2;
	_ =	strace s9  }
0x27: {  	s1 =	sld [smem:$0x3FA5]  }
0x28: {  	s2 =	sld [smem:$0x3FA6]  }
0x29: {  	s4 =	sld [smem:$0x3FA8]  }
0x2a: {  	p0 =	seq.s32 s5, $0x0;
	s5 =	sld [smem:$0x3FA9]  }
0x2b: {  	s6 =	sld [smem:$0x3FAA]  }
0x2c: {  	s7 =	sld [smem:$0x3FAB]  }
0x2d: {  	s3 =	simm.s32 $0x108;
	s8 =	sld [smem:$0x3FAC]  }
0x2e: {  	s3 =	simm.s32 @!p0 $0x1082;
	s9 =	sld [smem:$0x3FAD]  }
0x2f: {  	lr =	sadd.s32 s0, s3;
	s0 =	sld [smem:$0x3FA4]  }
0x30: {  	s3 =	sld [smem:$0x3FA7]  }
0x31: {  	[smem:$0x3FB0] =	sst s10  }
0x32: {  	s10 =	sld [smem:$0x3FAE];
	_ =	sdelay $0x3  }
0x33: {  	p0 =	seq.s32 s10, $0x1;
	s10 =	sld [smem:$0x3FB0];
	_ =	sdelay $0x3  }
0x34: {  	[smem:$0x3FB0] =	sst s10  }
0x35: {  	s10 =	sld [smem:$0x3FAF];
	_ =	sdelay $0x3  }
0x36: {  	p1 =	seq.s32 s10, $0x1;
	s10 =	sld [smem:$0x3FB0];
	_ =	sdelay $0x3  }
0x37: {  	[smem:$0x3FB0] =	sst s10  }
0x38: {  	s10 =	sld [smem:$0x3FB1]  }
0x39: {  	_ = 	snop;
	(pc) =	sbr.ind lr, $3  }
0x3a: {  	_ = 	snop  }
0x3b: {  	_ = 	snop  }
0x3c: {  	p2 =	seq.s32 s10, $0x1;
	s10 =	sld [smem:$0x3FB0]  }
0x3d: {  	_ =	shalt  }
0x3e: {  	_ =	shalt  }
0x3f: {  	_ =	shalt  }
0x40: {  	_ =	shalt  }
0x41: {  	_ =	shalt  }
0x42: {  	_ =	shalt  }
0x43: {  	_ =	shalt  }
0x44: {  	_ =	shalt  }
0x45: {  	_ =	shalt  }
0x46: {  	_ =	shalt  }
0x47: {  	_ =	shalt  }
0x48: {  	_ =	shalt  }
0x49: {  	_ =	shalt  }
0x4a: {  	_ =	shalt  }
0x4b: {  	_ =	shalt  }
0x4c: {  	_ =	shalt  }
0x4d: {  	_ =	shalt  }
0x4e: {  	_ =	shalt  }
0x4f: {  	_ =	shalt  }
0x50: {  	_ =	shalt  }
0x51: {  	_ =	shalt  }
0x52: {  	_ =	shalt  }
0x53: {  	_ =	shalt  }
0x54: {  	_ =	shalt  }
0x55: {  	_ =	shalt  }
0x56: {  	_ =	shalt  }
0x57: {  	_ =	shalt  }
0x58: {  	_ =	shalt  }
0x59: {  	_ =	shalt  }
0x5a: {  	_ =	shalt  }
0x5b: {  	_ =	shalt  }
0x5c: {  	_ =	shalt  }
0x5d: {  	_ =	shalt  }
0x5e: {  	_ =	shalt  }
0x5f: {  	_ =	shalt  }
0x60: {  	_ =	shalt  }
0x61: {  	_ =	shalt  }
0x62: {  	_ =	shalt  }
0x63: {  	_ =	shalt  }
0x64: {  	_ =	shalt  }
0x65: {  	_ =	shalt  }
0x66: {  	_ =	shalt  }
0x67: {  	_ =	shalt  }
0x68: {  	_ =	shalt  }
0x69: {  	_ =	shalt  }
0x6a: {  	_ =	shalt  }
0x6b: {  	_ =	shalt  }
0x6c: {  	_ =	shalt  }
0x6d: {  	_ =	shalt  }
0x6e: {  	_ =	shalt  }
0x6f: {  	_ =	shalt  }
0x70: {  	_ =	shalt  }
0x71: {  	_ =	shalt  }
0x72: {  	_ =	shalt  }
0x73: {  	_ =	shalt  }
0x74: {  	_ =	shalt  }
0x75: {  	_ =	shalt  }
0x76: {  	_ =	shalt  }
0x77: {  	_ =	shalt  }
0x78: {  	_ =	shalt  }
0x79: {  	_ =	shalt  }
0x7a: {  	_ =	shalt  }
0x7b: {  	_ =	shalt  }
0x7c: {  	_ =	shalt  }
0x7d: {  	_ =	shalt  }
0x7e: {  	_ =	shalt  }
0x7f: {  	_ =	shalt  }
0x80: {  	_ =	shalt  }
0x81: {  	_ =	shalt  }
0x82: {  	_ =	shalt  }
0x83: {  	_ =	shalt  }
0x84: {  	_ =	shalt  }
0x85: {  	_ =	shalt  }
0x86: {  	_ =	shalt  }
0x87: {  	_ =	shalt  }
.Lfunc_end0:
.L_simem_size_0:
called_computation.1_lowered:
.L_overlay_start_0:
0x88: {  	s2 =	sld [smem:$0x3FD9]  }
0x89: {  	s3 =	sld [smem:$0x3FFE];
	_ =	sdelay $0x1  }
0x8a: {  	s1 =	srdreg.scid  }
0x8b: {  	s0 =	sand.u32 $0x1, s1  }
0x8c: {  	s16 =	sshll.u32 s0, $0xA;
	s2 =	sadd.s32 s3, s2  }
0x8d: {  	s2 =	sadd.s32 s2, s16  }
0x8e: {  	[smem:$0x3FBC] =	sst s2  }
0x8f: {  	_ = 	snop  }
0x90: {  	(tm) =	ssettm $0x1  }
0x91: {  	s17 =	sld [smem:$0x3FFB];
	_ =	sdelay $0x3  }
0x92: {  	_ =	strace s17  }
0x93: {  	s2 =	sld [smem:$0x3FFC];
	_ =	sdelay $0x3  }
0x94: {  	_ =	strace s2  }
0x95: {  	s2 =	sld [smem:$0x3FFD];
	_ =	sdelay $0x3  }
0x96: {  	_ =	strace s2  }
0x97: {  	_ =	strace $0x8FFFFFFF  }
0x98: {  	s18 =	sld [smem:$0x3FDB];
	_ =	sdelay $0x1  }
0x99: {  	s19 =	simm.s32 $_scs_section_size  }
0x9a: {  	s4 =	simm.s32 $_size__tile_overlayer_lowered;
	s5 =	simm.s32 $_tile_overlayer_lowered  }
0x9b: {  	s22 =	simm.s32 $0x1BFF;
	s21 =	sshll.u32 s5, $0x1;
	s2 =	sadd.s32 s19, s18  }
0x9c: {  	s6 =	simm.s32 $0x0;
	s20 =	sshll.u32 s4, $0x1;
	s4 =	sadd.s32 s21, s2  }
0x9d: {  	[timem:s6], [sflag:s22] =	dma.local [hbm:s4], s20  }
0x9e: {  	_ =	swait.ge [sflag:s22], s20  }
0x9f: {  	s3 =	ssub.s32 $0x0, s20;
	[sflag:s22] =	ssyncset.done $0x0  }
0xa0: {  	[sflag:s22] =	ssyncadd.s32 s3;
	_ =	sdelay $0x1  }
0xa1: {  	s23 =	simm.s32 $0x1B8B  }
0xa2: {  	_ =	swait.ge [sflag:s23], $0x1  }
0xa3: {  	[sflag:s23] =	ssyncset.done $0x0  }
0xa4: {  	s25 =	simm.s32 $0x1B8E;
	s24 =	sld [smem:$0x3FFE];
	[sflag:s23] =	ssyncadd.s32 $0xFFFFFFFF  }
0xa5: {  	s26 =	simm.s32 $execute0_lowered;
	[smem:$0x3FD2] =	sst s25  }
0xa6: {  	s4 =	sshll.u32 s26, $0x1;
	_ =	strace $0x80000049;
	[dreg:$0x1] =	wrdreg $0xFFFFFFFF  }
0xa7: {  	s28 =	simm.s32 $_size_execute0_lowered;
	s2 =	sadd.s32 s2, s4;
	[dreg:$0x0] =	wrdreg $0x0  }
0xa8: {  	s4 =	sshll.u32 s28, $0x1;
	[dreg:$0x2] =	wrdreg s2  }
0xa9: {  	[dreg:$0x3] =	wrdreg s4  }
0xaa: {  	[dreg:$0x4] =	wrdreg $0xC0  }
0xab: {  	_ =	task [dreg:s6], $0x5FFFF  }
0xac: {  	[dreg:$0x1] =	wrdreg $0xFFFFFFFF  }
0xad: {  	[dreg:$0x0] =	wrdreg $0x60  }
0xae: {  	[dreg:$0x2] =	wrdreg s24  }
0xaf: {  	[dreg:$0x3] =	wrdreg $0x51400  }
0xb0: {  	[dreg:$0x4] =	wrdreg $0x9  }
0xb1: {  	_ =	task.clear_ibuf [dreg:s6], $0x5FFFF;
	_ =	strace $0x90000049  }
0xb2: {  	s29 =	simm.s32 $0x9;
	_ =	strace $0x8000004B  }
0xb3: {  	_ =	swait.ge [sflag:s29], $0x1  }
0xb4: {  	[sflag:s29] =	ssyncadd.s32 $0xFFFFFFFF  }
0xb5: {  	_ =	strace $0x9000004B  }
0xb6: {  	_ =	sfence  }
0xb7: {  	s30 =	sld [smem:$0x0];
	_ =	sdelay $0x2  }
0xb8: {  	s31 =	sshll.u32 s1, $0xD;
	s1 =	sshrl.u32 s1, $0x2  }
0xb9: {  	s3 =	sand.u32 $0x4000, s31;
	s1 =	sadd.s32 s1, s30  }
0xba: {  	s0 =	sor.u32 s3, s0;
	s1 =	sshll.u32 s1, $0x11  }
0xbb: {  	s0 =	sor.u32 s1, s0  }
0xbc: {  	s0 =	sadd.s32 $0x8F2B, s0  }
0xbd: {  	[sflag:s0] =	ssyncadd.remote.s32 $0x1  }
0xbe: {  	_ =	sfence.sel $0xFFFF  }
0xbf: {  	[dreg:$0x0] =	wrdreg $0xFFFFFFFF;
	(pc) =	sbr.abs _section_cstart, $3  }
0xc0: {  	[dreg:$0x1] =	wrdreg $0xFFFFFFFF  }
0xc1: {  	_ =	task.clear_ibuf [dreg:s6], $0x2FFFF;
	_ =	strace $0x9FFFFFFF  }
0xc2: {  	(tm) =	ssettm $0x7FFFFFFF  }
0xc3: {  	_ =	shalt  }
tec
execute0_lowered:
.L_overlay_start_1:
0x0: {  	(tag) =	ssettag $0x1  }
0x1: {  	s0 =	rddreg [dreg:$0x0]  }
0x2: {  	s1 =	rddreg [dreg:$0x1]  }
0x3: {  	s2 =	simm.s32 $0x0;
	s3 =	srdreg.scid;
	s12 =	stileid.u32  }
0x4: {  	s29 =	simm.s32 $0xF0;
	s30 =	simm.s32 $0x5;
	s31 =	simm.s32 $0x6  }
0x5: {  	s28 =	simm.s32 $0x1;
	[smem:$0x7FF] =	sst s2;
	s6 =	smul.u32 $0x4E000, s12  }
0x6: {  	s4 =	sadd.s32 $0x2A800, s0;
	s3 =	sand.u32 $0x1, s3;
	s10 =	smul.u32 $0x13800, s12  }
0x7: {  	s5 =	sadd.s32 $0x16E00, s0;
	s7 =	sadd.s32 $0x3200, s0;
	s15 =	smul.u32 $0x4E20, s12  }
0x8: {  	s0 =	sadd.s32 $0x78A00, s0;
	s25 =	smul.u32 $0x9C4, s12;
	p0 =	sne.s32 s12, $0x0  }
0x9: {  	_ =	strace $0x8000004A;
	s8 =	ssub.s32 $0x2, s3;
	s6 =	sshrl.u32 s6, $0x2  }
0xa: {  	s14 =	smul.u32 $0x4E200, s3;
	s9 =	sshrl.u32 s8, $0x1;
	s26 =	sadd.s32 s6, s1  }
0xb: {  	s3 =	smul.u32 $0x138800, s3;
	s8 =	ssub.s32 s8, s9;
	s11 =	sadd.s32 $0x2800, s26  }
0xc: {  	s6 =	sadd.s32 s10, s1;
	s13 =	sadd.s32 $0x5000, s26;
	[dreg:$0x4] =	wrdreg s11  }
0xd: {  	s20 =	sadd.s32 s15, s14;
	s16 =	sadd.s32 $0x7800, s26;
	[dreg:$0x5] =	wrdreg s13  }
0xe: {  	s14 =	sadd.s32 $0x138000, s1;
	s17 =	sadd.s32 $0xA000, s26;
	[dreg:$0x6] =	wrdreg s16  }
0xf: {  	s10 =	sadd.s32 s10, s3;
	s18 =	sadd.s32 $0xC800, s26;
	[dreg:$0x7] =	wrdreg s17  }
0x10: {  	s3 =	sshrl.u32 s3, $0x3;
	s19 =	sadd.s32 $0xF000, s26;
	[dreg:$0x8] =	wrdreg s18  }
0x11: {  	s9 =	sadd.s32 $0x11800, s26;
	s10 =	sshrl.u32 s10, $0x3;
	[dreg:$0x9] =	wrdreg s19  }
0x12: {  	s23 =	sadd.s32 $0xF0, s20;
	s21 =	smax.u32 s8, $0x1;
	[dreg:$0xa] =	wrdreg s9  }
0x13: {  	s11 =	sshrl.u32 s20, $0x3;
	s16 =	sshrl.u32 s15, $0x3;
	s10 =	sadd.s32 s0, s10  }
0x14: {  	s0 =	sadd.s32 s0, s3;
	s24 =	sshrl.u32 s23, $0x3;
	s23 =	sadd.s32 $0xA0, s20  }
0x15: {  	s3 =	simm.s32 $0x8;
	[dreg:$0xd] =	wrdreg s10;
	s0 =	sadd.s32 $0x27000, s0  }
0x16: {  	s15 =	sadd.s32 s5, s11;
	s26 =	sadd.s32 s24, s5;
	[dreg:$0xe] =	wrdreg s0  }
0x17: {  	s16 =	sadd.s32 s7, s16;
	s11 =	sadd.s32 $0xA, s15;
	[dreg:$0x3] =	wrdreg s26  }
0x18: {  	s24 =	simm.s32 $0x140;
	s22 =	sadd.s32 $0xA, s16;
	[dreg:$0xb] =	wrdreg s11  }
0x19: {  	s26 =	simm.s32 $0x50;
	s0 =	simm.s32 $0x2940;
	[dreg:$0xc] =	wrdreg s22  }
0x1a: {  	v0 =	vimm.f32 $0.0e+00;
	s22 =	sadd.s32 s25, s7;
	s25 =	simm.s32 $0x9;
	s7 =	simm.s32 $0x4  }
.LBB2_1:
0x1b: {  	s8 =	simm.s32 $0x0;
	s9 =	simm.s32 $0x200  }
.LBB2_2:
0x1c: {  	p1 =	sne.s32 s9, $0x9E00;
	[tilespmem:s8+$0x1B0] =	vst v0  }
0x1d: {  	[tilespmem:s8+$0x140] =	vst v0  }
0x1e: {  	[tilespmem:s8+$0x150] =	vst v0  }
.Ltmp0:
0x1f: {  	[tilespmem:s8+$0x160] =	vst v0;
	(pc) =	sbr.rel @p1 .LBB2_2-.Ltmp0, $4  }
0x20: {  	[tilespmem:s8+$0x170] =	vst v0  }
0x21: {  	[tilespmem:s8+$0x180] =	vst v0  }
0x22: {  	[tilespmem:s8+$0x190] =	vst v0  }
0x23: {  	[tilespmem:s8+$0x1A0] =	vst v0;
	s8 =	sshra.s32 s9, $0x2;
	s9 =	sadd.s32 $0x200, s9  }
0x24: {  	[tilespmem:s8+$0x1B0] =	vst v0  }
0x25: {  	[tilespmem:s8+$0x140] =	vst v0  }
0x26: {  	[tilespmem:s8+$0x150] =	vst v0  }
0x27: {  	[tilespmem:s8+$0x160] =	vst v0  }
0x28: {  	[tilespmem:s8+$0x170] =	vst v0  }
0x29: {  	[tilespmem:s8+$0x180] =	vst v0  }
0x2a: {  	[tilespmem:s8+$0x190] =	vst v0  }
0x2b: {  	[tilespmem:s8+$0x1A0] =	vst v0  }
0x2c: {  	[spmem:s6] =	stream.linear.scatter [tilespmem:s24], [sflag:$0x9], $0x2800, $0x38;
	[tilespmem:$0x18A00] =	vst v63  }
0x2d: {  	_ =	swait.ge [sflag:s25], $0x2800  }
0x2e: {  	[sflag:s25] =	ssyncset.done $0x0  }
0x2f: {  	s20 =	rddreg [dreg:$0x4];
	[sflag:s25] =	ssyncadd.s32 $0xFFFFD800  }
0x30: {  	[spmem:s20] =	stream.linear.scatter [tilespmem:s24], [sflag:$0x9], $0x2800, $0x38;
	[tilespmem:$0x18A00] =	vst v63  }
0x31: {  	_ =	swait.ge [sflag:s25], $0x2800  }
0x32: {  	[sflag:s25] =	ssyncset.done $0x0  }
0x33: {  	s9 =	rddreg [dreg:$0x5];
	[sflag:s25] =	ssyncadd.s32 $0xFFFFD800  }
0x34: {  	[spmem:s9] =	stream.linear.scatter [tilespmem:s24], [sflag:$0x9], $0x2800, $0x38;
	[tilespmem:$0x18A00] =	vst v63  }
0x35: {  	_ =	swait.ge [sflag:s25], $0x2800  }
0x36: {  	[sflag:s25] =	ssyncset.done $0x0  }
0x37: {  	s10 =	rddreg [dreg:$0x6];
	[sflag:s25] =	ssyncadd.s32 $0xFFFFD800  }
0x38: {  	[spmem:s10] =	stream.linear.scatter [tilespmem:s24], [sflag:$0x9], $0x2800, $0x38;
	[tilespmem:$0x18A00] =	vst v63  }
0x39: {  	_ =	swait.ge [sflag:s25], $0x2800  }
0x3a: {  	[sflag:s25] =	ssyncset.done $0x0  }
0x3b: {  	s11 =	rddreg [dreg:$0x7];
	[sflag:s25] =	ssyncadd.s32 $0xFFFFD800  }
0x3c: {  	[spmem:s11] =	stream.linear.scatter [tilespmem:s24], [sflag:$0x9], $0x2800, $0x38;
	[tilespmem:$0x18A00] =	vst v63  }
0x3d: {  	_ =	swait.ge [sflag:s25], $0x2800  }
0x3e: {  	[sflag:s25] =	ssyncset.done $0x0  }
0x3f: {  	s12 =	rddreg [dreg:$0x8];
	[sflag:s25] =	ssyncadd.s32 $0xFFFFD800  }
0x40: {  	[spmem:s12] =	stream.linear.scatter [tilespmem:s24], [sflag:$0x9], $0x2800, $0x38;
	[tilespmem:$0x18A00] =	vst v63  }
0x41: {  	_ =	swait.ge [sflag:s25], $0x2800  }
0x42: {  	[sflag:s25] =	ssyncset.done $0x0  }
0x43: {  	s13 =	rddreg [dreg:$0x9];
	[sflag:s25] =	ssyncadd.s32 $0xFFFFD800  }
0x44: {  	[spmem:s13] =	stream.linear.scatter [tilespmem:s24], [sflag:$0x9], $0x2800, $0x38;
	[tilespmem:$0x18A00] =	vst v63  }
0x45: {  	_ =	swait.ge [sflag:s25], $0x2800  }
0x46: {  	[sflag:s25] =	ssyncset.done $0x0  }
0x47: {  	s17 =	rddreg [dreg:$0xa];
	[sflag:s25] =	ssyncadd.s32 $0xFFFFD800  }
0x48: {  	[spmem:s17] =	stream.linear.scatter [tilespmem:s24], [sflag:$0x9], $0x2000, $0x38;
	[tilespmem:$0x18A00] =	vst v63  }
0x49: {  	_ =	swait.ge [sflag:s25], $0x2000  }
0x4a: {  	[sflag:s25] =	ssyncset.done $0x0  }
0x4b: {  	s8 =	simm.s32 @!p0 $0x140;
	[sflag:s25] =	ssyncadd.s32 $0xFFFFE000  }
0x4c: {  	[spmem:s14] =	stream.linear.scatter @!p0 [tilespmem:s8], [sflag:$0x9], $0x800, $0x38;
	[tilespmem:$0x18A00] =	vst v63  }
0x4d: {  	s8 =	simm.s32 @!p0 $0x9  }
0x4e: {  	_ =	swait.ge @!p0 [sflag:s8], $0x800  }
0x4f: {  	[sflag:s8] =	ssyncset.done @!p0 $0x0  }
0x50: {  	[sflag:s8] =	ssyncadd.s32 @!p0 $0xFFFFF800  }
0x51: {  	s18 =	simm.s32 $0x0;
	[bflag:$0x0] =	sbarrier.arrive $0xFFFF  }
0x52: {  	[tilespmem:s18], [sflag:$0x5] =	stream.linear.gather [hbm4b:s15+s18], $0x50, $0x38;
	[tilespmem:$0x18A00] =	vst v63  }
0x53: {  	s9 =	rddreg [dreg:$0xb]  }
0x54: {  	[tilespmem:s26], [sflag:$0x6] =	stream.linear.gather [hbm4b:s9+s18], $0x50, $0x38;
	[tilespmem:$0x18A00] =	vst v63  }
0x55: {  	s19 =	simm.s32 $0xA0  }
0x56: {  	[tilespmem:s19], [sflag:$0x7] =	stream.linear.gather [hbm4b:s16+s18], $0x50, $0x38;
	[tilespmem:$0x18A00] =	vst v63  }
0x57: {  	s20 =	rddreg [dreg:$0xc]  }
0x58: {  	[tilespmem:s29], [sflag:$0x8] =	stream.linear.gather [hbm4b:s20+s18], $0x50, $0x38;
	[tilespmem:$0x18A00] =	vst v63  }
0x59: {  	_ =	swait.ge [sflag:s30], $0x50  }
0x5a: {  	p1 =	por $0x1, $0x1;
	[sflag:s30] =	ssyncset.done $0x0  }
0x5b: {  	s8 =	simm.s32 @!p1 $0x4;
	[sflag:s30] =	ssyncadd.s32 $0xFFFFFFB0  }
0x5c: {  	[tilespmem:s24], [sflag:$0x1] =	stream.indirect.gather [hbm4b:s4+s26], $0x80, s18, s26, $0xb8;
	[tilespmem:$0x18A00] =	vst v63  }
0x5d: {  	_ =	swait.ge @!p1 [sflag:s8], $0x2800  }
0x5e: {  	s10 =	simm.s32 @!p1 $0xF0;
	s9 =	sadd.s32 @!p1 $0x0, s22;
	[sflag:s8] =	ssyncset.done @!p1 $0x0  }
0x5f: {  	[sflag:s8] =	ssyncadd.s32 @!p1 $0xFFFFD800;
	s8 =	sadd.s32 @!p1 $0xA, s9;
	s9 =	simm.s32 @!p1 $0x0  }
0x60: {  	[tilespmem:s10], [sflag:$0x8] =	stream.linear.gather @!p1 [hbm4b:s8+s9], $0x50, $0x38;
	[tilespmem:$0x18A00] =	vst v63  }
0x61: {  	_ =	swait.ge [sflag:s31], $0x50  }
0x62: {  	[sflag:s31] =	ssyncset.done $0x0  }
0x63: {  	[sflag:s31] =	ssyncadd.s32 $0xFFFFFFB0  }
0x64: {  	[tilespmem:s0], [sflag:$0x2] =	stream.indirect.gather [hbm4b:s4+s26], $0x80, s26, s26, $0xb8;
	[tilespmem:$0x18A00] =	vst v63  }
0x65: {  	_ =	swait.ge [sflag:s28], $0x2800  }
0x66: {  	p1 =	por $0x0, $0x0;
	[sflag:s28] =	ssyncset.done $0x0  }
0x67: {  	s8 =	simm.s32 @p1 $0x7;
	[sflag:s28] =	ssyncadd.s32 $0xFFFFD800  }
0x68: {  	_ =	swait.ge @p1 [sflag:s8], $0x50  }
0x69: {  	s9 =	simm.s32 @p1 $0x140;
	s10 =	simm.s32 @p1 $0x3;
	[sflag:s8] =	ssyncset.done @p1 $0x0  }
0x6a: {  	s11 =	simm.s32 @p1 $0xA0;
	[sflag:s8] =	ssyncadd.s32 @p1 $0xFFFFFFB0;
	s8 =	simm.s32 @p1 $0x50  }
0x6b: {  	[spmem:s1] =	stream.indirect.scatter.add.f32 @p1 [tilespmem:s9], [sflag:$0x3], $0x80, s11, s8, $0xb8;
	[tilespmem:$0x18A00] =	vst v63  }
0x6c: {  	_ =	swait.ge @p1 [sflag:s10], $0x2800  }
0x6d: {  	[sflag:s10] =	ssyncset.done @p1 $0x0  }
0x6e: {  	s8 =	simm.s32 @p1 $0x2;
	[sflag:s10] =	ssyncadd.s32 @p1 $0xFFFFD800  }
0x6f: {  	s9 =	sshrl.u32 @!p1 s23, $0x3;
	_ =	swait.ge @p1 [sflag:s8], $0x2800  }
0x70: {  	s9 =	sadd.s32 @!p1 s5, s9;
	[sflag:s8] =	ssyncset.done @p1 $0x0  }
0x71: {  	s10 =	simm.s32 @!p1 $0x7;
	[sflag:s8] =	ssyncadd.s32 @p1 $0xFFFFD800;
	s8 =	simm.s32 @!p1 $0x0  }
0x72: {  	[tilespmem:s8], [sflag:$0x5] =	stream.linear.gather @!p1 [hbm4b:s9+s8], $0x50, $0x38;
	[tilespmem:$0x18A00] =	vst v63  }
0x73: {  	_ =	swait.ge @!p1 [sflag:s10], $0x50  }
0x74: {  	s12 =	simm.s32 @!p1 $0xA0;
	s11 =	simm.s32 @!p1 $0x3;
	[sflag:s10] =	ssyncset.done @!p1 $0x0  }
0x75: {  	s9 =	simm.s32 @!p1 $0x140;
	[sflag:s10] =	ssyncadd.s32 @!p1 $0xFFFFFFB0;
	s10 =	simm.s32 @!p1 $0x50  }
0x76: {  	[spmem:s1] =	stream.indirect.scatter.add.f32 @!p1 [tilespmem:s9], [sflag:$0x3], $0x80, s12, s10, $0xb8;
	[tilespmem:$0x18A00] =	vst v63  }
0x77: {  	_ =	swait.ge @!p1 [sflag:s11], $0x2800  }
0x78: {  	s13 =	sadd.s32 @!p1 $0x0, s22;
	[sflag:s11] =	ssyncset.done @!p1 $0x0  }
0x79: {  	[sflag:s11] =	ssyncadd.s32 @!p1 $0xFFFFD800;
	s11 =	sadd.s32 @!p1 $0x14, s13  }
0x7a: {  	[tilespmem:s12], [sflag:$0x7] =	stream.linear.gather @!p1 [hbm4b:s11+s8], $0x50, $0x38;
	[tilespmem:$0x18A00] =	vst v63  }
0x7b: {  	s11 =	simm.s32 @!p1 $0x5  }
0x7c: {  	_ =	swait.ge @!p1 [sflag:s11], $0x50  }
0x7d: {  	[sflag:s11] =	ssyncset.done @!p1 $0x0  }
0x7e: {  	[sflag:s11] =	ssyncadd.s32 @!p1 $0xFFFFFFB0;
	s11 =	simm.s32 @!p1 $0x2  }
0x7f: {  	[tilespmem:s9], [sflag:$0x1] =	stream.indirect.gather @!p1 [hbm4b:s4+s10], $0x80, s8, s10, $0xb8;
	[tilespmem:$0x18A00] =	vst v63  }
0x80: {  	_ =	swait.ge @!p1 [sflag:s11], $0x2800  }
0x81: {  	s9 =	rddreg [dreg:$0x3];
	[sflag:s11] =	ssyncset.done @!p1 $0x0  }
0x82: {  	[sflag:s11] =	ssyncadd.s32 @!p1 $0xFFFFD800;
	s9 =	sadd.s32 @!p1 $0x0, s9  }
0x83: {  	[tilespmem:s10], [sflag:$0x6] =	stream.linear.gather @!p1 [hbm4b:s9+s8], $0x50, $0x38;
	[tilespmem:$0x18A00] =	vst v63  }
0x84: {  	p2 =	por $0x0, $0x0;
	s8 =	simm.s32 $0x14;
	_ =	swait.ge [sflag:s3], $0x50  }
0x85: {  	s10 =	simm.s32 $0x28;
	s9 =	sadd.s32 $0xA0, s23;
	[sflag:s3] =	ssyncset.done $0x0  }
.LBB2_4:
0x86: {  	s12 =	simm.s32 @!p2 $0x4;
	[sflag:s3] =	ssyncadd.s32 $0xFFFFFFB0  }
0x87: {  	[spmem:s1] =	stream.indirect.scatter.add.f32 [tilespmem:s0], [sflag:$0x4], $0x80, s29, s26, $0xb8;
	[tilespmem:$0x18A00] =	vst v63  }
0x88: {  	_ =	swait.ge @!p2 [sflag:s12], $0x2800  }
0x89: {  	s13 =	sadd.s32 @!p2 s8, s22;
	s17 =	simm.s32 @!p2 $0xF0;
	[sflag:s12] =	ssyncset.done @!p2 $0x0  }
0x8a: {  	[sflag:s12] =	ssyncadd.s32 @!p2 $0xFFFFD800;
	s12 =	sadd.s32 @!p2 $0xA, s13;
	s13 =	simm.s32 @!p2 $0x0  }
0x8b: {  	[tilespmem:s17], [sflag:$0x8] =	stream.linear.gather @!p2 [hbm4b:s12+s13], $0x50, $0x38;
	[tilespmem:$0x18A00] =	vst v63  }
0x8c: {  	_ =	swait.ge [sflag:s31], $0x50  }
0x8d: {  	[sflag:s31] =	ssyncset.done $0x0  }
0x8e: {  	[sflag:s31] =	ssyncadd.s32 $0xFFFFFFB0  }
0x8f: {  	[tilespmem:s0], [sflag:$0x2] =	stream.indirect.gather [hbm4b:s4+s26], $0x80, s26, s26, $0xb8;
	[tilespmem:$0x18A00] =	vst v63  }
0x90: {  	_ =	swait.ge [sflag:s28], $0x2800  }
0x91: {  	p2 =	seq.s32 s8, $0x9B0;
	[sflag:s28] =	ssyncset.done $0x0  }
0x92: {  	s12 =	simm.s32 @p2 $0x7;
	[sflag:s28] =	ssyncadd.s32 $0xFFFFD800  }
0x93: {  	_ =	swait.ge @p2 [sflag:s12], $0x50  }
0x94: {  	s18 =	simm.s32 @p2 $0x140;
	s19 =	simm.s32 @p2 $0x3;
	[sflag:s12] =	ssyncset.done @p2 $0x0  }
0x95: {  	s20 =	simm.s32 @p2 $0xA0;
	[sflag:s12] =	ssyncadd.s32 @p2 $0xFFFFFFB0;
	s12 =	simm.s32 @p2 $0x50  }
0x96: {  	[spmem:s1] =	stream.indirect.scatter.add.f32 @p2 [tilespmem:s18], [sflag:$0x3], $0x80, s20, s12, $0xb8;
	[tilespmem:$0x18A00] =	vst v63  }
0x97: {  	_ =	swait.ge @p2 [sflag:s19], $0x2800  }
0x98: {  	s17 =	sadd.s32 @!p2 s8, s22;
	[sflag:s19] =	ssyncset.done @p2 $0x0  }
0x99: {  	s12 =	sadd.s32 @!p2 $0x14, s17;
	s17 =	simm.s32 @p2 $0x2;
	[sflag:s19] =	ssyncadd.s32 @p2 $0xFFFFD800  }
0x9a: {  	s13 =	sshrl.u32 @!p2 s9, $0x3;
	_ =	swait.ge @p2 [sflag:s17], $0x2800  }
0x9b: {  	s13 =	sadd.s32 @!p2 s5, s13;
	[sflag:s17] =	ssyncset.done @p2 $0x0  }
0x9c: {  	s18 =	simm.s32 @!p2 $0x7;
	[sflag:s17] =	ssyncadd.s32 @p2 $0xFFFFD800;
	s17 =	simm.s32 @!p2 $0x0  }
0x9d: {  	[tilespmem:s17], [sflag:$0x5] =	stream.linear.gather @!p2 [hbm4b:s13+s17], $0x50, $0x38;
	[tilespmem:$0x18A00] =	vst v63  }
0x9e: {  	_ =	swait.ge @!p2 [sflag:s18], $0x50  }
0x9f: {  	s20 =	simm.s32 @!p2 $0xA0;
	s19 =	simm.s32 @!p2 $0x3;
	[sflag:s18] =	ssyncset.done @!p2 $0x0  }
0xa0: {  	s13 =	simm.s32 @!p2 $0x140;
	[sflag:s18] =	ssyncadd.s32 @!p2 $0xFFFFFFB0;
	s18 =	simm.s32 @!p2 $0x50  }
0xa1: {  	[spmem:s1] =	stream.indirect.scatter.add.f32 @!p2 [tilespmem:s13], [sflag:$0x3], $0x80, s20, s18, $0xb8;
	[tilespmem:$0x18A00] =	vst v63  }
0xa2: {  	_ =	swait.ge @!p2 [sflag:s19], $0x2800  }
0xa3: {  	[sflag:s19] =	ssyncset.done @!p2 $0x0  }
0xa4: {  	[sflag:s19] =	ssyncadd.s32 @!p2 $0xFFFFD800;
	s19 =	simm.s32 @!p2 $0x5  }
0xa5: {  	[tilespmem:s20], [sflag:$0x7] =	stream.linear.gather @!p2 [hbm4b:s12+s17], $0x50, $0x38;
	[tilespmem:$0x18A00] =	vst v63  }
0xa6: {  	_ =	swait.ge @!p2 [sflag:s19], $0x50  }
0xa7: {  	s11 =	smov.u32 s10;
	[sflag:s19] =	ssyncset.done @!p2 $0x0  }
0xa8: {  	s10 =	sadd.s32 $0x14, s10;
	s12 =	simm.s32 @!p2 $0x2;
	[sflag:s19] =	ssyncadd.s32 @!p2 $0xFFFFFFB0  }
0xa9: {  	[tilespmem:s13], [sflag:$0x1] =	stream.indirect.gather @!p2 [hbm4b:s4+s18], $0x80, s17, s18, $0xb8;
	[tilespmem:$0x18A00] =	vst v63  }
0xaa: {  	p1 =	sne.s32 s10, $0x9C4;
	_ =	swait.ge @!p2 [sflag:s12], $0x2800  }
.Ltmp1:
0xab: {  	s13 =	rddreg [dreg:$0x3];
	[sflag:s12] =	ssyncset.done @!p2 $0x0;
	(pc) =	sbr.rel @p1 .LBB2_4-.Ltmp1, $4  }
0xac: {  	[sflag:s12] =	ssyncadd.s32 @!p2 $0xFFFFD800;
	s12 =	sadd.s32 @!p2 s8, s13  }
0xad: {  	[tilespmem:s18], [sflag:$0x6] =	stream.linear.gather @!p2 [hbm4b:s12+s17], $0x50, $0x38;
	[tilespmem:$0x18A00] =	vst v63  }
0xae: {  	s8 =	smov.u32 s11;
	_ =	swait.ge [sflag:s3], $0x50  }
0xaf: {  	s9 =	sadd.s32 $0xA0, s9;
	p2 =	seq.s32 s8, $0x0;
	[sflag:s3] =	ssyncset.done $0x0  }
0xb0: {  	s10 =	simm.s32 @!p2 $0x4;
	[sflag:s3] =	ssyncadd.s32 $0xFFFFFFB0  }
0xb1: {  	[spmem:s1] =	stream.indirect.scatter.add.f32 [tilespmem:s0], [sflag:$0x4], $0x80, s29, s26, $0xb8;
	[tilespmem:$0x18A00] =	vst v63  }
0xb2: {  	_ =	swait.ge @!p2 [sflag:s10], $0x2800  }
0xb3: {  	s11 =	sadd.s32 @!p2 s8, s22;
	s12 =	simm.s32 @!p2 $0xF0;
	[sflag:s10] =	ssyncset.done @!p2 $0x0  }
0xb4: {  	[sflag:s10] =	ssyncadd.s32 @!p2 $0xFFFFD800;
	s10 =	sadd.s32 @!p2 $0xA, s11;
	s11 =	simm.s32 @!p2 $0x0  }
0xb5: {  	[tilespmem:s12], [sflag:$0x8] =	stream.linear.gather @!p2 [hbm4b:s10+s11], $0x50, $0x38;
	[tilespmem:$0x18A00] =	vst v63  }
0xb6: {  	_ =	swait.ge [sflag:s31], $0x50  }
0xb7: {  	[sflag:s31] =	ssyncset.done $0x0  }
0xb8: {  	[sflag:s31] =	ssyncadd.s32 $0xFFFFFFB0  }
0xb9: {  	[tilespmem:s0], [sflag:$0x2] =	stream.indirect.gather [hbm4b:s4+s26], $0x80, s26, s26, $0xb8;
	[tilespmem:$0x18A00] =	vst v63  }
0xba: {  	_ =	swait.ge [sflag:s28], $0x2800  }
0xbb: {  	p1 =	seq.s32 s8, $0x9B0;
	[sflag:s28] =	ssyncset.done $0x0  }
0xbc: {  	s10 =	simm.s32 @p1 $0x7;
	[sflag:s28] =	ssyncadd.s32 $0xFFFFD800  }
0xbd: {  	_ =	swait.ge @p1 [sflag:s10], $0x50  }
0xbe: {  	s13 =	simm.s32 @p1 $0xA0;
	s11 =	simm.s32 @p1 $0x140;
	[sflag:s10] =	ssyncset.done @p1 $0x0  }
0xbf: {  	s12 =	simm.s32 @p1 $0x3;
	[sflag:s10] =	ssyncadd.s32 @p1 $0xFFFFFFB0;
	s10 =	simm.s32 @p1 $0x50  }
0xc0: {  	[spmem:s1] =	stream.indirect.scatter.add.f32 @p1 [tilespmem:s11], [sflag:$0x3], $0x80, s13, s10, $0xb8;
	[tilespmem:$0x18A00] =	vst v63  }
0xc1: {  	_ =	swait.ge @p1 [sflag:s12], $0x2800  }
0xc2: {  	[sflag:s12] =	ssyncset.done @p1 $0x0  }
0xc3: {  	s10 =	simm.s32 @p1 $0x2;
	[sflag:s12] =	ssyncadd.s32 @p1 $0xFFFFD800  }
0xc4: {  	s9 =	sshrl.u32 @!p1 s9, $0x3;
	_ =	swait.ge @p1 [sflag:s10], $0x2800  }
0xc5: {  	s9 =	sadd.s32 @!p1 s5, s9;
	[sflag:s10] =	ssyncset.done @p1 $0x0  }
0xc6: {  	s11 =	simm.s32 @!p1 $0x7;
	[sflag:s10] =	ssyncadd.s32 @p1 $0xFFFFD800;
	s10 =	simm.s32 @!p1 $0x0  }
0xc7: {  	[tilespmem:s10], [sflag:$0x5] =	stream.linear.gather @!p1 [hbm4b:s9+s10], $0x50, $0x38;
	[tilespmem:$0x18A00] =	vst v63  }
0xc8: {  	_ =	swait.ge @!p1 [sflag:s11], $0x50  }
0xc9: {  	s13 =	simm.s32 @!p1 $0xA0;
	s12 =	simm.s32 @!p1 $0x3;
	[sflag:s11] =	ssyncset.done @!p1 $0x0  }
0xca: {  	s9 =	simm.s32 @!p1 $0x140;
	[sflag:s11] =	ssyncadd.s32 @!p1 $0xFFFFFFB0;
	s11 =	simm.s32 @!p1 $0x50  }
0xcb: {  	[spmem:s1] =	stream.indirect.scatter.add.f32 @!p1 [tilespmem:s9], [sflag:$0x3], $0x80, s13, s11, $0xb8;
	[tilespmem:$0x18A00] =	vst v63  }
0xcc: {  	_ =	swait.ge @!p1 [sflag:s12], $0x2800  }
0xcd: {  	s17 =	sadd.s32 @!p1 s8, s22;
	[sflag:s12] =	ssyncset.done @!p1 $0x0  }
0xce: {  	s17 =	sadd.s32 @!p1 $0x14, s17;
	[sflag:s12] =	ssyncadd.s32 @!p1 $0xFFFFD800;
	s12 =	simm.s32 @!p1 $0x5  }
0xcf: {  	[tilespmem:s13], [sflag:$0x7] =	stream.linear.gather @!p1 [hbm4b:s17+s10], $0x50, $0x38;
	[tilespmem:$0x18A00] =	vst v63  }
0xd0: {  	_ =	swait.ge @!p1 [sflag:s12], $0x50  }
0xd1: {  	[sflag:s12] =	ssyncset.done @!p1 $0x0  }
0xd2: {  	[sflag:s12] =	ssyncadd.s32 @!p1 $0xFFFFFFB0;
	s12 =	simm.s32 @!p1 $0x2  }
0xd3: {  	[tilespmem:s9], [sflag:$0x1] =	stream.indirect.gather @!p1 [hbm4b:s4+s11], $0x80, s10, s11, $0xb8;
	[tilespmem:$0x18A00] =	vst v63  }
0xd4: {  	_ =	swait.ge @!p1 [sflag:s12], $0x2800  }
0xd5: {  	s9 =	rddreg [dreg:$0x3];
	[sflag:s12] =	ssyncset.done @!p1 $0x0  }
0xd6: {  	[sflag:s12] =	ssyncadd.s32 @!p1 $0xFFFFD800;
	s8 =	sadd.s32 @!p1 s8, s9  }
0xd7: {  	[tilespmem:s11], [sflag:$0x6] =	stream.linear.gather @!p1 [hbm4b:s8+s10], $0x50, $0x38;
	[tilespmem:$0x18A00] =	vst v63  }
0xd8: {  	_ =	swait.ge [sflag:s3], $0x50  }
0xd9: {  	[sflag:s3] =	ssyncset.done $0x0  }
0xda: {  	[sflag:s3] =	ssyncadd.s32 $0xFFFFFFB0  }
0xdb: {  	[spmem:s1] =	stream.indirect.scatter.add.f32 [tilespmem:s0], [sflag:$0x4], $0x80, s29, s26, $0xb8;
	[tilespmem:$0x18A00] =	vst v63  }
0xdc: {  	_ =	swait.ge [sflag:s7], $0x2800  }
0xdd: {  	[sflag:s7] =	ssyncset.done $0x0  }
0xde: {  	s18 =	stileid.u32;
	[sflag:s7] =	ssyncadd.s32 $0xFFFFD800  }
0xdf: {  	s8 =	sshll.u32 s18, $0x6;
	[bflag:$0x0] =	sbarrier.arrive $0xFFFF  }
0xe0: {  	s19 =	sshrl.u32 s6, $0x3;
	s8 =	sor.u32 $0x1C09, s8;
	s20 =	rddreg [dreg:$0xd]  }
0xe1: {  	[hbm:s20], [sflag:s8] =	dma.local [spmem:s19], $0x2700  }
0xe2: {  	_ =	swait.ge [sflag:s25], $0x2700  }
0xe3: {  	s2 =	sadd.s32 $0x1, s2;
	s9 =	sshrl.u32 @!p0 s14, $0x3;
	[sflag:s25] =	ssyncset.done $0x0  }
0xe4: {  	p1 =	sne.s32 s2, s21;
	s10 =	rddreg [dreg:$0xe];
	[sflag:s25] =	ssyncadd.s32 $0xFFFFD900  }
0xe5: {  	[hbm:s10], [sflag:s8] =	dma.local @!p0 [spmem:s9], $0x100  }
.Ltmp2:
0xe6: {  	_ = 	snop;
	(pc) =	sbr.rel @p1 .LBB2_1-.Ltmp2, $4  }
0xe7: {  	s8 =	simm.s32 @!p0 $0x9  }
0xe8: {  	_ =	swait.ge @!p0 [sflag:s8], $0x100  }
0xe9: {  	[sflag:s8] =	ssyncset.done @!p0 $0x0  }
0xea: {  	[sflag:s8] =	ssyncadd.s32 @!p0 $0xFFFFFF00  }
0xeb: {  	_ =	sfence.sel $0x180000  }
0xec: {  	[bflag:$0x0] =	sbarrier.arrive $0xFFFF  }
0xed: {  	_ =	strace $0x9000004A  }
0xee: {  	[bflag:$0x2] =	sbarrier.arrive $0xFFFF  }
0xef: {  	s0 =	rddreg [dreg:$0x2]  }
0xf0: {  	s0 =	sadd.s32 @!p0 $0x100000, s0  }
0xf1: {  	[sflag:s0] =	ssyncadd.tile.s32 @!p0 $0x1;
	_ =	shalt  }
.Lfunc_end2:
_tile_overlayer_lowered:
.L_overlay_start_2:
0xf2: {  	(tag) =	ssettag $0x2  }
0xf3: {  	s0 =	rddreg [dreg:$0x0];
	s2 =	stileid.u32  }
0xf4: {  	s1 =	rddreg [dreg:$0x1];
	p0 =	sne.s32 s2, $0x0  }
0xf5: {  	s3 =	rddreg [dreg:$0x2];
	[bflag:$0x3] =	sbarrier.arrive $0xFFFF;
	s2 =	simm.s32 @!p0 $0x1C09  }
0xf6: {  	[timem:s3], [sflag:s2] =	dma.local @!p0 [hbm:s0], s1  }
0xf7: {  	s0 =	simm.s32 @!p0 $0x9  }
0xf8: {  	_ =	swait.ge @!p0 [sflag:s0], s1  }
0xf9: {  	s1 =	ssub.s32 @!p0 $0x0, s1;
	[sflag:s0] =	ssyncset.done @!p0 $0x0  }
0xfa: {  	[sflag:s0] =	ssyncadd.s32 @!p0 s1  }
0xfb: {  	[bflag:$0x3] =	sbarrier.arrive $0xFFFF  }
0xfc: {  	_ =	shalt  }

// kernel: kernel.13.cloned.1.call-start
scs
__scs_entry_jumppad:
0x0: {  	(pc) =	sbr.rel $0x88, $3  }
0x1: {  	(tag) =	ssettag $0x0;
	lr =	simm.s32 $0x1  }
0x2: {  	[smem:$0x3F95] =	sst lr;
	_ =	strace $0xD0000000  }
0x3: {  	_ = 	snop  }
0x4: {  	_ = 	snop  }
0x5: {  	_ = 	snop  }
0x6: {  	_ = 	snop  }
0x7: {  	_ = 	snop  }
__scs_overlays_trampoline_lowered:
0x8: {  	[smem:$0x3FA4] =	sst s0  }
0x9: {  	[smem:$0x3FA5] =	sst s1  }
0xa: {  	[smem:$0x3FA6] =	sst s2  }
0xb: {  	[smem:$0x3FA7] =	sst s3  }
0xc: {  	[smem:$0x3FA8] =	sst s4  }
0xd: {  	[smem:$0x3FA9] =	sst s5  }
0xe: {  	[smem:$0x3FAA] =	sst s6  }
0xf: {  	[smem:$0x3FAB] =	sst s7  }
0x10: {  	[smem:$0x3FAC] =	sst s8  }
0x11: {  	[smem:$0x3FAD] =	sst s9;
	s0 =	simm.s32 @!p0 $0x0  }
0x12: {  	s1 =	sld [smem:$0x3F93];
	s0 =	simm.s32 @p0 $0x1  }
0x13: {  	[smem:$0x3FAE] =	sst s0;
	s0 =	simm.s32 @!p1 $0x0  }
0x14: {  	s2 =	sld [smem:$0x3F92];
	s0 =	simm.s32 @p1 $0x1  }
0x15: {  	[smem:$0x3FAF] =	sst s0;
	s0 =	simm.s32 @!p2 $0x0  }
0x16: {  	s3 =	sld [smem:$0x3FDB];
	s0 =	simm.s32 @p2 $0x1  }
0x17: {  	s4 =	simm.s32 $0x1BF5;
	[smem:$0x3FB1] =	sst s0  }
0x18: {  	s0 =	sld [smem:$0x3F94];
	_ =	swait.ge [sflag:s4], $0x0  }
0x19: {  	s7 =	sld [smem:$0x3F95]  }
0x1a: {  	s8 =	sadd.s32 $0xFFFFE003, lr  }
0x1b: {  	s9 =	sadd.s32 $0xFFFFFEF7, lr;
	s5 =	simm.s32 $0xFFFFFFFF;
	p2 =	slt.u32 s8, $0xFFFFF086  }
0x1c: {  	p1 =	slt.u32 s9, $0xF7A;
	s5 =	simm.s32 @!p2 $0x0  }
0x1d: {  	s5 =	simm.s32 @p1 $0x1;
	p0 =	seq.s32 s7, s2  }
0x1e: {  	s7 =	smul.u32 @!p0 $0xF7A, s2;
	p2 =	seq.s32 @!p0 s5, $0x0  }
0x1f: {  	s9 =	smul.u32 $0xF7A, s1;
	s8 =	simm.s32 @!p0 $0x1BF5;
	p2 =	por !p2, p0  }
0x20: {  	[sflag:s8] =	ssyncset.s32 @!p0 $0xFFFFF086;
	s6 =	sadd.s32 @!p0 s3, s7;
	s7 =	simm.s32 @!p0 $0x108  }
0x21: {  	s3 =	sadd.s32 s3, s9;
	s6 =	sadd.s32 @!p0 $0x88, s6;
	s7 =	simm.s32 @p2 $0x1082  }
0x22: {  	[simem:s7], [sflag:s8] =	dma.local @!p0 [hbm:s6], $0xF7A  }
0x23: {  	s9 =	sor.u32 $0xD0000000, s2;
	s6 =	simm.s32 $0x108;
	_ =	swait.ge @!p0 [sflag:s8], $0x0  }
0x24: {  	s3 =	sadd.s32 $0x88, s3;
	s6 =	simm.s32 @!p1 $0x1082;
	[sflag:s4] =	ssyncset.s32 $0xFFFFF086  }
0x25: {  	[simem:s6], [sflag:s4] =	dma.local [hbm:s3], $0xF7A  }
0x26: {  	[smem:$0x3F95] =	sst s1;
	(tag) =	ssettag s2;
	_ =	strace s9  }
0x27: {  	s1 =	sld [smem:$0x3FA5]  }
0x28: {  	s2 =	sld [smem:$0x3FA6]  }
0x29: {  	s4 =	sld [smem:$0x3FA8]  }
0x2a: {  	p0 =	seq.s32 s5, $0x0;
	s5 =	sld [smem:$0x3FA9]  }
0x2b: {  	s6 =	sld [smem:$0x3FAA]  }
0x2c: {  	s7 =	sld [smem:$0x3FAB]  }
0x2d: {  	s3 =	simm.s32 $0x108;
	s8 =	sld [smem:$0x3FAC]  }
0x2e: {  	s3 =	simm.s32 @!p0 $0x1082;
	s9 =	sld [smem:$0x3FAD]  }
0x2f: {  	lr =	sadd.s32 s0, s3;
	s0 =	sld [smem:$0x3FA4]  }
0x30: {  	s3 =	sld [smem:$0x3FA7]  }
0x31: {  	[smem:$0x3FB0] =	sst s10  }
0x32: {  	s10 =	sld [smem:$0x3FAE];
	_ =	sdelay $0x3  }
0x33: {  	p0 =	seq.s32 s10, $0x1;
	s10 =	sld [smem:$0x3FB0];
	_ =	sdelay $0x3  }
0x34: {  	[smem:$0x3FB0] =	sst s10  }
0x35: {  	s10 =	sld [smem:$0x3FAF];
	_ =	sdelay $0x3  }
0x36: {  	p1 =	seq.s32 s10, $0x1;
	s10 =	sld [smem:$0x3FB0];
	_ =	sdelay $0x3  }
0x37: {  	[smem:$0x3FB0] =	sst s10  }
0x38: {  	s10 =	sld [smem:$0x3FB1]  }
0x39: {  	_ = 	snop;
	(pc) =	sbr.ind lr, $3  }
0x3a: {  	_ = 	snop  }
0x3b: {  	_ = 	snop  }
0x3c: {  	p2 =	seq.s32 s10, $0x1;
	s10 =	sld [smem:$0x3FB0]  }
0x3d: {  	_ =	shalt  }
0x3e: {  	_ =	shalt  }
0x3f: {  	_ =	shalt  }
0x40: {  	_ =	shalt  }
0x41: {  	_ =	shalt  }
0x42: {  	_ =	shalt  }
0x43: {  	_ =	shalt  }
0x44: {  	_ =	shalt  }
0x45: {  	_ =	shalt  }
0x46: {  	_ =	shalt  }
0x47: {  	_ =	shalt  }
0x48: {  	_ =	shalt  }
0x49: {  	_ =	shalt  }
0x4a: {  	_ =	shalt  }
0x4b: {  	_ =	shalt  }
0x4c: {  	_ =	shalt  }
0x4d: {  	_ =	shalt  }
0x4e: {  	_ =	shalt  }
0x4f: {  	_ =	shalt  }
0x50: {  	_ =	shalt  }
0x51: {  	_ =	shalt  }
0x52: {  	_ =	shalt  }
0x53: {  	_ =	shalt  }
0x54: {  	_ =	shalt  }
0x55: {  	_ =	shalt  }
0x56: {  	_ =	shalt  }
0x57: {  	_ =	shalt  }
0x58: {  	_ =	shalt  }
0x59: {  	_ =	shalt  }
0x5a: {  	_ =	shalt  }
0x5b: {  	_ =	shalt  }
0x5c: {  	_ =	shalt  }
0x5d: {  	_ =	shalt  }
0x5e: {  	_ =	shalt  }
0x5f: {  	_ =	shalt  }
0x60: {  	_ =	shalt  }
0x61: {  	_ =	shalt  }
0x62: {  	_ =	shalt  }
0x63: {  	_ =	shalt  }
0x64: {  	_ =	shalt  }
0x65: {  	_ =	shalt  }
0x66: {  	_ =	shalt  }
0x67: {  	_ =	shalt  }
0x68: {  	_ =	shalt  }
0x69: {  	_ =	shalt  }
0x6a: {  	_ =	shalt  }
0x6b: {  	_ =	shalt  }
0x6c: {  	_ =	shalt  }
0x6d: {  	_ =	shalt  }
0x6e: {  	_ =	shalt  }
0x6f: {  	_ =	shalt  }
0x70: {  	_ =	shalt  }
0x71: {  	_ =	shalt  }
0x72: {  	_ =	shalt  }
0x73: {  	_ =	shalt  }
0x74: {  	_ =	shalt  }
0x75: {  	_ =	shalt  }
0x76: {  	_ =	shalt  }
0x77: {  	_ =	shalt  }
0x78: {  	_ =	shalt  }
0x79: {  	_ =	shalt  }
0x7a: {  	_ =	shalt  }
0x7b: {  	_ =	shalt  }
0x7c: {  	_ =	shalt  }
0x7d: {  	_ =	shalt  }
0x7e: {  	_ =	shalt  }
0x7f: {  	_ =	shalt  }
0x80: {  	_ =	shalt  }
0x81: {  	_ =	shalt  }
0x82: {  	_ =	shalt  }
0x83: {  	_ =	shalt  }
0x84: {  	_ =	shalt  }
0x85: {  	_ =	shalt  }
0x86: {  	_ =	shalt  }
0x87: {  	_ =	shalt  }
.Lfunc_end0:
.L_simem_size_0:
called_computation.2_lowered:
.L_overlay_start_0:
0x88: {  	s2 =	sld [smem:$0x3FD9]  }
0x89: {  	s3 =	sld [smem:$0x3FFE];
	_ =	sdelay $0x1  }
0x8a: {  	s1 =	srdreg.scid  }
0x8b: {  	s0 =	sand.u32 $0x1, s1  }
0x8c: {  	s17 =	sshll.u32 s0, $0xA;
	s2 =	sadd.s32 s3, s2  }
0x8d: {  	s2 =	sadd.s32 s2, s17  }
0x8e: {  	[smem:$0x3FBC] =	sst s2  }
0x8f: {  	_ = 	snop  }
0x90: {  	s2 =	sld [smem:$0x3FD0];
	(tm) =	ssettm $0x1  }
0x91: {  	s18 =	sld [smem:$0x3FFB];
	_ =	sdelay $0x3  }
0x92: {  	_ =	strace s18  }
0x93: {  	s3 =	sld [smem:$0x3FFC];
	_ =	sdelay $0x3  }
0x94: {  	_ =	strace s3  }
0x95: {  	s3 =	sld [smem:$0x3FFD];
	_ =	sdelay $0x3  }
0x96: {  	_ =	strace s3  }
0x97: {  	_ =	strace $0x8FFFFFFF  }
0x98: {  	s19 =	sld [smem:$0x3FDB];
	_ =	sdelay $0x1  }
0x99: {  	s4 =	simm.s32 $_scs_section_size  }
0x9a: {  	s5 =	simm.s32 $_size__tile_overlayer_lowered;
	s6 =	simm.s32 $_tile_overlayer_lowered  }
0x9b: {  	s22 =	simm.s32 $0x1BFF;
	s21 =	sshll.u32 s6, $0x1;
	s3 =	sadd.s32 s4, s19  }
0x9c: {  	s7 =	simm.s32 $0x0;
	s20 =	sshll.u32 s5, $0x1;
	s5 =	sadd.s32 s21, s3  }
0x9d: {  	[timem:s7], [sflag:s22] =	dma.local [hbm:s5], s20  }
0x9e: {  	_ =	swait.ge [sflag:s22], s20  }
0x9f: {  	s4 =	ssub.s32 $0x0, s20;
	[sflag:s22] =	ssyncset.done $0x0  }
0xa0: {  	[sflag:s22] =	ssyncadd.s32 s4;
	_ =	sdelay $0x1  }
0xa1: {  	s23 =	simm.s32 $0x1B8B  }
0xa2: {  	_ =	swait.ge [sflag:s23], $0x1  }
0xa3: {  	[sflag:s23] =	ssyncset.done $0x0  }
0xa4: {  	s25 =	simm.s32 $0x1B8E;
	s24 =	sld [smem:$0x3FFE];
	[sflag:s23] =	ssyncadd.s32 $0xFFFFFFFF  }
0xa5: {  	s26 =	simm.s32 $execute0_lowered;
	[smem:$0x3FD2] =	sst s25  }
0xa6: {  	s5 =	sshll.u32 s26, $0x1;
	_ =	strace $0x8000004C;
	[dreg:$0x1] =	wrdreg $0xFFFFFFFF  }
0xa7: {  	s28 =	simm.s32 $_size_execute0_lowered;
	s3 =	sadd.s32 s3, s5;
	[dreg:$0x0] =	wrdreg $0x0  }
0xa8: {  	s5 =	sshll.u32 s28, $0x1;
	[dreg:$0x2] =	wrdreg s3  }
0xa9: {  	[dreg:$0x3] =	wrdreg s5  }
0xaa: {  	[dreg:$0x4] =	wrdreg $0xC0  }
0xab: {  	_ =	task [dreg:s7], $0x5FFFF  }
0xac: {  	[dreg:$0x1] =	wrdreg $0xFFFFFFFF  }
0xad: {  	[dreg:$0x0] =	wrdreg $0x60  }
0xae: {  	[dreg:$0x2] =	wrdreg s24  }
0xaf: {  	[dreg:$0x3] =	wrdreg s2  }
0xb0: {  	[dreg:$0x4] =	wrdreg $0x9  }
0xb1: {  	_ =	task.clear_ibuf [dreg:s7], $0x5FFFF;
	_ =	strace $0x9000004C  }
0xb2: {  	s29 =	simm.s32 $0x9;
	_ =	strace $0x8000004E  }
0xb3: {  	_ =	swait.ge [sflag:s29], $0x1  }
0xb4: {  	[sflag:s29] =	ssyncadd.s32 $0xFFFFFFFF  }
0xb5: {  	_ =	strace $0x9000004E  }
0xb6: {  	_ =	sfence  }
0xb7: {  	s30 =	sld [smem:$0x0];
	_ =	sdelay $0x2  }
0xb8: {  	s31 =	sshll.u32 s1, $0xD;
	s1 =	sshrl.u32 s1, $0x2  }
0xb9: {  	s3 =	sand.u32 $0x4000, s31;
	s1 =	sadd.s32 s1, s30  }
0xba: {  	s0 =	sor.u32 s3, s0;
	s1 =	sshll.u32 s1, $0x11  }
0xbb: {  	s0 =	sor.u32 s1, s0  }
0xbc: {  	s0 =	sadd.s32 $0x8F2B, s0  }
0xbd: {  	[sflag:s0] =	ssyncadd.remote.s32 $0x1  }
0xbe: {  	_ =	sfence.sel $0xFFFF  }
0xbf: {  	[dreg:$0x0] =	wrdreg $0xFFFFFFFF;
	(pc) =	sbr.abs _section_cstart, $3  }
0xc0: {  	[dreg:$0x1] =	wrdreg $0xFFFFFFFF  }
0xc1: {  	_ =	task.clear_ibuf [dreg:s7], $0x2FFFF;
	_ =	strace $0x9FFFFFFF  }
0xc2: {  	(tm) =	ssettm $0x7FFFFFFF  }
0xc3: {  	_ =	shalt  }
tec
execute0_lowered:
.L_overlay_start_1:
0x0: {  	(tag) =	ssettag $0x1  }
0x1: {  	s4 =	rddreg [dreg:$0x0];
	s1 =	srdreg.scid  }
0x2: {  	s0 =	stileid.u32;
	s6 =	rddreg [dreg:$0x1];
	s2 =	simm.s32 $0x0  }
0x3: {  	s10 =	simm.s32 $0x4F00;
	s3 =	sand.u32 $0x1, s1;
	s5 =	sshll.u32 s0, $0x1  }
0x4: {  	s11 =	simm.s32 $0x7680;
	s12 =	simm.s32 $0x0;
	s5 =	sor.u32 s3, s5  }
0x5: {  	[smem:$0x7FF] =	sst s2;
	s31 =	ssub.s32 $0x2, s3;
	s7 =	smul.u32 $0x4E2, s5  }
0x6: {  	s1 =	rddreg [dreg:$0x2];
	_ =	strace $0x8000004D;
	s8 =	sshrl.u32 s31, $0x1  }
0x7: {  	s3 =	sadd.s32 $0x16E00, s4;
	s8 =	ssub.s32 s31, s8;
	s9 =	sadd.s32 s7, s4  }
0x8: {  	s6 =	sadd.s32 s6, s7;
	s7 =	smax.u32 s8, $0x1;
	s8 =	simm.s32 $0x1  }
0x9: {  	s4 =	sadd.s32 $0xD000, s9;
	s5 =	sadd.s32 $0x3200, s9;
	s9 =	simm.s32 $0x2780  }
.LBB2_1:
0xa: {  	[tilespmem:s2], [sflag:$0x1] =	stream.linear.gather [hbm4b:s3+s2], $0x2780, $0x38;
	[tilespmem:$0x9E00] =	vst v63  }
0xb: {  	_ =	swait.ge [sflag:s8], $0x2780  }
0xc: {  	[sflag:s8] =	ssyncset.done $0x0  }
0xd: {  	[sflag:s8] =	ssyncadd.s32 $0xFFFFD880  }
0xe: {  	[tilespmem:s9], [sflag:$0x1] =	stream.linear.gather [hbm4b:s4+s2], $0x2710, $0x38;
	[tilespmem:$0x9E00] =	vst v63  }
0xf: {  	_ =	swait.ge [sflag:s8], $0x2710  }
0x10: {  	[sflag:s8] =	ssyncset.done $0x0  }
0x11: {  	[sflag:s8] =	ssyncadd.s32 $0xFFFFD8F0  }
0x12: {  	[tilespmem:s10], [sflag:$0x1] =	stream.linear.gather [hbm4b:s5+s2], $0x2710, $0x38;
	[tilespmem:$0x9E00] =	vst v63  }
0x13: {  	_ =	swait.ge [sflag:s8], $0x2710  }
0x14: {  	[sflag:s8] =	ssyncset.done $0x0  }
0x15: {  	s13 =	simm.s32 $0x0;
	[sflag:s8] =	ssyncadd.s32 $0xFFFFD8F0  }
0x16: {  	v0 =	vld [tilespmem:s13+$0x4F00]  }
0x17: {  	v1 =	vld [tilespmem:s13+$0x2780];
	_ =	sdelay $0x6  }
0x18: {  	v0 =	vld.idx.msk [tilespmem:v0+s2+$0x0], $0xffff  }
0x19: {  	s14 =	simm.s32 $0x10;
	v2 =	vld.idx.msk [tilespmem:v1+s2+$0x0], $0xffff  }
0x1a: {  	s15 =	simm.s32 $0x80;
	v1 =	vld [tilespmem:s14+$0x4F00]  }
.LBB2_2:
0x1b: {  	p0 =	sne.s32 s15, $0x9C00;
	v3 =	vld [tilespmem:s14+$0x2780];
	_ =	sdelay $0x3  }
0x1c: {  	v0 =	vadd.f32 v0, v2  }
.Ltmp0:
0x1d: {  	(pc) =	sbr.rel @p0 .LBB2_2-.Ltmp0, $4  }
0x1e: {  	[tilespmem:s13+$0x7680] =	vst v0;
	s13 =	smov.u32 s14  }
0x1f: {  	v0 =	vld.idx.msk [tilespmem:v1+s2+$0x0], $0xffff  }
0x20: {  	s14 =	sshra.s32 s15, $0x2;
	v2 =	vld.idx.msk [tilespmem:v3+s2+$0x0], $0xffff  }
0x21: {  	s15 =	sadd.s32 $0x40, s15;
	v1 =	vld [tilespmem:s14+$0x4F00]  }
0x22: {  	_ = 	snop  }
0x23: {  	v3 =	vld [tilespmem:s14+$0x2780];
	_ =	sdelay $0x3  }
0x24: {  	v0 =	vadd.f32 v0, v2;
	_ =	sdelay $0x1  }
0x25: {  	[tilespmem:s13+$0x7680] =	vst v0  }
0x26: {  	v0 =	vld.idx.msk [tilespmem:v1+s2+$0x0], $0xffff  }
0x27: {  	v63 =	vld.idx.msk [tilespmem:v3+s2+$0x0], $0xffff;
	_ =	sdelay $0x4  }
0x28: {  	s12 =	sadd.s32 $0x1, s12;
	v0 =	vadd.f32 v0, v63  }
0x29: {  	p0 =	sne.s32 s12, s7  }
.Ltmp1:
0x2a: {  	[tilespmem:s14+$0x7680] =	vst v0;
	(pc) =	sbr.rel @p0 .LBB2_1-.Ltmp1, $4  }
0x2b: {  	[hbm4b:s6+s2] =	stream.linear.scatter [tilespmem:s11], [sflag:$0x1], $0x2710, $0x38;
	[tilespmem:$0x9E00] =	vst v63  }
0x2c: {  	_ =	swait.ge [sflag:s8], $0x2710  }
0x2d: {  	[sflag:s8] =	ssyncset.done $0x0  }
0x2e: {  	[sflag:s8] =	ssyncadd.s32 $0xFFFFD8F0  }
0x2f: {  	_ =	sfence.sel $0x180000  }
0x30: {  	[bflag:$0x0] =	sbarrier.arrive $0xFFFF  }
0x31: {  	p0 =	sne.s32 s0, $0x0;
	_ =	strace $0x9000004D  }
0x32: {  	s0 =	sadd.s32 @!p0 $0x100000, s1;
	[bflag:$0x2] =	sbarrier.arrive $0xFFFF  }
0x33: {  	[sflag:s0] =	ssyncadd.tile.s32 @!p0 $0x1;
	_ =	shalt  }
.Lfunc_end2:
_tile_overlayer_lowered:
.L_overlay_start_2:
0x34: {  	(tag) =	ssettag $0x2  }
0x35: {  	s0 =	rddreg [dreg:$0x0];
	s2 =	stileid.u32  }
0x36: {  	s1 =	rddreg [dreg:$0x1];
	p0 =	sne.s32 s2, $0x0  }
0x37: {  	s3 =	rddreg [dreg:$0x2];
	[bflag:$0x3] =	sbarrier.arrive $0xFFFF;
	s2 =	simm.s32 @!p0 $0x1C01  }
0x38: {  	[timem:s3], [sflag:s2] =	dma.local @!p0 [hbm:s0], s1  }
0x39: {  	s0 =	simm.s32 @!p0 $0x1  }
0x3a: {  	_ =	swait.ge @!p0 [sflag:s0], s1  }
0x3b: {  	s1 =	ssub.s32 @!p0 $0x0, s1;
	[sflag:s0] =	ssyncset.done @!p0 $0x0  }
0x3c: {  	[sflag:s0] =	ssyncadd.s32 @!p0 s1  }
0x3d: {  	[bflag:$0x3] =	sbarrier.arrive $0xFFFF  }
0x3e: {  	_ =	shalt  }

// kernel: kernel.7.cloned.1.call-start
scs
__scs_entry_jumppad:
0x0: {  	(pc) =	sbr.rel $0x88, $3  }
0x1: {  	(tag) =	ssettag $0x0;
	lr =	simm.s32 $0x1  }
0x2: {  	[smem:$0x3F95] =	sst lr;
	_ =	strace $0xD0000000  }
0x3: {  	_ = 	snop  }
0x4: {  	_ = 	snop  }
0x5: {  	_ = 	snop  }
0x6: {  	_ = 	snop  }
0x7: {  	_ = 	snop  }
__scs_overlays_trampoline_lowered:
0x8: {  	[smem:$0x3FA4] =	sst s0  }
0x9: {  	[smem:$0x3FA5] =	sst s1  }
0xa: {  	[smem:$0x3FA6] =	sst s2  }
0xb: {  	[smem:$0x3FA7] =	sst s3  }
0xc: {  	[smem:$0x3FA8] =	sst s4  }
0xd: {  	[smem:$0x3FA9] =	sst s5  }
0xe: {  	[smem:$0x3FAA] =	sst s6  }
0xf: {  	[smem:$0x3FAB] =	sst s7  }
0x10: {  	[smem:$0x3FAC] =	sst s8  }
0x11: {  	[smem:$0x3FAD] =	sst s9;
	s0 =	simm.s32 @!p0 $0x0  }
0x12: {  	s1 =	sld [smem:$0x3F93];
	s0 =	simm.s32 @p0 $0x1  }
0x13: {  	[smem:$0x3FAE] =	sst s0;
	s0 =	simm.s32 @!p1 $0x0  }
0x14: {  	s2 =	sld [smem:$0x3F92];
	s0 =	simm.s32 @p1 $0x1  }
0x15: {  	[smem:$0x3FAF] =	sst s0;
	s0 =	simm.s32 @!p2 $0x0  }
0x16: {  	s3 =	sld [smem:$0x3FDB];
	s0 =	simm.s32 @p2 $0x1  }
0x17: {  	s4 =	simm.s32 $0x1BF5;
	[smem:$0x3FB1] =	sst s0  }
0x18: {  	s0 =	sld [smem:$0x3F94];
	_ =	swait.ge [sflag:s4], $0x0  }
0x19: {  	s7 =	sld [smem:$0x3F95]  }
0x1a: {  	s8 =	sadd.s32 $0xFFFFE003, lr  }
0x1b: {  	s9 =	sadd.s32 $0xFFFFFEF7, lr;
	s5 =	simm.s32 $0xFFFFFFFF;
	p2 =	slt.u32 s8, $0xFFFFF086  }
0x1c: {  	p1 =	slt.u32 s9, $0xF7A;
	s5 =	simm.s32 @!p2 $0x0  }
0x1d: {  	s5 =	simm.s32 @p1 $0x1;
	p0 =	seq.s32 s7, s2  }
0x1e: {  	s7 =	smul.u32 @!p0 $0xF7A, s2;
	p2 =	seq.s32 @!p0 s5, $0x0  }
0x1f: {  	s9 =	smul.u32 $0xF7A, s1;
	s8 =	simm.s32 @!p0 $0x1BF5;
	p2 =	por !p2, p0  }
0x20: {  	[sflag:s8] =	ssyncset.s32 @!p0 $0xFFFFF086;
	s6 =	sadd.s32 @!p0 s3, s7;
	s7 =	simm.s32 @!p0 $0x108  }
0x21: {  	s3 =	sadd.s32 s3, s9;
	s6 =	sadd.s32 @!p0 $0x88, s6;
	s7 =	simm.s32 @p2 $0x1082  }
0x22: {  	[simem:s7], [sflag:s8] =	dma.local @!p0 [hbm:s6], $0xF7A  }
0x23: {  	s9 =	sor.u32 $0xD0000000, s2;
	s6 =	simm.s32 $0x108;
	_ =	swait.ge @!p0 [sflag:s8], $0x0  }
0x24: {  	s3 =	sadd.s32 $0x88, s3;
	s6 =	simm.s32 @!p1 $0x1082;
	[sflag:s4] =	ssyncset.s32 $0xFFFFF086  }
0x25: {  	[simem:s6], [sflag:s4] =	dma.local [hbm:s3], $0xF7A  }
0x26: {  	[smem:$0x3F95] =	sst s1;
	(tag) =	ssettag s2;
	_ =	strace s9  }
0x27: {  	s1 =	sld [smem:$0x3FA5]  }
0x28: {  	s2 =	sld [smem:$0x3FA6]  }
0x29: {  	s4 =	sld [smem:$0x3FA8]  }
0x2a: {  	p0 =	seq.s32 s5, $0x0;
	s5 =	sld [smem:$0x3FA9]  }
0x2b: {  	s6 =	sld [smem:$0x3FAA]  }
0x2c: {  	s7 =	sld [smem:$0x3FAB]  }
0x2d: {  	s3 =	simm.s32 $0x108;
	s8 =	sld [smem:$0x3FAC]  }
0x2e: {  	s3 =	simm.s32 @!p0 $0x1082;
	s9 =	sld [smem:$0x3FAD]  }
0x2f: {  	lr =	sadd.s32 s0, s3;
	s0 =	sld [smem:$0x3FA4]  }
0x30: {  	s3 =	sld [smem:$0x3FA7]  }
0x31: {  	[smem:$0x3FB0] =	sst s10  }
0x32: {  	s10 =	sld [smem:$0x3FAE];
	_ =	sdelay $0x3  }
0x33: {  	p0 =	seq.s32 s10, $0x1;
	s10 =	sld [smem:$0x3FB0];
	_ =	sdelay $0x3  }
0x34: {  	[smem:$0x3FB0] =	sst s10  }
0x35: {  	s10 =	sld [smem:$0x3FAF];
	_ =	sdelay $0x3  }
0x36: {  	p1 =	seq.s32 s10, $0x1;
	s10 =	sld [smem:$0x3FB0];
	_ =	sdelay $0x3  }
0x37: {  	[smem:$0x3FB0] =	sst s10  }
0x38: {  	s10 =	sld [smem:$0x3FB1]  }
0x39: {  	_ = 	snop;
	(pc) =	sbr.ind lr, $3  }
0x3a: {  	_ = 	snop  }
0x3b: {  	_ = 	snop  }
0x3c: {  	p2 =	seq.s32 s10, $0x1;
	s10 =	sld [smem:$0x3FB0]  }
0x3d: {  	_ =	shalt  }
0x3e: {  	_ =	shalt  }
0x3f: {  	_ =	shalt  }
0x40: {  	_ =	shalt  }
0x41: {  	_ =	shalt  }
0x42: {  	_ =	shalt  }
0x43: {  	_ =	shalt  }
0x44: {  	_ =	shalt  }
0x45: {  	_ =	shalt  }
0x46: {  	_ =	shalt  }
0x47: {  	_ =	shalt  }
0x48: {  	_ =	shalt  }
0x49: {  	_ =	shalt  }
0x4a: {  	_ =	shalt  }
0x4b: {  	_ =	shalt  }
0x4c: {  	_ =	shalt  }
0x4d: {  	_ =	shalt  }
0x4e: {  	_ =	shalt  }
0x4f: {  	_ =	shalt  }
0x50: {  	_ =	shalt  }
0x51: {  	_ =	shalt  }
0x52: {  	_ =	shalt  }
0x53: {  	_ =	shalt  }
0x54: {  	_ =	shalt  }
0x55: {  	_ =	shalt  }
0x56: {  	_ =	shalt  }
0x57: {  	_ =	shalt  }
0x58: {  	_ =	shalt  }
0x59: {  	_ =	shalt  }
0x5a: {  	_ =	shalt  }
0x5b: {  	_ =	shalt  }
0x5c: {  	_ =	shalt  }
0x5d: {  	_ =	shalt  }
0x5e: {  	_ =	shalt  }
0x5f: {  	_ =	shalt  }
0x60: {  	_ =	shalt  }
0x61: {  	_ =	shalt  }
0x62: {  	_ =	shalt  }
0x63: {  	_ =	shalt  }
0x64: {  	_ =	shalt  }
0x65: {  	_ =	shalt  }
0x66: {  	_ =	shalt  }
0x67: {  	_ =	shalt  }
0x68: {  	_ =	shalt  }
0x69: {  	_ =	shalt  }
0x6a: {  	_ =	shalt  }
0x6b: {  	_ =	shalt  }
0x6c: {  	_ =	shalt  }
0x6d: {  	_ =	shalt  }
0x6e: {  	_ =	shalt  }
0x6f: {  	_ =	shalt  }
0x70: {  	_ =	shalt  }
0x71: {  	_ =	shalt  }
0x72: {  	_ =	shalt  }
0x73: {  	_ =	shalt  }
0x74: {  	_ =	shalt  }
0x75: {  	_ =	shalt  }
0x76: {  	_ =	shalt  }
0x77: {  	_ =	shalt  }
0x78: {  	_ =	shalt  }
0x79: {  	_ =	shalt  }
0x7a: {  	_ =	shalt  }
0x7b: {  	_ =	shalt  }
0x7c: {  	_ =	shalt  }
0x7d: {  	_ =	shalt  }
0x7e: {  	_ =	shalt  }
0x7f: {  	_ =	shalt  }
0x80: {  	_ =	shalt  }
0x81: {  	_ =	shalt  }
0x82: {  	_ =	shalt  }
0x83: {  	_ =	shalt  }
0x84: {  	_ =	shalt  }
0x85: {  	_ =	shalt  }
0x86: {  	_ =	shalt  }
0x87: {  	_ =	shalt  }
.Lfunc_end0:
.L_simem_size_0:
called_computation_lowered:
.L_overlay_start_0:
0x88: {  	s2 =	sld [smem:$0x3FD9]  }
0x89: {  	s3 =	sld [smem:$0x3FFE];
	_ =	sdelay $0x1  }
0x8a: {  	s1 =	srdreg.scid  }
0x8b: {  	s0 =	sand.u32 $0x1, s1  }
0x8c: {  	s17 =	sshll.u32 s0, $0xA;
	s2 =	sadd.s32 s3, s2  }
0x8d: {  	s2 =	sadd.s32 s2, s17  }
0x8e: {  	[smem:$0x3FBC] =	sst s2  }
0x8f: {  	_ = 	snop  }
0x90: {  	s2 =	sld [smem:$0x3FD0];
	(tm) =	ssettm $0x1  }
0x91: {  	s18 =	sld [smem:$0x3FFB];
	_ =	sdelay $0x3  }
0x92: {  	_ =	strace s18  }
0x93: {  	s3 =	sld [smem:$0x3FFC];
	_ =	sdelay $0x3  }
0x94: {  	_ =	strace s3  }
0x95: {  	s3 =	sld [smem:$0x3FFD];
	_ =	sdelay $0x3  }
0x96: {  	_ =	strace s3  }
0x97: {  	_ =	strace $0x8FFFFFFF  }
0x98: {  	s19 =	sld [smem:$0x3FDB];
	_ =	sdelay $0x1  }
0x99: {  	s4 =	simm.s32 $_scs_section_size  }
0x9a: {  	s5 =	simm.s32 $_size__tile_overlayer_lowered;
	s6 =	simm.s32 $_tile_overlayer_lowered  }
0x9b: {  	s22 =	simm.s32 $0x1BFF;
	s21 =	sshll.u32 s6, $0x1;
	s3 =	sadd.s32 s4, s19  }
0x9c: {  	s7 =	simm.s32 $0x0;
	s20 =	sshll.u32 s5, $0x1;
	s5 =	sadd.s32 s21, s3  }
0x9d: {  	[timem:s7], [sflag:s22] =	dma.local [hbm:s5], s20  }
0x9e: {  	_ =	swait.ge [sflag:s22], s20  }
0x9f: {  	s4 =	ssub.s32 $0x0, s20;
	[sflag:s22] =	ssyncset.done $0x0  }
0xa0: {  	[sflag:s22] =	ssyncadd.s32 s4;
	_ =	sdelay $0x1  }
0xa1: {  	s23 =	simm.s32 $0x1B8B  }
0xa2: {  	_ =	swait.ge [sflag:s23], $0x1  }
0xa3: {  	[sflag:s23] =	ssyncset.done $0x0  }
0xa4: {  	s25 =	simm.s32 $0x1B8E;
	s24 =	sld [smem:$0x3FFE];
	[sflag:s23] =	ssyncadd.s32 $0xFFFFFFFF  }
0xa5: {  	s26 =	simm.s32 $execute0_lowered;
	[smem:$0x3FD2] =	sst s25  }
0xa6: {  	s5 =	sshll.u32 s26, $0x1;
	_ =	strace $0x80000046;
	[dreg:$0x1] =	wrdreg $0xFFFFFFFF  }
0xa7: {  	s28 =	simm.s32 $_size_execute0_lowered;
	s3 =	sadd.s32 s3, s5;
	[dreg:$0x0] =	wrdreg $0x0  }
0xa8: {  	s5 =	sshll.u32 s28, $0x1;
	[dreg:$0x2] =	wrdreg s3  }
0xa9: {  	[dreg:$0x3] =	wrdreg s5  }
0xaa: {  	[dreg:$0x4] =	wrdreg $0xC0  }
0xab: {  	_ =	task [dreg:s7], $0x5FFFF  }
0xac: {  	[dreg:$0x1] =	wrdreg $0xFFFFFFFF  }
0xad: {  	[dreg:$0x0] =	wrdreg $0x60  }
0xae: {  	[dreg:$0x2] =	wrdreg s24  }
0xaf: {  	[dreg:$0x3] =	wrdreg s2  }
0xb0: {  	[dreg:$0x4] =	wrdreg $0x29400  }
0xb1: {  	[dreg:$0x5] =	wrdreg $0xCAA00  }
0xb2: {  	[dreg:$0x6] =	wrdreg $0x9  }
0xb3: {  	_ =	task.clear_ibuf [dreg:s7], $0x7FFFF;
	_ =	strace $0x90000046  }
0xb4: {  	s29 =	simm.s32 $0x9;
	_ =	strace $0x80000048  }
0xb5: {  	_ =	swait.ge [sflag:s29], $0x1  }
0xb6: {  	[sflag:s29] =	ssyncadd.s32 $0xFFFFFFFF  }
0xb7: {  	_ =	strace $0x90000048  }
0xb8: {  	_ =	sfence  }
0xb9: {  	s30 =	sld [smem:$0x0];
	_ =	sdelay $0x2  }
0xba: {  	s31 =	sshll.u32 s1, $0xD;
	s1 =	sshrl.u32 s1, $0x2  }
0xbb: {  	s3 =	sand.u32 $0x4000, s31;
	s1 =	sadd.s32 s1, s30  }
0xbc: {  	s0 =	sor.u32 s3, s0;
	s1 =	sshll.u32 s1, $0x11  }
0xbd: {  	s0 =	sor.u32 s1, s0  }
0xbe: {  	s0 =	sadd.s32 $0x8F2B, s0  }
0xbf: {  	[sflag:s0] =	ssyncadd.remote.s32 $0x1  }
0xc0: {  	_ =	sfence.sel $0xFFFF  }
0xc1: {  	[dreg:$0x0] =	wrdreg $0xFFFFFFFF;
	(pc) =	sbr.abs _section_cstart, $3  }
0xc2: {  	[dreg:$0x1] =	wrdreg $0xFFFFFFFF  }
0xc3: {  	_ =	task.clear_ibuf [dreg:s7], $0x2FFFF;
	_ =	strace $0x9FFFFFFF  }
0xc4: {  	(tm) =	ssettm $0x7FFFFFFF  }
0xc5: {  	_ =	shalt  }
tec
execute0_lowered:
.L_overlay_start_1:
0x0: {  	(tag) =	ssettag $0x1  }
0x1: {  	s0 =	rddreg [dreg:$0x0]  }
0x2: {  	s5 =	rddreg [dreg:$0x1]  }
0x3: {  	s1 =	rddreg [dreg:$0x2]  }
0x4: {  	s2 =	rddreg [dreg:$0x3];
	s20 =	stileid.u32  }
0x5: {  	s3 =	simm.s32 $0x0;
	s6 =	srdreg.scid;
	s9 =	smul.u32 $0x270, s20  }
0x6: {  	s28 =	simm.s32 $0x9;
	s30 =	simm.s32 $0x2;
	s12 =	smul.u32 $0x9C00, s20  }
0x7: {  	s31 =	simm.s32 $0x8;
	[smem:$0x7FF] =	sst s3;
	s16 =	smul.u32 $0x2700, s20  }
0x8: {  	s4 =	sadd.s32 $0x2A800, s0;
	s7 =	sand.u32 $0x1, s6;
	s26 =	smul.u32 $0x4E20, s20  }
0x9: {  	s6 =	sadd.s32 $0x16E00, s0;
	s10 =	sadd.s32 $0x3200, s0;
	s22 =	smul.u32 $0x9C4, s20  }
0xa: {  	s13 =	sadd.s32 $0x51A00, s0;
	p2 =	sne.s32 s20, $0x0;
	s15 =	smul.u32 $0x9C400, s7  }
0xb: {  	_ =	strace $0x80000047;
	s8 =	ssub.s32 $0x2, s7;
	s18 =	smul.u32 $0x27100, s7  }
0xc: {  	s19 =	smul.u32 $0x4E200, s7;
	p0 =	seq.s32 s7, $0x1;
	p1 =	seq.s32 s7, $0x0  }
0xd: {  	s11 =	sshrl.u32 s8, $0x1;
	s29 =	sadd.s32 s12, s1;
	s14 =	sadd.s32 $0xA0, s9  }
0xe: {  	s0 =	ssub.s32 s8, s11;
	s8 =	sadd.s32 $0x50, s9;
	s24 =	sshll.u32 s14, $0x6  }
0xf: {  	s12 =	sadd.s32 s12, s15;
	s15 =	sshrl.u32 s15, $0x3;
	s25 =	sadd.s32 s16, s18  }
0x10: {  	s18 =	sshrl.u32 s18, $0x3;
	s16 =	sadd.s32 s16, s2;
	[dreg:$0x5] =	wrdreg s29  }
0x11: {  	s23 =	sshll.u32 s8, $0x6;
	[dreg:$0x11] =	wrdreg s16;
	s0 =	smax.u32 s0, $0x1  }
0x12: {  	s12 =	sshrl.u32 s12, $0x3;
	s21 =	sadd.s32 s5, s18;
	[dreg:$0x1b] =	wrdreg s0  }
0x13: {  	s8 =	sshll.u32 s8, $0x4;
	s11 =	sadd.s32 s23, s1;
	[dreg:$0xa] =	wrdreg s21  }
0x14: {  	s12 =	sadd.s32 s13, s12;
	s13 =	sadd.s32 s13, s15;
	[dreg:$0x6] =	wrdreg s11  }
0x15: {  	s15 =	sshrl.u32 s26, $0x3;
	s8 =	sadd.s32 s8, s2;
	[dreg:$0x8] =	wrdreg s12  }
0x16: {  	s0 =	simm.s32 $0x4;
	s11 =	sadd.s32 s24, s1;
	[dreg:$0x12] =	wrdreg s8  }
0x17: {  	s12 =	sshrl.u32 s25, $0x3;
	s16 =	sadd.s32 $0x13800, s13;
	[dreg:$0x7] =	wrdreg s11  }
0x18: {  	s11 =	sadd.s32 $0xF0, s9;
	s12 =	sadd.s32 s5, s12;
	s5 =	sadd.s32 $0x140, s9  }
0x19: {  	[dreg:$0x1a] =	wrdreg s16;
	s16 =	simm.s32 $0x140;
	s17 =	sshll.u32 s11, $0x6  }
0x1a: {  	[dreg:$0x9] =	wrdreg s12;
	s12 =	sadd.s32 s26, s19;
	s19 =	sadd.s32 s10, s15  }
0x1b: {  	s15 =	sadd.s32 s22, s10;
	s24 =	sshll.u32 s5, $0x6;
	s10 =	sadd.s32 $0x1E0, s9  }
0x1c: {  	s11 =	sshll.u32 s11, $0x4;
	s5 =	sshll.u32 s5, $0x4;
	s23 =	sadd.s32 s17, s1  }
0x1d: {  	s7 =	sadd.s32 s24, s1;
	s26 =	sshll.u32 s10, $0x6;
	[dreg:$0xc] =	wrdreg s19  }
0x1e: {  	s24 =	sadd.s32 s11, s2;
	s5 =	sadd.s32 s5, s2;
	[dreg:$0xb] =	wrdreg s23  }
0x1f: {  	s11 =	sadd.s32 $0xF0, s12;
	[dreg:$0xd] =	wrdreg s7;
	s7 =	sadd.s32 $0x190, s9  }
0x20: {  	s9 =	sadd.s32 $0x230, s9;
	s18 =	sadd.s32 s26, s1;
	[dreg:$0x14] =	wrdreg s24  }
0x21: {  	s23 =	sshll.u32 s14, $0x4;
	[dreg:$0x15] =	wrdreg s5;
	s26 =	sshll.u32 s10, $0x4  }
0x22: {  	s10 =	sshrl.u32 s12, $0x3;
	s25 =	sshll.u32 s7, $0x6;
	[dreg:$0xf] =	wrdreg s18  }
0x23: {  	s22 =	sshll.u32 s9, $0x6;
	s8 =	sadd.s32 s23, s2;
	s9 =	sshll.u32 s9, $0x4  }
0x24: {  	s14 =	sadd.s32 s6, s10;
	s18 =	sadd.s32 $0xA0, s12;
	[dreg:$0x13] =	wrdreg s8  }
0x25: {  	s23 =	sadd.s32 $0x27000, s2;
	s12 =	simm.s32 $0xB;
	[dreg:$0x1c] =	wrdreg s18  }
0x26: {  	s10 =	simm.s32 $0xA;
	s17 =	sadd.s32 s25, s1;
	[dreg:$0x1e] =	wrdreg s23  }
0x27: {  	s25 =	sshll.u32 s7, $0x4;
	s8 =	sadd.s32 s26, s2;
	[dreg:$0x19] =	wrdreg s14  }
0x28: {  	s24 =	sadd.s32 $0xA, s14;
	s26 =	sadd.s32 $0x4E00, s21;
	[dreg:$0xe] =	wrdreg s17  }
0x29: {  	s14 =	simm.s32 $0xC5A0;
	s18 =	simm.s32 $0xA0;
	[dreg:$0x17] =	wrdreg s8  }
0x2a: {  	s21 =	simm.s32 $0x5;
	s23 =	simm.s32 $0x1540;
	[dreg:$0x1f] =	wrdreg s24  }
0x2b: {  	s17 =	sadd.s32 s22, s1;
	s5 =	sadd.s32 s25, s2;
	[smem:$0x7FD] =	sst s26  }
0x2c: {  	s22 =	sadd.s32 $0x9C000, s1;
	s25 =	sadd.s32 $0xA, s19;
	[dreg:$0x10] =	wrdreg s17  }
.Ltmp0:
0x2d: {  	s19 =	simm.s32 $0xF0;
	[dreg:$0x16] =	wrdreg s5;
	(pc) =	sbr.rel .LBB2_1-.Ltmp0, $4  }
0x2e: {  	s24 =	simm.s32 $0x1;
	s26 =	simm.s32 $0x3;
	[dreg:$0x1d] =	wrdreg s22  }
0x2f: {  	s5 =	sadd.s32 s9, s2;
	s17 =	sshrl.u32 s11, $0x3;
	[smem:$0x7FC] =	sst s25  }
0x30: {  	s22 =	simm.s32 $0x6;
	s25 =	simm.s32 $0x7;
	s11 =	simm.s32 $0x0  }
0x31: {  	v0 =	vimm.f32 $0.0e+00;
	v1 =	vimm.f32 $1.000000000e+00;
	[dreg:$0x18] =	wrdreg s5;
	s5 =	sadd.s32 s17, s6;
	s17 =	simm.s32 $0x50  }
.LBB2_17:
0x32: {  	_ =	swait.ge [sflag:s0], $0x1400  }
0x33: {  	[sflag:s0] =	ssyncset.done $0x0  }
0x34: {  	s7 =	simm.s32 @!p1 $0x9;
	[sflag:s0] =	ssyncadd.s32 $0xFFFFEC00  }
0x35: {  	_ =	swait.ge @!p1 [sflag:s7], $0x500  }
0x36: {  	[sflag:s7] =	ssyncset.done @!p1 $0x0  }
0x37: {  	[sflag:s7] =	ssyncadd.s32 @!p1 $0xFFFFFB00;
	s7 =	simm.s32 @!p1 $0xA  }
0x38: {  	_ =	swait.ge @!p1 [sflag:s7], $0x500  }
0x39: {  	[sflag:s7] =	ssyncset.done @!p1 $0x0  }
0x3a: {  	[sflag:s7] =	ssyncadd.s32 @!p1 $0xFFFFFB00  }
0x3b: {  	s13 =	stileid.u32;
	[bflag:$0x0] =	sbarrier.arrive $0xFFFF  }
0x3c: {  	s7 =	sshll.u32 s13, $0x6;
	s29 =	rddreg [dreg:$0x5]  }
0x3d: {  	s7 =	sor.u32 $0x1C0B, s7;
	s9 =	rddreg [dreg:$0x8];
	s8 =	sshrl.u32 s29, $0x3  }
0x3e: {  	[hbm:s9], [sflag:s7] =	dma.local [spmem:s8], $0x1380  }
0x3f: {  	_ =	swait.ge [sflag:s12], $0x1380  }
0x40: {  	[sflag:s12] =	ssyncset.done $0x0;
	s13 =	rddreg [dreg:$0x11]  }
0x41: {  	s9 =	rddreg [dreg:$0x9];
	[sflag:s12] =	ssyncadd.s32 $0xFFFFEC80;
	s8 =	sshrl.u32 @p2 s13, $0x3  }
0x42: {  	[hbm:s9], [sflag:s7] =	dma.local @p2 [spmem:s8], $0x4E0  }
0x43: {  	s8 =	simm.s32 @p2 $0xB  }
0x44: {  	_ =	swait.ge @p2 [sflag:s8], $0x4E0  }
0x45: {  	[sflag:s8] =	ssyncset.done @p2 $0x0  }
0x46: {  	[sflag:s8] =	ssyncadd.s32 @p2 $0xFFFFFB20;
	s8 =	rddreg [dreg:$0x1d]  }
0x47: {  	s9 =	rddreg [dreg:$0x1a];
	s8 =	sshrl.u32 @!p2 s8, $0x3  }
0x48: {  	[hbm:s9], [sflag:s7] =	dma.local @!p2 [spmem:s8], $0x80  }
0x49: {  	s8 =	simm.s32 @!p2 $0xB  }
0x4a: {  	_ =	swait.ge @!p2 [sflag:s8], $0x80  }
0x4b: {  	[sflag:s8] =	ssyncset.done @!p2 $0x0  }
0x4c: {  	s9 =	sshrl.u32 @!p2 s13, $0x3;
	s13 =	rddreg [dreg:$0xa];
	[sflag:s8] =	ssyncadd.s32 @!p2 $0xFFFFFF80  }
0x4d: {  	[hbm:s13], [sflag:s7] =	dma.local @!p2 [spmem:s9], $0x4E0  }
0x4e: {  	_ =	swait.ge @!p2 [sflag:s8], $0x4E0  }
0x4f: {  	s13 =	sld [smem:$0x7FD]  }
0x50: {  	[sflag:s8] =	ssyncset.done @!p2 $0x0;
	s9 =	rddreg [dreg:$0x1e]  }
0x51: {  	[sflag:s8] =	ssyncadd.s32 @!p2 $0xFFFFFB20;
	s9 =	sshrl.u32 @!p2 s9, $0x3  }
0x52: {  	[hbm:s13], [sflag:s7] =	dma.local @!p2 [spmem:s9], $0x20  }
0x53: {  	_ =	swait.ge @!p2 [sflag:s8], $0x20  }
0x54: {  	s11 =	sadd.s32 $0x1, s11;
	s20 =	rddreg [dreg:$0x1b]  }
0x55: {  	p3 =	sne.s32 s11, s20  }
.Ltmp1:
0x56: {  	_ = 	snop;
	(pc) =	sbr.rel @!p3 .LBB2_18-.Ltmp1, $3  }
0x57: {  	_ =	sdelay $0x1  }
0x58: {  	[sflag:s8] =	ssyncset.done @!p2 $0x0  }
0x59: {  	[sflag:s8] =	ssyncadd.s32 @!p2 $0xFFFFFFE0  }
.LBB2_1:
0x5a: {  	s8 =	simm.s32 $0x100;
	s7 =	simm.s32 $0x0  }
.LBB2_2:
0x5b: {  	p3 =	sne.s32 s8, $0x4F00;
	[tilespmem:s7+$0x170] =	vst v0;
	s13 =	smov.u32 s8;
	s8 =	sadd.s32 $0x100, s8  }
.Ltmp2:
0x5c: {  	[tilespmem:s7+$0x160] =	vst v0;
	(pc) =	sbr.rel @p3 .LBB2_2-.Ltmp2, $3  }
0x5d: {  	[tilespmem:s7+$0x140] =	vst v0  }
0x5e: {  	[tilespmem:s7+$0x150] =	vst v0;
	_ =	sdelay $0x1  }
0x5f: {  	s7 =	sshra.s32 s13, $0x2  }
0x60: {  	[tilespmem:s7+$0x170] =	vst v0  }
0x61: {  	[tilespmem:s7+$0x160] =	vst v0  }
0x62: {  	[tilespmem:s7+$0x140] =	vst v0  }
0x63: {  	[tilespmem:s7+$0x150] =	vst v0  }
0x64: {  	[spmem:s29] =	stream.linear.scatter [tilespmem:s16], [sflag:$0xB], $0x1400, $0x38;
	[tilespmem:$0xF1B8] =	vst v63  }
0x65: {  	_ =	swait.ge [sflag:s12], $0x1400  }
0x66: {  	[sflag:s12] =	ssyncset.done $0x0  }
0x67: {  	s20 =	rddreg [dreg:$0x6];
	[sflag:s12] =	ssyncadd.s32 $0xFFFFEC00  }
0x68: {  	[spmem:s20] =	stream.linear.scatter [tilespmem:s16], [sflag:$0xB], $0x1400, $0x38;
	[tilespmem:$0xF1B8] =	vst v63  }
0x69: {  	_ =	swait.ge [sflag:s12], $0x1400  }
0x6a: {  	[sflag:s12] =	ssyncset.done $0x0  }
0x6b: {  	s29 =	rddreg [dreg:$0x7];
	[sflag:s12] =	ssyncadd.s32 $0xFFFFEC00  }
0x6c: {  	[spmem:s29] =	stream.linear.scatter [tilespmem:s16], [sflag:$0xB], $0x1400, $0x38;
	[tilespmem:$0xF1B8] =	vst v63  }
0x6d: {  	_ =	swait.ge [sflag:s12], $0x1400  }
0x6e: {  	[sflag:s12] =	ssyncset.done $0x0  }
0x6f: {  	s8 =	rddreg [dreg:$0xb];
	[sflag:s12] =	ssyncadd.s32 $0xFFFFEC00  }
0x70: {  	[spmem:s8] =	stream.linear.scatter [tilespmem:s16], [sflag:$0xB], $0x1400, $0x38;
	[tilespmem:$0xF1B8] =	vst v63  }
0x71: {  	_ =	swait.ge [sflag:s12], $0x1400  }
0x72: {  	[sflag:s12] =	ssyncset.done $0x0  }
0x73: {  	s9 =	rddreg [dreg:$0xd];
	[sflag:s12] =	ssyncadd.s32 $0xFFFFEC00  }
0x74: {  	[spmem:s9] =	stream.linear.scatter [tilespmem:s16], [sflag:$0xB], $0x1400, $0x38;
	[tilespmem:$0xF1B8] =	vst v63  }
0x75: {  	_ =	swait.ge [sflag:s12], $0x1400  }
0x76: {  	[sflag:s12] =	ssyncset.done $0x0  }
0x77: {  	s13 =	rddreg [dreg:$0xe];
	[sflag:s12] =	ssyncadd.s32 $0xFFFFEC00  }
0x78: {  	[spmem:s13] =	stream.linear.scatter [tilespmem:s16], [sflag:$0xB], $0x1400, $0x38;
	[tilespmem:$0xF1B8] =	vst v63  }
0x79: {  	_ =	swait.ge [sflag:s12], $0x1400  }
0x7a: {  	[sflag:s12] =	ssyncset.done $0x0  }
0x7b: {  	s20 =	rddreg [dreg:$0xf];
	[sflag:s12] =	ssyncadd.s32 $0xFFFFEC00  }
0x7c: {  	[spmem:s20] =	stream.linear.scatter [tilespmem:s16], [sflag:$0xB], $0x1400, $0x38;
	[tilespmem:$0xF1B8] =	vst v63  }
0x7d: {  	_ =	swait.ge [sflag:s12], $0x1400  }
0x7e: {  	[sflag:s12] =	ssyncset.done $0x0  }
0x7f: {  	s29 =	rddreg [dreg:$0x10];
	[sflag:s12] =	ssyncadd.s32 $0xFFFFEC00  }
0x80: {  	[spmem:s29] =	stream.linear.scatter [tilespmem:s16], [sflag:$0xB], $0x1000, $0x38;
	[tilespmem:$0xF1B8] =	vst v63  }
0x81: {  	_ =	swait.ge [sflag:s12], $0x1000  }
0x82: {  	[sflag:s12] =	ssyncset.done $0x0  }
0x83: {  	s7 =	simm.s32 @!p2 $0x140;
	s8 =	rddreg [dreg:$0x1d];
	[sflag:s12] =	ssyncadd.s32 $0xFFFFF000  }
0x84: {  	[spmem:s8] =	stream.linear.scatter @!p2 [tilespmem:s7], [sflag:$0xB], $0x400, $0x38;
	[tilespmem:$0xF1B8] =	vst v63  }
0x85: {  	s7 =	simm.s32 @!p2 $0xB  }
0x86: {  	_ =	swait.ge @!p2 [sflag:s7], $0x400  }
0x87: {  	[sflag:s7] =	ssyncset.done @!p2 $0x0  }
0x88: {  	s8 =	simm.s32 $0x0;
	[sflag:s7] =	ssyncadd.s32 @!p2 $0xFFFFFC00;
	s7 =	simm.s32 $0x40  }
.LBB2_4:
0x89: {  	p3 =	sne.s32 s7, $0x13C0;
	[tilespmem:s8+$0xC5A0] =	vst v0;
	s8 =	smov.u32 s7;
	s7 =	sadd.s32 $0x40, s7  }
.Ltmp3:
0x8a: {  	(pc) =	sbr.rel @p3 .LBB2_4-.Ltmp3, $2  }
0x8b: {  	_ =	sdelay $0x2  }
0x8c: {  	s8 =	sshra.s32 s8, $0x2  }
0x8d: {  	[tilespmem:s8+$0xC5A0] =	vst v0;
	s7 =	rddreg [dreg:$0x11]  }
0x8e: {  	[spmem:s7] =	stream.linear.scatter [tilespmem:s14], [sflag:$0xB], $0x500, $0x38;
	[tilespmem:$0xF1B8] =	vst v63  }
0x8f: {  	_ =	swait.ge [sflag:s12], $0x500  }
0x90: {  	[sflag:s12] =	ssyncset.done $0x0  }
0x91: {  	s20 =	rddreg [dreg:$0x12];
	[sflag:s12] =	ssyncadd.s32 $0xFFFFFB00  }
0x92: {  	[spmem:s20] =	stream.linear.scatter [tilespmem:s14], [sflag:$0xB], $0x500, $0x38;
	[tilespmem:$0xF1B8] =	vst v63  }
0x93: {  	_ =	swait.ge [sflag:s12], $0x500  }
0x94: {  	[sflag:s12] =	ssyncset.done $0x0  }
0x95: {  	s29 =	rddreg [dreg:$0x13];
	[sflag:s12] =	ssyncadd.s32 $0xFFFFFB00  }
0x96: {  	[spmem:s29] =	stream.linear.scatter [tilespmem:s14], [sflag:$0xB], $0x500, $0x38;
	[tilespmem:$0xF1B8] =	vst v63  }
0x97: {  	_ =	swait.ge [sflag:s12], $0x500  }
0x98: {  	[sflag:s12] =	ssyncset.done $0x0  }
0x99: {  	s8 =	rddreg [dreg:$0x14];
	[sflag:s12] =	ssyncadd.s32 $0xFFFFFB00  }
0x9a: {  	[spmem:s8] =	stream.linear.scatter [tilespmem:s14], [sflag:$0xB], $0x500, $0x38;
	[tilespmem:$0xF1B8] =	vst v63  }
0x9b: {  	_ =	swait.ge [sflag:s12], $0x500  }
0x9c: {  	[sflag:s12] =	ssyncset.done $0x0  }
0x9d: {  	s9 =	rddreg [dreg:$0x15];
	[sflag:s12] =	ssyncadd.s32 $0xFFFFFB00  }
0x9e: {  	[spmem:s9] =	stream.linear.scatter [tilespmem:s14], [sflag:$0xB], $0x500, $0x38;
	[tilespmem:$0xF1B8] =	vst v63  }
0x9f: {  	_ =	swait.ge [sflag:s12], $0x500  }
0xa0: {  	[sflag:s12] =	ssyncset.done $0x0  }
0xa1: {  	s13 =	rddreg [dreg:$0x16];
	[sflag:s12] =	ssyncadd.s32 $0xFFFFFB00  }
0xa2: {  	[spmem:s13] =	stream.linear.scatter [tilespmem:s14], [sflag:$0xB], $0x500, $0x38;
	[tilespmem:$0xF1B8] =	vst v63  }
0xa3: {  	_ =	swait.ge [sflag:s12], $0x500  }
0xa4: {  	[sflag:s12] =	ssyncset.done $0x0  }
0xa5: {  	s20 =	rddreg [dreg:$0x17];
	[sflag:s12] =	ssyncadd.s32 $0xFFFFFB00  }
0xa6: {  	[spmem:s20] =	stream.linear.scatter [tilespmem:s14], [sflag:$0xB], $0x500, $0x38;
	[tilespmem:$0xF1B8] =	vst v63  }
0xa7: {  	_ =	swait.ge [sflag:s12], $0x500  }
0xa8: {  	[sflag:s12] =	ssyncset.done $0x0  }
0xa9: {  	s29 =	rddreg [dreg:$0x18];
	[sflag:s12] =	ssyncadd.s32 $0xFFFFFB00  }
0xaa: {  	[spmem:s29] =	stream.linear.scatter [tilespmem:s14], [sflag:$0xB], $0x400, $0x38;
	[tilespmem:$0xF1B8] =	vst v63  }
0xab: {  	_ =	swait.ge [sflag:s12], $0x400  }
0xac: {  	[sflag:s12] =	ssyncset.done $0x0  }
0xad: {  	s7 =	simm.s32 @!p2 $0xC5A0;
	s8 =	rddreg [dreg:$0x1e];
	[sflag:s12] =	ssyncadd.s32 $0xFFFFFC00  }
0xae: {  	[spmem:s8] =	stream.linear.scatter @!p2 [tilespmem:s7], [sflag:$0xB], $0x100, $0x38;
	[tilespmem:$0xF1B8] =	vst v63  }
0xaf: {  	s7 =	simm.s32 @!p2 $0xB  }
0xb0: {  	_ =	swait.ge @!p2 [sflag:s7], $0x100  }
0xb1: {  	[sflag:s7] =	ssyncset.done @!p2 $0x0  }
0xb2: {  	s8 =	simm.s32 $0x0;
	[sflag:s7] =	ssyncadd.s32 @!p2 $0xFFFFFF00;
	s7 =	simm.s32 $0x40  }
.LBB2_6:
0xb3: {  	p3 =	sne.s32 s7, $0x13C0;
	[tilespmem:s8+$0xC5A0] =	vst v1;
	s8 =	smov.u32 s7;
	s7 =	sadd.s32 $0x40, s7  }
.Ltmp4:
0xb4: {  	(pc) =	sbr.rel @p3 .LBB2_6-.Ltmp4, $2  }
0xb5: {  	_ =	sdelay $0x2  }
0xb6: {  	s8 =	sshra.s32 s8, $0x2  }
0xb7: {  	[tilespmem:s8+$0xC5A0] =	vst v1  }
0xb8: {  	[bflag:$0x0] =	sbarrier.arrive $0xFFFF  }
0xb9: {  	s7 =	rddreg [dreg:$0x19]  }
0xba: {  	s29 =	simm.s32 $0x0;
	s9 =	rddreg [dreg:$0x1f]  }
0xbb: {  	[tilespmem:s29], [sflag:$0x5] =	stream.linear.gather [hbm4b:s7+s29], $0x50, $0x38;
	[tilespmem:$0xF1B8] =	vst v63  }
0xbc: {  	s13 =	rddreg [dreg:$0xc]  }
0xbd: {  	[tilespmem:s17], [sflag:$0x6] =	stream.linear.gather [hbm4b:s9+s29], $0x50, $0x38;
	[tilespmem:$0xF1B8] =	vst v63  }
0xbe: {  	s20 =	sld [smem:$0x7FC]  }
0xbf: {  	[tilespmem:s18], [sflag:$0x7] =	stream.linear.gather [hbm4b:s13+s29], $0x50, $0x38;
	[tilespmem:$0xF1B8] =	vst v63  }
0xc0: {  	_ = 	snop  }
0xc1: {  	[tilespmem:s19], [sflag:$0x8] =	stream.linear.gather [hbm4b:s20+s29], $0x50, $0x38;
	[tilespmem:$0xF1B8] =	vst v63  }
.Ltmp5:
0xc2: {  	_ = 	snop;
	(pc) =	sbr.rel .LBB2_8-.Ltmp5, $4  }
0xc3: {  	_ =	swait.ge [sflag:s21], $0x50  }
0xc4: {  	s8 =	simm.s32 $0x0;
	[sflag:s21] =	ssyncset.done $0x0  }
0xc5: {  	s13 =	simm.s32 $0x1;
	s7 =	rddreg [dreg:$0x1c];
	[sflag:s21] =	ssyncadd.s32 $0xFFFFFFB0  }
0xc6: {  	[tilespmem:s16], [sflag:$0x1] =	stream.indirect.gather [hbm4b:s4+s17], $0x40, s29, s17, $0xb8;
	[tilespmem:$0xF1B8] =	vst v63  }
.LBB2_15:
0xc7: {  	_ =	swait.ge [sflag:s30], $0x1400  }
0xc8: {  	[sflag:s30] =	ssyncset.done $0x0  }
0xc9: {  	[sflag:s30] =	ssyncadd.s32 $0xFFFFEC00  }
.LBB2_16:
0xca: {  	_ =	swait.ge [sflag:s31], $0x50;
	p3 =	slt.u32 s13, $0x7D;
	p4 =	sgt.u32 s8, $0x3D  }
0xcb: {  	[sflag:s31] =	ssyncset.done $0x0;
	p3 =	por !p1, !p3;
	p4 =	por !p4, !p0  }
0xcc: {  	[sflag:s31] =	ssyncadd.s32 $0xFFFFFFB0;
	p3 =	por !p3, !p3;
	p4 =	por !p4, !p4  }
0xcd: {  	[spmem:s1] =	stream.indirect.scatter.add.f32 [tilespmem:s23], [sflag:$0x4], $0x40, s19, s17, $0xb8;
	[tilespmem:$0xF1B8] =	vst v63  }
0xce: {  	s29 =	sadd.s32 $0x14, s29;
	p3 =	por p4, p3  }
0xcf: {  	[spmem:s2] =	stream.indirect.scatter.add.f32 @p3 [tilespmem:s14], [sflag:$0xA], $0x10, s19, s17, $0xb8;
	[tilespmem:$0xF1B8] =	vst v63  }
0xd0: {  	p3 =	sne.s32 s29, $0x9C4  }
.Ltmp6:
0xd1: {  	_ = 	snop;
	(pc) =	sbr.rel @!p3 .LBB2_17-.Ltmp6, $2  }
0xd2: {  	_ =	sdelay $0x2  }
0xd3: {  	s8 =	sadd.s32 $0x1, s8;
	s7 =	sadd.s32 $0xA0, s7;
	s13 =	sadd.s32 $0x2, s13  }
.LBB2_8:
0xd4: {  	p3 =	seq.s32 s29, $0x0  }
.Ltmp7:
0xd5: {  	_ = 	snop;
	(pc) =	sbr.rel @p3 .LBB2_10-.Ltmp7, $1  }
0xd6: {  	_ =	sdelay $0x3  }
0xd7: {  	p3 =	slt.u32 s8, $0x3F;
	p4 =	sgt.u32 s8, $0x3E  }
0xd8: {  	_ =	swait.ge [sflag:s0], $0x1400;
	p3 =	por !p1, !p3;
	p4 =	por !p4, !p0  }
0xd9: {  	[sflag:s0] =	ssyncset.done $0x0;
	p3 =	por !p3, !p3;
	p4 =	por !p4, !p4  }
0xda: {  	[sflag:s0] =	ssyncadd.s32 $0xFFFFEC00;
	p3 =	por p3, p4  }
0xdb: {  	_ =	swait.ge @p3 [sflag:s10], $0x500  }
0xdc: {  	s9 =	sadd.s32 s29, s15;
	[sflag:s10] =	ssyncset.done @p3 $0x0  }
0xdd: {  	s9 =	sadd.s32 $0xA, s9;
	[sflag:s10] =	ssyncadd.s32 @p3 $0xFFFFFB00  }
0xde: {  	[tilespmem:s19], [sflag:$0x8] =	stream.linear.gather [hbm4b:s9+s3], $0x50, $0x38;
	[tilespmem:$0xF1B8] =	vst v63  }
.LBB2_10:
0xdf: {  	_ =	swait.ge [sflag:s22], $0x50;
	p3 =	seq.s32 s29, $0x9B0  }
0xe0: {  	p4 =	slt.u32 s8, $0x3F;
	p5 =	sgt.u32 s8, $0x3E;
	[sflag:s22] =	ssyncset.done $0x0  }
0xe1: {  	s9 =	sshrl.u32 @!p3 s7, $0x3;
	s20 =	simm.s32 @!p3 $0x0;
	[sflag:s22] =	ssyncadd.s32 $0xFFFFFFB0  }
0xe2: {  	[tilespmem:s23], [sflag:$0x2] =	stream.indirect.gather [hbm4b:s4+s17], $0x40, s17, s17, $0xb8;
	[tilespmem:$0xF1B8] =	vst v63  }
0xe3: {  	p4 =	por !p1, !p4;
	p5 =	por !p5, !p0;
	_ =	swait.ge [sflag:s24], $0x1400  }
0xe4: {  	p4 =	por !p4, !p4;
	p5 =	por !p5, !p5;
	[sflag:s24] =	ssyncset.done $0x0  }
0xe5: {  	s9 =	sadd.s32 @!p3 s6, s9;
	p4 =	por p4, p5;
	[sflag:s24] =	ssyncadd.s32 $0xFFFFEC00  }
0xe6: {  	[tilespmem:s20], [sflag:$0x5] =	stream.linear.gather @!p3 [hbm4b:s9+s20], $0x50, $0x38;
	[tilespmem:$0xF1B8] =	vst v63  }
.Ltmp8:
0xe7: {  	_ = 	snop;
	(pc) =	sbr.rel @p4 .LBB2_11-.Ltmp8, $4  }
0xe8: {  	_ =	swait.ge [sflag:s25], $0x50  }
0xe9: {  	[sflag:s25] =	ssyncset.done $0x0  }
0xea: {  	[sflag:s25] =	ssyncadd.s32 $0xFFFFFFB0  }
0xeb: {  	[spmem:s1] =	stream.indirect.scatter.add.f32 [tilespmem:s16], [sflag:$0x3], $0x40, s18, s17, $0xb8;
	[tilespmem:$0xF1B8] =	vst v63  }
.Ltmp9:
0xec: {  	(pc) =	sbr.rel @!p3 .LBB2_13-.Ltmp9, $4  }
.Ltmp10:
0xed: {  	(pc) =	sbr.rel @p3 .LBB2_15-.Ltmp10, $4  }
0xee: {  	_ =	swait.ge [sflag:s26], $0x1400  }
0xef: {  	[sflag:s26] =	ssyncset.done $0x0  }
0xf0: {  	[sflag:s26] =	ssyncadd.s32 $0xFFFFEC00  }
0xf1: {  	_ = 	snop  }
.LBB2_11:
.Ltmp11:
0xf2: {  	(pc) =	sbr.rel @p3 .LBB2_15-.Ltmp11, $4  }
0xf3: {  	[spmem:s2] =	stream.indirect.scatter.add.f32 [tilespmem:s14], [sflag:$0x9], $0x10, s18, s17, $0xb8;
	[tilespmem:$0xF1B8] =	vst v63  }
0xf4: {  	_ =	swait.ge [sflag:s26], $0x1400  }
0xf5: {  	[sflag:s26] =	ssyncset.done $0x0  }
0xf6: {  	[sflag:s26] =	ssyncadd.s32 $0xFFFFEC00  }
0xf7: {  	_ =	swait.ge [sflag:s28], $0x500  }
0xf8: {  	[sflag:s28] =	ssyncset.done $0x0  }
0xf9: {  	[sflag:s28] =	ssyncadd.s32 $0xFFFFFB00  }
.LBB2_13:
0xfa: {  	s9 =	sadd.s32 s29, s15  }
0xfb: {  	s9 =	sadd.s32 $0x14, s9  }
0xfc: {  	[tilespmem:s18], [sflag:$0x7] =	stream.linear.gather [hbm4b:s9+s3], $0x50, $0x38;
	[tilespmem:$0xF1B8] =	vst v63  }
0xfd: {  	_ =	swait.ge [sflag:s21], $0x50  }
0xfe: {  	[sflag:s21] =	ssyncset.done $0x0  }
0xff: {  	[sflag:s21] =	ssyncadd.s32 $0xFFFFFFB0  }
0x100: {  	[tilespmem:s16], [sflag:$0x1] =	stream.indirect.gather [hbm4b:s4+s17], $0x40, s3, s17, $0xb8;
	[tilespmem:$0xF1B8] =	vst v63  }
.Ltmp12:
0x101: {  	_ = 	snop;
	(pc) =	sbr.rel .LBB2_16-.Ltmp12, $4  }
0x102: {  	_ =	swait.ge [sflag:s30], $0x1400  }
0x103: {  	[sflag:s30] =	ssyncset.done $0x0  }
0x104: {  	s20 =	sadd.s32 s29, s5;
	[sflag:s30] =	ssyncadd.s32 $0xFFFFEC00  }
0x105: {  	[tilespmem:s17], [sflag:$0x6] =	stream.linear.gather [hbm4b:s20+s3], $0x50, $0x38;
	[tilespmem:$0xF1B8] =	vst v63  }
.LBB2_18:
0x106: {  	_ =	sfence.sel $0x180000  }
0x107: {  	[bflag:$0x0] =	sbarrier.arrive $0xFFFF  }
0x108: {  	_ =	strace $0x90000047  }
0x109: {  	[bflag:$0x2] =	sbarrier.arrive $0xFFFF  }
0x10a: {  	s0 =	rddreg [dreg:$0x4]  }
0x10b: {  	s0 =	sadd.s32 @!p2 $0x100000, s0  }
0x10c: {  	[sflag:s0] =	ssyncadd.tile.s32 @!p2 $0x1;
	_ =	shalt  }
.Lfunc_end2:
_tile_overlayer_lowered:
.L_overlay_start_2:
0x10d: {  	(tag) =	ssettag $0x2  }
0x10e: {  	s0 =	rddreg [dreg:$0x0];
	s2 =	stileid.u32  }
0x10f: {  	s1 =	rddreg [dreg:$0x1];
	p0 =	sne.s32 s2, $0x0  }
0x110: {  	s3 =	rddreg [dreg:$0x2];
	[bflag:$0x3] =	sbarrier.arrive $0xFFFF;
	s2 =	simm.s32 @!p0 $0x1C0B  }
0x111: {  	[timem:s3], [sflag:s2] =	dma.local @!p0 [hbm:s0], s1  }
0x112: {  	s0 =	simm.s32 @!p0 $0xB  }
0x113: {  	_ =	swait.ge @!p0 [sflag:s0], s1  }
0x114: {  	s1 =	ssub.s32 @!p0 $0x0, s1;
	[sflag:s0] =	ssyncset.done @!p0 $0x0  }
0x115: {  	[sflag:s0] =	ssyncadd.s32 @!p0 s1  }
0x116: {  	[bflag:$0x3] =	sbarrier.arrive $0xFFFF  }
0x117: {  	_ =	shalt  }

</sc_bundles>
